<compile_context>
chip_gen: v7x
topology: tpu7x:2x2x1
jax: 0.10.2.dev20260603
libtpu: 0.0.44.dev20260713+nightly
codegen_flags: <defaults>
</compile_context>

<pallas_src>
import jax
import jax.numpy as jnp
from jax import lax
from jax.experimental import pallas as pl
from jax.experimental.pallas import tpu as pltpu
from jax.experimental.pallas import tpu_sc as plsc

N = 1024
E = 16384
FDIM = 128
JACOBI = 3

_NC, _NS = 2, 16
_EPT = E // _NS
_CHUNKS = _EPT // 128
_HALF = (N * N) // _NC
_WPT = _HALF // _NS
_ZBUF = 8192
_DUMP = _HALF


def _sc_scatter_kernel(adjf_hbm, vals_hbm, a_hbm,
                       rows_v, cols_v, vals_v, idx_v, zb_v, acc_sh,
                       sem_rc, sem_v, sem_z):
    cid = lax.axis_index("c")
    sid = lax.axis_index("s")
    base = sid * _EPT

    c_r = pltpu.async_copy(adjf_hbm.at[pl.ds(base, _EPT)], rows_v, sem_rc)
    c_c = pltpu.async_copy(adjf_hbm.at[pl.ds(E + base, _EPT)], cols_v, sem_rc)
    c_v = pltpu.async_copy(vals_hbm.at[pl.ds(base, _EPT)], vals_v, sem_v)

    zeros16 = jnp.zeros((16,), jnp.float32)

    def _zfill(i, carry):
        zb_v[pl.ds(i * 16, 16)] = zeros16
        return carry

    lax.fori_loop(0, _ZBUF // 16, _zfill, 0)
    zcs = [pltpu.async_copy(
        zb_v, acc_sh.at[pl.ds(sid * _WPT + j * _ZBUF, _ZBUF)], sem_z)
        for j in range(_WPT // _ZBUF)]

    c_r.wait()
    c_c.wait()
    row_lo = cid * (N // _NC)
    for j in range(_CHUNKS):
        for k in range(128 // 16):
            e = j * 128 + k * 16
            r = rows_v[pl.ds(e, 16)] - row_lo
            c = cols_v[pl.ds(e, 16)]
            flat = r * N + c
            ok = (r >= 0) & (r < (N // _NC))
            idx_v[j, pl.ds(k * 16, 16)] = jnp.where(ok, flat, _DUMP + sid * 16)

    c_v.wait()
    for z in zcs:
        z.wait()

    plsc.subcore_barrier()

    scs = [pltpu.async_copy(vals_v.at[pl.ds(j * 128, 128)],
                            acc_sh.at[idx_v.at[j]], sem_v, add=True)
           for j in range(_CHUNKS)]
    for s in scs:
        s.wait()

    plsc.subcore_barrier()

    pltpu.sync_copy(acc_sh.at[pl.ds(sid * _WPT, _WPT)],
                    a_hbm.at[pl.ds(cid * _HALF + sid * _WPT, _WPT)])


def _build_adjacency(adj_flat, vals):
    mesh = plsc.VectorSubcoreMesh(core_axis_name="c", subcore_axis_name="s")
    fn = pl.kernel(
        _sc_scatter_kernel,
        mesh=mesh,
        out_type=jax.ShapeDtypeStruct((N * N,), jnp.float32),
        scratch_types=[
            pltpu.VMEM((_EPT,), jnp.int32),
            pltpu.VMEM((_EPT,), jnp.int32),
            pltpu.VMEM((_EPT,), jnp.float32),
            pltpu.VMEM((_CHUNKS, 128), jnp.int32),
            pltpu.VMEM((_ZBUF,), jnp.float32),
            pltpu.VMEM_SHARED((_HALF + 16 * _NS,), jnp.float32),
            pltpu.SemaphoreType.DMA,
            pltpu.SemaphoreType.DMA,
            pltpu.SemaphoreType.DMA,
        ],
    )
    return fn(adj_flat, vals)




def _tc_kernel(h_ref, a_hbm, x_ref, w0_ref, wr_ref, wi_ref, o_ref,
               a_vmem, a_sem):
    h = h_ref[0]
    x = x_ref[:]

    cp = pltpu.make_async_copy(a_hbm.reshape(N, N), a_vmem, a_sem)
    cp.start()

    wcat = jnp.concatenate(
        [w0_ref[:], wr_ref[1], wi_ref[1], wr_ref[0], wi_ref[0]], axis=1)
    p = jnp.dot(x, wcat, preferred_element_type=jnp.float32)

    cp.wait()
    A = a_vmem[:]

    dr = h * (1.0 - jnp.sum(A, axis=1))
    denom = dr * dr + 1.0
    ar = (dr / denom)[:, None]
    ai = (-1.0 / denom)[:, None]

    def S(u):
        return h * (u - jnp.dot(A, u, preferred_element_type=jnp.float32))

    def m_apply(v):
        sv = S(v)
        vr, vi = v[:, :FDIM], v[:, FDIM:]
        xr = sv[:, :FDIM] + vi
        xi = sv[:, FDIM:] - vr
        yr, yi = xr, xi
        for _ in range(JACOBI):
            t = S(jnp.concatenate([yr, yi], axis=1))
            rr = xr - (t[:, :FDIM] - yi)
            ri = xi - (t[:, FDIM:] + yr)
            yr = yr + ar * rr - ai * ri
            yi = yi + ar * ri + ai * rr
        return yr, yi

    p0 = p[:, :FDIM]
    zr, zi = m_apply(p[:, FDIM:3 * FDIM])
    yr, _ = m_apply(
        jnp.concatenate([p[:, 3 * FDIM:4 * FDIM] + zr,
                         p[:, 4 * FDIM:] + zi], axis=1))
    o_ref[:] = jnp.maximum(p0 + 2.0 * yr, 0.0)


def _dense_cayley(h, a_flat, x, w0, wr, wi):
    vspec = pl.BlockSpec(memory_space=pltpu.VMEM)
    return pl.pallas_call(
        _tc_kernel,
        out_shape=jax.ShapeDtypeStruct((N, FDIM), jnp.float32),
        in_specs=[pl.BlockSpec(memory_space=pltpu.SMEM),
                  pl.BlockSpec(memory_space=pl.ANY),
                  vspec, vspec, vspec, vspec],
        out_specs=vspec,
        scratch_shapes=[pltpu.VMEM((N, N), jnp.float32),
                        pltpu.SemaphoreType.DMA],
    )(h, a_flat, x, w0, wr, wi)


def kernel(x, adj_indices, adj_values, h, W0, W_real, W_imag):
    adj_flat = adj_indices.astype(jnp.int32).reshape(2 * E)
    vals = adj_values.astype(jnp.float32)
    a_flat = _build_adjacency(adj_flat, vals).reshape(N * N // 128, 128)
    h_arr = jnp.asarray(h, jnp.float32).reshape(1)
    return _dense_cayley(h_arr, a_flat, x, W0, W_real, W_imag)

# --- scband reference (transcript-rebuilt; emitter-appended) ---
"""Pipeline reference for scband-cayley-convolution-76699525972255 (READ-ONLY COPY).

The authoritative reference and input builder live on the scoring server;
editing this copy changes nothing except your own understanding.
"""

import jax, jax.numpy as jnp
import numpy as np

N = 1024
E = 16384
IN_DIM = 128
OUT_DIM = 128
ORDER = 2
JACOBI = 3


def _glorot(key, shape):
    lim = float(np.sqrt(6.0 / (shape[0] + shape[1])))
    return jax.random.uniform(key, shape, jnp.float32, -lim, lim)


def setup_inputs(seed: int = 0):
    key = jax.random.key(seed)
    k = jax.random.split(key, 7)
    x = jax.random.normal(k[0], (N, IN_DIM), dtype=jnp.float32)
    adj_indices = jax.random.randint(k[1], (2, E), 0, N)
    adj_values = jax.random.uniform(k[2], (E,), dtype=jnp.float32) / 16.0
    h = jnp.asarray(1.0, dtype=jnp.float32)
    W0 = _glorot(k[3], (IN_DIM, OUT_DIM))
    W_real = jnp.stack([_glorot(jax.random.fold_in(k[4], i), (IN_DIM, OUT_DIM)) for i in range(ORDER)])
    W_imag = jnp.stack([_glorot(jax.random.fold_in(k[5], i), (IN_DIM, OUT_DIM)) for i in range(ORDER)])
    return {"x": x, "adj_indices": adj_indices, "adj_values": adj_values,
            "h": h, "W0": W0, "W_real": W_real, "W_imag": W_imag}


def _forward(x, adj_values, h, W0, W_real, W_imag, adj_indices):
    n = x.shape[0]
    # normalized adjacency materialized from COO (scatter-add)
    A = jnp.zeros((n, n), jnp.float32).at[adj_indices[0], adj_indices[1]].add(adj_values)
    # laplacian = I - A, spectral zoom h
    L = jnp.eye(n, dtype=jnp.float32) - A
    hL = (h * L).astype(jnp.complex64)
    I_c = jnp.eye(n, dtype=jnp.complex64)
    support = [I_c]
    prev = I_c
    for _j in range(1, ORDER + 1):
        # x = hL @ prev - i * prev
        Xc = hL @ prev - 1j * prev
        y = Xc
        for _ in range(JACOBI):
            diag = jnp.sum(hL, axis=1) + 1j
            diag_inv = 1.0 / diag
            residual = Xc - (hL @ y + 1j * y)
            y = y + diag_inv[:, None] * residual
        support.append(y)
        prev = y
    # order-0 term (dropout rate is 0.0 -> identity)
    pre0 = (x @ W0).astype(jnp.complex64)
    out = jnp.real(support[0] @ pre0).astype(jnp.float32)
    csum = jnp.zeros((n, OUT_DIM), dtype=jnp.complex64)
    xc = x.astype(jnp.complex64)
    for i in range(1, ORDER + 1):
        W = W_real[i - 1] + 1j * W_imag[i - 1]
        pre = xc @ W
        csum = csum + support[i] @ pre
    out = out + 2.0 * jnp.real(csum).astype(jnp.float32)
    return jax.nn.relu(out)


def reference(x, adj_indices, adj_values, h, W0, W_real, W_imag):
    return _forward(x, adj_values, h, W0, W_real, W_imag, adj_indices)

if __name__ == "__main__":
    import jax
    _d = setup_inputs()
    print(jax.jit(kernel)(*tuple(_d.values())))

</pallas_src>

<mosaic_0001>
#map = affine_map<(d0, d1) -> (0)>
module attributes {stable_mosaic.version = 14 : i64} {
  func.func @_sc_scatter_kernel(%arg0: i32, %arg1: i32, %arg2: memref<32768xi32, #tpu.memory_space<hbm>>, %arg3: memref<16384xf32, #tpu.memory_space<hbm>>, %arg4: memref<1048576xf32, #tpu.memory_space<hbm>>, %arg5: memref<1024xi32, #tpu.memory_space<vmem>>, %arg6: memref<1024xi32, #tpu.memory_space<vmem>>, %arg7: memref<1024xf32, #tpu.memory_space<vmem>>, %arg8: memref<8x128xi32, #tpu.memory_space<vmem>>, %arg9: memref<8192xf32, #tpu.memory_space<vmem>>, %arg10: memref<524544xf32, #tpu.memory_space<vmem_shared>>, %arg11: memref<!tpu.dma_semaphore, #tpu.memory_space<semaphore_mem>>, %arg12: memref<!tpu.dma_semaphore, #tpu.memory_space<semaphore_mem>>, %arg13: memref<!tpu.dma_semaphore, #tpu.memory_space<semaphore_mem>>) attributes {dimension_semantics = [#tpu.dimension_semantics<core_parallel>, #tpu.dimension_semantics<subcore_parallel>], iteration_bounds = array<i64: 2, 16>, scalar_prefetch = 0 : i64, scratch_operands = 9 : i64, tpu.core_type = #tpu.core_type<sc_vector_subcore>, window_params = [{transform_indices = #map}, {transform_indices = #map}, {transform_indices = #map}]} {
    %mul3A = arith.constant 1024 : i32
    %mul3A_0 = arith.muli %arg1, %mul3A : i32
    %dma_start3A = tpu.memref_slice %arg2[%mul3A_0] : memref<32768xi32, #tpu.memory_space<hbm>> -> memref<1024xi32, #tpu.memory_space<hbm>>
    %dma_start3A_1 = tpu.memref_slice %arg2[%mul3A_0] : memref<32768xi32, #tpu.memory_space<hbm>> -> memref<1024xi32, #tpu.memory_space<hbm>>
    tpu.enqueue_dma source(%dma_start3A_1 : memref<1024xi32, #tpu.memory_space<hbm>>) target(%arg5 : memref<1024xi32, #tpu.memory_space<vmem>>) target_semaphore(%arg11 : memref<!tpu.dma_semaphore, #tpu.memory_space<semaphore_mem>>)
    %add3A = arith.constant 16384 : i32
    %add3A_2 = arith.addi %add3A, %mul3A_0 : i32
    %dma_start3A_3 = tpu.memref_slice %arg2[%add3A_2] : memref<32768xi32, #tpu.memory_space<hbm>> -> memref<1024xi32, #tpu.memory_space<hbm>>
    %dma_start3A_4 = tpu.memref_slice %arg2[%add3A_2] : memref<32768xi32, #tpu.memory_space<hbm>> -> memref<1024xi32, #tpu.memory_space<hbm>>
    tpu.enqueue_dma source(%dma_start3A_4 : memref<1024xi32, #tpu.memory_space<hbm>>) target(%arg6 : memref<1024xi32, #tpu.memory_space<vmem>>) target_semaphore(%arg11 : memref<!tpu.dma_semaphore, #tpu.memory_space<semaphore_mem>>)
    %dma_start3A_5 = tpu.memref_slice %arg3[%mul3A_0] : memref<16384xf32, #tpu.memory_space<hbm>> -> memref<1024xf32, #tpu.memory_space<hbm>>
    %dma_start3A_6 = tpu.memref_slice %arg3[%mul3A_0] : memref<16384xf32, #tpu.memory_space<hbm>> -> memref<1024xf32, #tpu.memory_space<hbm>>
    tpu.enqueue_dma source(%dma_start3A_6 : memref<1024xf32, #tpu.memory_space<hbm>>) target(%arg7 : memref<1024xf32, #tpu.memory_space<vmem>>) target_semaphore(%arg12 : memref<!tpu.dma_semaphore, #tpu.memory_space<semaphore_mem>>)
    %broadcast_in_dim3A = arith.constant 0.000000e+00 : f32
    %broadcast_in_dim3A_7 = vector.broadcast %broadcast_in_dim3A : f32 to vector<16xf32>
    %scan3A = arith.constant 0 : i32
    %scan3A_8 = arith.constant 0 : i32
    %scan3A_9 = arith.constant 512 : i32
    %scan3A_10 = arith.addi %scan3A_8, %scan3A_9 : i32
    %scan3A_11 = arith.constant 1 : i32
    scf.for %scan3A_2165 = %scan3A_8 to %scan3A_10 step %scan3A_11  : i32 {
      %mul3A_2166 = arith.constant 16 : i32
      %mul3A_2167 = arith.muli %scan3A_2165, %mul3A_2166 : i32
      %swap3A_2168 = arith.index_cast %mul3A_2167 : i32 to index
      %swap3A_2169 = tpu.vector_load %arg9[%swap3A_2168] {strides = array<i32>} : memref<8192xf32, #tpu.memory_space<vmem>>, vector<16xf32>,
      %swap3A_2170 = vector.shape_cast %swap3A_2169 : vector<16xf32> to vector<16xf32>
      %swap3A_2171 = vector.shape_cast %broadcast_in_dim3A_7 : vector<16xf32> to vector<16xf32>
      tpu.vector_store %arg9[%swap3A_2168], %swap3A_2171 {strides = array<i32>} : memref<8192xf32, #tpu.memory_space<vmem>>, vector<16xf32>,
    }
    %scan3A_12 = arith.constant 512 : i32
    %mul3A_13 = arith.constant 32768 : i32
    %mul3A_14 = arith.muli %arg1, %mul3A_13 : i32
    %add3A_15 = arith.constant 0 : i32
    %add3A_16 = arith.addi %mul3A_14, %add3A_15 : i32
    %dma_start3A_17 = tpu.memref_slice %arg10[%add3A_16] : memref<524544xf32, #tpu.memory_space<vmem_shared>> -> memref<8192xf32, #tpu.memory_space<vmem_shared>>
    %dma_start3A_18 = tpu.memref_slice %arg10[%add3A_16] : memref<524544xf32, #tpu.memory_space<vmem_shared>> -> memref<8192xf32, #tpu.memory_space<vmem_shared>>
    tpu.enqueue_dma source(%arg9 : memref<8192xf32, #tpu.memory_space<vmem>>) target(%dma_start3A_18 : memref<8192xf32, #tpu.memory_space<vmem_shared>>) target_semaphore(%arg13 : memref<!tpu.dma_semaphore, #tpu.memory_space<semaphore_mem>>)
    %mul3A_19 = arith.constant 32768 : i32
    %mul3A_20 = arith.muli %arg1, %mul3A_19 : i32
    %add3A_21 = arith.constant 8192 : i32
    %add3A_22 = arith.addi %mul3A_20, %add3A_21 : i32
    %dma_start3A_23 = tpu.memref_slice %arg10[%add3A_22] : memref<524544xf32, #tpu.memory_space<vmem_shared>> -> memref<8192xf32, #tpu.memory_space<vmem_shared>>
    %dma_start3A_24 = tpu.memref_slice %arg10[%add3A_22] : memref<524544xf32, #tpu.memory_space<vmem_shared>> -> memref<8192xf32, #tpu.memory_space<vmem_shared>>
    tpu.enqueue_dma source(%arg9 : memref<8192xf32, #tpu.memory_space<vmem>>) target(%dma_start3A_24 : memref<8192xf32, #tpu.memory_space<vmem_shared>>) target_semaphore(%arg13 : memref<!tpu.dma_semaphore, #tpu.memory_space<semaphore_mem>>)
    %mul3A_25 = arith.constant 32768 : i32
    %mul3A_26 = arith.muli %arg1, %mul3A_25 : i32
    %add3A_27 = arith.constant 16384 : i32
    %add3A_28 = arith.addi %mul3A_26, %add3A_27 : i32
    %dma_start3A_29 = tpu.memref_slice %arg10[%add3A_28] : memref<524544xf32, #tpu.memory_space<vmem_shared>> -> memref<8192xf32, #tpu.memory_space<vmem_shared>>
    %dma_start3A_30 = tpu.memref_slice %arg10[%add3A_28] : memref<524544xf32, #tpu.memory_space<vmem_shared>> -> memref<8192xf32, #tpu.memory_space<vmem_shared>>
    tpu.enqueue_dma source(%arg9 : memref<8192xf32, #tpu.memory_space<vmem>>) target(%dma_start3A_30 : memref<8192xf32, #tpu.memory_space<vmem_shared>>) target_semaphore(%arg13 : memref<!tpu.dma_semaphore, #tpu.memory_space<semaphore_mem>>)
    %mul3A_31 = arith.constant 32768 : i32
    %mul3A_32 = arith.muli %arg1, %mul3A_31 : i32
    %add3A_33 = arith.constant 24576 : i32
    %add3A_34 = arith.addi %mul3A_32, %add3A_33 : i32
    %dma_start3A_35 = tpu.memref_slice %arg10[%add3A_34] : memref<524544xf32, #tpu.memory_space<vmem_shared>> -> memref<8192xf32, #tpu.memory_space<vmem_shared>>
    %dma_start3A_36 = tpu.memref_slice %arg10[%add3A_34] : memref<524544xf32, #tpu.memory_space<vmem_shared>> -> memref<8192xf32, #tpu.memory_space<vmem_shared>>
    tpu.enqueue_dma source(%arg9 : memref<8192xf32, #tpu.memory_space<vmem>>) target(%dma_start3A_36 : memref<8192xf32, #tpu.memory_space<vmem_shared>>) target_semaphore(%arg13 : memref<!tpu.dma_semaphore, #tpu.memory_space<semaphore_mem>>)
    %dma_wait3A = tpu.memref_slice %arg2[%mul3A_0] : memref<32768xi32, #tpu.memory_space<hbm>> -> memref<1024xi32, #tpu.memory_space<hbm>>
    %dma_wait3A_37 = tpu.memref_slice %arg2[%mul3A_0] : memref<32768xi32, #tpu.memory_space<hbm>> -> memref<1024xi32, #tpu.memory_space<hbm>>
    tpu.wait_dma2 semaphore(%arg11 : memref<!tpu.dma_semaphore, #tpu.memory_space<semaphore_mem>>) src(%dma_wait3A_37 : memref<1024xi32, #tpu.memory_space<hbm>>) dst(%arg5 : memref<1024xi32, #tpu.memory_space<vmem>>)
    %dma_wait3A_38 = tpu.memref_slice %arg2[%add3A_2] : memref<32768xi32, #tpu.memory_space<hbm>> -> memref<1024xi32, #tpu.memory_space<hbm>>
    %dma_wait3A_39 = tpu.memref_slice %arg2[%add3A_2] : memref<32768xi32, #tpu.memory_space<hbm>> -> memref<1024xi32, #tpu.memory_space<hbm>>
    tpu.wait_dma2 semaphore(%arg11 : memref<!tpu.dma_semaphore, #tpu.memory_space<semaphore_mem>>) src(%dma_wait3A_39 : memref<1024xi32, #tpu.memory_space<hbm>>) dst(%arg6 : memref<1024xi32, #tpu.memory_space<vmem>>)
    %mul3A_40 = arith.constant 512 : i32
    %mul3A_41 = arith.muli %arg0, %mul3A_40 : i32
    %get3A = arith.constant 0 : index
    %get3A_42 = tpu.vector_load %arg5[%get3A] {strides = array<i32>} : memref<1024xi32, #tpu.memory_space<vmem>>, vector<16xi32>,
    %get3A_43 = vector.shape_cast %get3A_42 : vector<16xi32> to vector<16xi32>
    %sub3A = vector.broadcast %mul3A_41 : i32 to vector<16xi32>
    %sub3A_44 = arith.subi %get3A_43, %sub3A : vector<16xi32>
    %get3A_45 = arith.constant 0 : index
    %get3A_46 = tpu.vector_load %arg6[%get3A_45] {strides = array<i32>} : memref<1024xi32, #tpu.memory_space<vmem>>, vector<16xi32>,
    %get3A_47 = vector.shape_cast %get3A_46 : vector<16xi32> to vector<16xi32>
    %mul3A_48 = arith.constant 1024 : i32
    %mul3A_49 = vector.broadcast %mul3A_48 : i32 to vector<16xi32>
    %mul3A_50 = arith.muli %sub3A_44, %mul3A_49 : vector<16xi32>
    %add3A_51 = arith.addi %mul3A_50, %get3A_47 : vector<16xi32>
    %ge3A = arith.constant 0 : i32
    %ge3A_52 = vector.broadcast %ge3A : i32 to vector<16xi32>
    %ge3A_53 = arith.cmpi sge, %sub3A_44, %ge3A_52 : vector<16xi32>
    %lt3A = arith.constant 512 : i32
    %lt3A_54 = vector.broadcast %lt3A : i32 to vector<16xi32>
    %lt3A_55 = arith.cmpi slt, %sub3A_44, %lt3A_54 : vector<16xi32>
    %and3A = arith.andi %ge3A_53, %lt3A_55 : vector<16xi1>
    %mul3A_56 = arith.constant 16 : i32
    %mul3A_57 = arith.muli %arg1, %mul3A_56 : i32
    %add3A_58 = arith.constant 524288 : i32
    %add3A_59 = arith.addi %add3A_58, %mul3A_57 : i32
    %broadcast_in_dim3A_60 = vector.broadcast %add3A_59 : i32 to vector<16xi32>
    %select_n3A = arith.select %and3A, %add3A_51, %broadcast_in_dim3A_60 : vector<16xi1>, vector<16xi32>
    %swap3A = arith.constant 0 : i32
    %swap3A_61 = arith.index_cast %swap3A : i32 to index
    %swap3A_62 = arith.constant 0 : index
    %swap3A_63 = tpu.vector_load %arg8[%swap3A_61, %swap3A_62] {strides = array<i32>} : memref<8x128xi32, #tpu.memory_space<vmem>>, vector<1x16xi32>,
    %swap3A_64 = vector.shape_cast %swap3A_63 : vector<1x16xi32> to vector<16xi32>
    %swap3A_65 = vector.shape_cast %select_n3A : vector<16xi32> to vector<1x16xi32>
    tpu.vector_store %arg8[%swap3A_61, %swap3A_62], %swap3A_65 {strides = array<i32>} : memref<8x128xi32, #tpu.memory_space<vmem>>, vector<1x16xi32>,
    %get3A_66 = arith.constant 16 : index
    %get3A_67 = tpu.vector_load %arg5[%get3A_66] {strides = array<i32>} : memref<1024xi32, #tpu.memory_space<vmem>>, vector<16xi32>,
    %get3A_68 = vector.shape_cast %get3A_67 : vector<16xi32> to vector<16xi32>
    %sub3A_69 = vector.broadcast %mul3A_41 : i32 to vector<16xi32>
    %sub3A_70 = arith.subi %get3A_68, %sub3A_69 : vector<16xi32>
    %get3A_71 = arith.constant 16 : index
    %get3A_72 = tpu.vector_load %arg6[%get3A_71] {strides = array<i32>} : memref<1024xi32, #tpu.memory_space<vmem>>, vector<16xi32>,
    %get3A_73 = vector.shape_cast %get3A_72 : vector<16xi32> to vector<16xi32>
    %mul3A_74 = arith.constant 1024 : i32
    %mul3A_75 = vector.broadcast %mul3A_74 : i32 to vector<16xi32>
    %mul3A_76 = arith.muli %sub3A_70, %mul3A_75 : vector<16xi32>
    %add3A_77 = arith.addi %mul3A_76, %get3A_73 : vector<16xi32>
    %ge3A_78 = arith.constant 0 : i32
    %ge3A_79 = vector.broadcast %ge3A_78 : i32 to vector<16xi32>
    %ge3A_80 = arith.cmpi sge, %sub3A_70, %ge3A_79 : vector<16xi32>
    %lt3A_81 = arith.constant 512 : i32
    %lt3A_82 = vector.broadcast %lt3A_81 : i32 to vector<16xi32>
    %lt3A_83 = arith.cmpi slt, %sub3A_70, %lt3A_82 : vector<16xi32>
    %and3A_84 = arith.andi %ge3A_80, %lt3A_83 : vector<16xi1>
    %mul3A_85 = arith.constant 16 : i32
    %mul3A_86 = arith.muli %arg1, %mul3A_85 : i32
    %add3A_87 = arith.constant 524288 : i32
    %add3A_88 = arith.addi %add3A_87, %mul3A_86 : i32
    %broadcast_in_dim3A_89 = vector.broadcast %add3A_88 : i32 to vector<16xi32>
    %select_n3A_90 = arith.select %and3A_84, %add3A_77, %broadcast_in_dim3A_89 : vector<16xi1>, vector<16xi32>
    %swap3A_91 = arith.constant 0 : i32
    %swap3A_92 = arith.index_cast %swap3A_91 : i32 to index
    %swap3A_93 = arith.constant 16 : index
    %swap3A_94 = tpu.vector_load %arg8[%swap3A_92, %swap3A_93] {strides = array<i32>} : memref<8x128xi32, #tpu.memory_space<vmem>>, vector<1x16xi32>,
    %swap3A_95 = vector.shape_cast %swap3A_94 : vector<1x16xi32> to vector<16xi32>
    %swap3A_96 = vector.shape_cast %select_n3A_90 : vector<16xi32> to vector<1x16xi32>
    tpu.vector_store %arg8[%swap3A_92, %swap3A_93], %swap3A_96 {strides = array<i32>} : memref<8x128xi32, #tpu.memory_space<vmem>>, vector<1x16xi32>,
    %get3A_97 = arith.constant 32 : index
    %get3A_98 = tpu.vector_load %arg5[%get3A_97] {strides = array<i32>} : memref<1024xi32, #tpu.memory_space<vmem>>, vector<16xi32>,
    %get3A_99 = vector.shape_cast %get3A_98 : vector<16xi32> to vector<16xi32>
    %sub3A_100 = vector.broadcast %mul3A_41 : i32 to vector<16xi32>
    %sub3A_101 = arith.subi %get3A_99, %sub3A_100 : vector<16xi32>
    %get3A_102 = arith.constant 32 : index
    %get3A_103 = tpu.vector_load %arg6[%get3A_102] {strides = array<i32>} : memref<1024xi32, #tpu.memory_space<vmem>>, vector<16xi32>,
    %get3A_104 = vector.shape_cast %get3A_103 : vector<16xi32> to vector<16xi32>
    %mul3A_105 = arith.constant 1024 : i32
    %mul3A_106 = vector.broadcast %mul3A_105 : i32 to vector<16xi32>
    %mul3A_107 = arith.muli %sub3A_101, %mul3A_106 : vector<16xi32>
    %add3A_108 = arith.addi %mul3A_107, %get3A_104 : vector<16xi32>
    %ge3A_109 = arith.constant 0 : i32
    %ge3A_110 = vector.broadcast %ge3A_109 : i32 to vector<16xi32>
    %ge3A_111 = arith.cmpi sge, %sub3A_101, %ge3A_110 : vector<16xi32>
    %lt3A_112 = arith.constant 512 : i32
    %lt3A_113 = vector.broadcast %lt3A_112 : i32 to vector<16xi32>
    %lt3A_114 = arith.cmpi slt, %sub3A_101, %lt3A_113 : vector<16xi32>
    %and3A_115 = arith.andi %ge3A_111, %lt3A_114 : vector<16xi1>
    %mul3A_116 = arith.constant 16 : i32
    %mul3A_117 = arith.muli %arg1, %mul3A_116 : i32
    %add3A_118 = arith.constant 524288 : i32
    %add3A_119 = arith.addi %add3A_118, %mul3A_117 : i32
    %broadcast_in_dim3A_120 = vector.broadcast %add3A_119 : i32 to vector<16xi32>
    %select_n3A_121 = arith.select %and3A_115, %add3A_108, %broadcast_in_dim3A_120 : vector<16xi1>, vector<16xi32>
    %swap3A_122 = arith.constant 0 : i32
    %swap3A_123 = arith.index_cast %swap3A_122 : i32 to index
    %swap3A_124 = arith.constant 32 : index
    %swap3A_125 = tpu.vector_load %arg8[%swap3A_123, %swap3A_124] {strides = array<i32>} : memref<8x128xi32, #tpu.memory_space<vmem>>, vector<1x16xi32>,
    %swap3A_126 = vector.shape_cast %swap3A_125 : vector<1x16xi32> to vector<16xi32>
    %swap3A_127 = vector.shape_cast %select_n3A_121 : vector<16xi32> to vector<1x16xi32>
    tpu.vector_store %arg8[%swap3A_123, %swap3A_124], %swap3A_127 {strides = array<i32>} : memref<8x128xi32, #tpu.memory_space<vmem>>, vector<1x16xi32>,
    %get3A_128 = arith.constant 48 : index
    %get3A_129 = tpu.vector_load %arg5[%get3A_128] {strides = array<i32>} : memref<1024xi32, #tpu.memory_space<vmem>>, vector<16xi32>,
    %get3A_130 = vector.shape_cast %get3A_129 : vector<16xi32> to vector<16xi32>
    %sub3A_131 = vector.broadcast %mul3A_41 : i32 to vector<16xi32>
    %sub3A_132 = arith.subi %get3A_130, %sub3A_131 : vector<16xi32>
    %get3A_133 = arith.constant 48 : index
    %get3A_134 = tpu.vector_load %arg6[%get3A_133] {strides = array<i32>} : memref<1024xi32, #tpu.memory_space<vmem>>, vector<16xi32>,
    %get3A_135 = vector.shape_cast %get3A_134 : vector<16xi32> to vector<16xi32>
    %mul3A_136 = arith.constant 1024 : i32
    %mul3A_137 = vector.broadcast %mul3A_136 : i32 to vector<16xi32>
    %mul3A_138 = arith.muli %sub3A_132, %mul3A_137 : vector<16xi32>
    %add3A_139 = arith.addi %mul3A_138, %get3A_135 : vector<16xi32>
    %ge3A_140 = arith.constant 0 : i32
    %ge3A_141 = vector.broadcast %ge3A_140 : i32 to vector<16xi32>
    %ge3A_142 = arith.cmpi sge, %sub3A_132, %ge3A_141 : vector<16xi32>
    %lt3A_143 = arith.constant 512 : i32
    %lt3A_144 = vector.broadcast %lt3A_143 : i32 to vector<16xi32>
    %lt3A_145 = arith.cmpi slt, %sub3A_132, %lt3A_144 : vector<16xi32>
    %and3A_146 = arith.andi %ge3A_142, %lt3A_145 : vector<16xi1>
    %mul3A_147 = arith.constant 16 : i32
    %mul3A_148 = arith.muli %arg1, %mul3A_147 : i32
    %add3A_149 = arith.constant 524288 : i32
    %add3A_150 = arith.addi %add3A_149, %mul3A_148 : i32
    %broadcast_in_dim3A_151 = vector.broadcast %add3A_150 : i32 to vector<16xi32>
    %select_n3A_152 = arith.select %and3A_146, %add3A_139, %broadcast_in_dim3A_151 : vector<16xi1>, vector<16xi32>
    %swap3A_153 = arith.constant 0 : i32
    %swap3A_154 = arith.index_cast %swap3A_153 : i32 to index
    %swap3A_155 = arith.constant 48 : index
    %swap3A_156 = tpu.vector_load %arg8[%swap3A_154, %swap3A_155] {strides = array<i32>} : memref<8x128xi32, #tpu.memory_space<vmem>>, vector<1x16xi32>,
    %swap3A_157 = vector.shape_cast %swap3A_156 : vector<1x16xi32> to vector<16xi32>
    %swap3A_158 = vector.shape_cast %select_n3A_152 : vector<16xi32> to vector<1x16xi32>
    tpu.vector_store %arg8[%swap3A_154, %swap3A_155], %swap3A_158 {strides = array<i32>} : memref<8x128xi32, #tpu.memory_space<vmem>>, vector<1x16xi32>,
    %get3A_159 = arith.constant 64 : index
    %get3A_160 = tpu.vector_load %arg5[%get3A_159] {strides = array<i32>} : memref<1024xi32, #tpu.memory_space<vmem>>, vector<16xi32>,
    %get3A_161 = vector.shape_cast %get3A_160 : vector<16xi32> to vector<16xi32>
    %sub3A_162 = vector.broadcast %mul3A_41 : i32 to vector<16xi32>
    %sub3A_163 = arith.subi %get3A_161, %sub3A_162 : vector<16xi32>
    %get3A_164 = arith.constant 64 : index
    %get3A_165 = tpu.vector_load %arg6[%get3A_164] {strides = array<i32>} : memref<1024xi32, #tpu.memory_space<vmem>>, vector<16xi32>,
    %get3A_166 = vector.shape_cast %get3A_165 : vector<16xi32> to vector<16xi32>
    %mul3A_167 = arith.constant 1024 : i32
    %mul3A_168 = vector.broadcast %mul3A_167 : i32 to vector<16xi32>
    %mul3A_169 = arith.muli %sub3A_163, %mul3A_168 : vector<16xi32>
    %add3A_170 = arith.addi %mul3A_169, %get3A_166 : vector<16xi32>
    %ge3A_171 = arith.constant 0 : i32
    %ge3A_172 = vector.broadcast %ge3A_171 : i32 to vector<16xi32>
    %ge3A_173 = arith.cmpi sge, %sub3A_163, %ge3A_172 : vector<16xi32>
    %lt3A_174 = arith.constant 512 : i32
    %lt3A_175 = vector.broadcast %lt3A_174 : i32 to vector<16xi32>
    %lt3A_176 = arith.cmpi slt, %sub3A_163, %lt3A_175 : vector<16xi32>
    %and3A_177 = arith.andi %ge3A_173, %lt3A_176 : vector<16xi1>
    %mul3A_178 = arith.constant 16 : i32
    %mul3A_179 = arith.muli %arg1, %mul3A_178 : i32
    %add3A_180 = arith.constant 524288 : i32
    %add3A_181 = arith.addi %add3A_180, %mul3A_179 : i32
    %broadcast_in_dim3A_182 = vector.broadcast %add3A_181 : i32 to vector<16xi32>
    %select_n3A_183 = arith.select %and3A_177, %add3A_170, %broadcast_in_dim3A_182 : vector<16xi1>, vector<16xi32>
    %swap3A_184 = arith.constant 0 : i32
    %swap3A_185 = arith.index_cast %swap3A_184 : i32 to index
    %swap3A_186 = arith.constant 64 : index
    %swap3A_187 = tpu.vector_load %arg8[%swap3A_185, %swap3A_186] {strides = array<i32>} : memref<8x128xi32, #tpu.memory_space<vmem>>, vector<1x16xi32>,
    %swap3A_188 = vector.shape_cast %swap3A_187 : vector<1x16xi32> to vector<16xi32>
    %swap3A_189 = vector.shape_cast %select_n3A_183 : vector<16xi32> to vector<1x16xi32>
    tpu.vector_store %arg8[%swap3A_185, %swap3A_186], %swap3A_189 {strides = array<i32>} : memref<8x128xi32, #tpu.memory_space<vmem>>, vector<1x16xi32>,
    %get3A_190 = arith.constant 80 : index
    %get3A_191 = tpu.vector_load %arg5[%get3A_190] {strides = array<i32>} : memref<1024xi32, #tpu.memory_space<vmem>>, vector<16xi32>,
    %get3A_192 = vector.shape_cast %get3A_191 : vector<16xi32> to vector<16xi32>
    %sub3A_193 = vector.broadcast %mul3A_41 : i32 to vector<16xi32>
    %sub3A_194 = arith.subi %get3A_192, %sub3A_193 : vector<16xi32>
    %get3A_195 = arith.constant 80 : index
    %get3A_196 = tpu.vector_load %arg6[%get3A_195] {strides = array<i32>} : memref<1024xi32, #tpu.memory_space<vmem>>, vector<16xi32>,
    %get3A_197 = vector.shape_cast %get3A_196 : vector<16xi32> to vector<16xi32>
    %mul3A_198 = arith.constant 1024 : i32
    %mul3A_199 = vector.broadcast %mul3A_198 : i32 to vector<16xi32>
    %mul3A_200 = arith.muli %sub3A_194, %mul3A_199 : vector<16xi32>
    %add3A_201 = arith.addi %mul3A_200, %get3A_197 : vector<16xi32>
    %ge3A_202 = arith.constant 0 : i32
    %ge3A_203 = vector.broadcast %ge3A_202 : i32 to vector<16xi32>
    %ge3A_204 = arith.cmpi sge, %sub3A_194, %ge3A_203 : vector<16xi32>
    %lt3A_205 = arith.constant 512 : i32
    %lt3A_206 = vector.broadcast %lt3A_205 : i32 to vector<16xi32>
    %lt3A_207 = arith.cmpi slt, %sub3A_194, %lt3A_206 : vector<16xi32>
    %and3A_208 = arith.andi %ge3A_204, %lt3A_207 : vector<16xi1>
    %mul3A_209 = arith.constant 16 : i32
    %mul3A_210 = arith.muli %arg1, %mul3A_209 : i32
    %add3A_211 = arith.constant 524288 : i32
    %add3A_212 = arith.addi %add3A_211, %mul3A_210 : i32
    %broadcast_in_dim3A_213 = vector.broadcast %add3A_212 : i32 to vector<16xi32>
    %select_n3A_214 = arith.select %and3A_208, %add3A_201, %broadcast_in_dim3A_213 : vector<16xi1>, vector<16xi32>
    %swap3A_215 = arith.constant 0 : i32
    %swap3A_216 = arith.index_cast %swap3A_215 : i32 to index
    %swap3A_217 = arith.constant 80 : index
    %swap3A_218 = tpu.vector_load %arg8[%swap3A_216, %swap3A_217] {strides = array<i32>} : memref<8x128xi32, #tpu.memory_space<vmem>>, vector<1x16xi32>,
    %swap3A_219 = vector.shape_cast %swap3A_218 : vector<1x16xi32> to vector<16xi32>
    %swap3A_220 = vector.shape_cast %select_n3A_214 : vector<16xi32> to vector<1x16xi32>
    tpu.vector_store %arg8[%swap3A_216, %swap3A_217], %swap3A_220 {strides = array<i32>} : memref<8x128xi32, #tpu.memory_space<vmem>>, vector<1x16xi32>,
    %get3A_221 = arith.constant 96 : index
    %get3A_222 = tpu.vector_load %arg5[%get3A_221] {strides = array<i32>} : memref<1024xi32, #tpu.memory_space<vmem>>, vector<16xi32>,
    %get3A_223 = vector.shape_cast %get3A_222 : vector<16xi32> to vector<16xi32>
    %sub3A_224 = vector.broadcast %mul3A_41 : i32 to vector<16xi32>
    %sub3A_225 = arith.subi %get3A_223, %sub3A_224 : vector<16xi32>
    %get3A_226 = arith.constant 96 : index
    %get3A_227 = tpu.vector_load %arg6[%get3A_226] {strides = array<i32>} : memref<1024xi32, #tpu.memory_space<vmem>>, vector<16xi32>,
    %get3A_228 = vector.shape_cast %get3A_227 : vector<16xi32> to vector<16xi32>
    %mul3A_229 = arith.constant 1024 : i32
    %mul3A_230 = vector.broadcast %mul3A_229 : i32 to vector<16xi32>
    %mul3A_231 = arith.muli %sub3A_225, %mul3A_230 : vector<16xi32>
    %add3A_232 = arith.addi %mul3A_231, %get3A_228 : vector<16xi32>
    %ge3A_233 = arith.constant 0 : i32
    %ge3A_234 = vector.broadcast %ge3A_233 : i32 to vector<16xi32>
    %ge3A_235 = arith.cmpi sge, %sub3A_225, %ge3A_234 : vector<16xi32>
    %lt3A_236 = arith.constant 512 : i32
    %lt3A_237 = vector.broadcast %lt3A_236 : i32 to vector<16xi32>
    %lt3A_238 = arith.cmpi slt, %sub3A_225, %lt3A_237 : vector<16xi32>
    %and3A_239 = arith.andi %ge3A_235, %lt3A_238 : vector<16xi1>
    %mul3A_240 = arith.constant 16 : i32
    %mul3A_241 = arith.muli %arg1, %mul3A_240 : i32
    %add3A_242 = arith.constant 524288 : i32
    %add3A_243 = arith.addi %add3A_242, %mul3A_241 : i32
    %broadcast_in_dim3A_244 = vector.broadcast %add3A_243 : i32 to vector<16xi32>
    %select_n3A_245 = arith.select %and3A_239, %add3A_232, %broadcast_in_dim3A_244 : vector<16xi1>, vector<16xi32>
    %swap3A_246 = arith.constant 0 : i32
    %swap3A_247 = arith.index_cast %swap3A_246 : i32 to index
    %swap3A_248 = arith.constant 96 : index
    %swap3A_249 = tpu.vector_load %arg8[%swap3A_247, %swap3A_248] {strides = array<i32>} : memref<8x128xi32, #tpu.memory_space<vmem>>, vector<1x16xi32>,
    %swap3A_250 = vector.shape_cast %swap3A_249 : vector<1x16xi32> to vector<16xi32>
    %swap3A_251 = vector.shape_cast %select_n3A_245 : vector<16xi32> to vector<1x16xi32>
    tpu.vector_store %arg8[%swap3A_247, %swap3A_248], %swap3A_251 {strides = array<i32>} : memref<8x128xi32, #tpu.memory_space<vmem>>, vector<1x16xi32>,
    %get3A_252 = arith.constant 112 : index
    %get3A_253 = tpu.vector_load %arg5[%get3A_252] {strides = array<i32>} : memref<1024xi32, #tpu.memory_space<vmem>>, vector<16xi32>,
    %get3A_254 = vector.shape_cast %get3A_253 : vector<16xi32> to vector<16xi32>
    %sub3A_255 = vector.broadcast %mul3A_41 : i32 to vector<16xi32>
    %sub3A_256 = arith.subi %get3A_254, %sub3A_255 : vector<16xi32>
    %get3A_257 = arith.constant 112 : index
    %get3A_258 = tpu.vector_load %arg6[%get3A_257] {strides = array<i32>} : memref<1024xi32, #tpu.memory_space<vmem>>, vector<16xi32>,
    %get3A_259 = vector.shape_cast %get3A_258 : vector<16xi32> to vector<16xi32>
    %mul3A_260 = arith.constant 1024 : i32
    %mul3A_261 = vector.broadcast %mul3A_260 : i32 to vector<16xi32>
    %mul3A_262 = arith.muli %sub3A_256, %mul3A_261 : vector<16xi32>
    %add3A_263 = arith.addi %mul3A_262, %get3A_259 : vector<16xi32>
    %ge3A_264 = arith.constant 0 : i32
    %ge3A_265 = vector.broadcast %ge3A_264 : i32 to vector<16xi32>
    %ge3A_266 = arith.cmpi sge, %sub3A_256, %ge3A_265 : vector<16xi32>
    %lt3A_267 = arith.constant 512 : i32
    %lt3A_268 = vector.broadcast %lt3A_267 : i32 to vector<16xi32>
    %lt3A_269 = arith.cmpi slt, %sub3A_256, %lt3A_268 : vector<16xi32>
    %and3A_270 = arith.andi %ge3A_266, %lt3A_269 : vector<16xi1>
    %mul3A_271 = arith.constant 16 : i32
    %mul3A_272 = arith.muli %arg1, %mul3A_271 : i32
    %add3A_273 = arith.constant 524288 : i32
    %add3A_274 = arith.addi %add3A_273, %mul3A_272 : i32
    %broadcast_in_dim3A_275 = vector.broadcast %add3A_274 : i32 to vector<16xi32>
    %select_n3A_276 = arith.select %and3A_270, %add3A_263, %broadcast_in_dim3A_275 : vector<16xi1>, vector<16xi32>
    %swap3A_277 = arith.constant 0 : i32
    %swap3A_278 = arith.index_cast %swap3A_277 : i32 to index
    %swap3A_279 = arith.constant 112 : index
    %swap3A_280 = tpu.vector_load %arg8[%swap3A_278, %swap3A_279] {strides = array<i32>} : memref<8x128xi32, #tpu.memory_space<vmem>>, vector<1x16xi32>,
    %swap3A_281 = vector.shape_cast %swap3A_280 : vector<1x16xi32> to vector<16xi32>
    %swap3A_282 = vector.shape_cast %select_n3A_276 : vector<16xi32> to vector<1x16xi32>
    tpu.vector_store %arg8[%swap3A_278, %swap3A_279], %swap3A_282 {strides = array<i32>} : memref<8x128xi32, #tpu.memory_space<vmem>>, vector<1x16xi32>,
    %get3A_283 = arith.constant 128 : index
    %get3A_284 = tpu.vector_load %arg5[%get3A_283] {strides = array<i32>} : memref<1024xi32, #tpu.memory_space<vmem>>, vector<16xi32>,
    %get3A_285 = vector.shape_cast %get3A_284 : vector<16xi32> to vector<16xi32>
    %sub3A_286 = vector.broadcast %mul3A_41 : i32 to vector<16xi32>
    %sub3A_287 = arith.subi %get3A_285, %sub3A_286 : vector<16xi32>
    %get3A_288 = arith.constant 128 : index
    %get3A_289 = tpu.vector_load %arg6[%get3A_288] {strides = array<i32>} : memref<1024xi32, #tpu.memory_space<vmem>>, vector<16xi32>,
    %get3A_290 = vector.shape_cast %get3A_289 : vector<16xi32> to vector<16xi32>
    %mul3A_291 = arith.constant 1024 : i32
    %mul3A_292 = vector.broadcast %mul3A_291 : i32 to vector<16xi32>
    %mul3A_293 = arith.muli %sub3A_287, %mul3A_292 : vector<16xi32>
    %add3A_294 = arith.addi %mul3A_293, %get3A_290 : vector<16xi32>
    %ge3A_295 = arith.constant 0 : i32
    %ge3A_296 = vector.broadcast %ge3A_295 : i32 to vector<16xi32>
    %ge3A_297 = arith.cmpi sge, %sub3A_287, %ge3A_296 : vector<16xi32>
    %lt3A_298 = arith.constant 512 : i32
    %lt3A_299 = vector.broadcast %lt3A_298 : i32 to vector<16xi32>
    %lt3A_300 = arith.cmpi slt, %sub3A_287, %lt3A_299 : vector<16xi32>
    %and3A_301 = arith.andi %ge3A_297, %lt3A_300 : vector<16xi1>
    %mul3A_302 = arith.constant 16 : i32
    %mul3A_303 = arith.muli %arg1, %mul3A_302 : i32
    %add3A_304 = arith.constant 524288 : i32
    %add3A_305 = arith.addi %add3A_304, %mul3A_303 : i32
    %broadcast_in_dim3A_306 = vector.broadcast %add3A_305 : i32 to vector<16xi32>
    %select_n3A_307 = arith.select %and3A_301, %add3A_294, %broadcast_in_dim3A_306 : vector<16xi1>, vector<16xi32>
    %swap3A_308 = arith.constant 1 : i32
    %swap3A_309 = arith.index_cast %swap3A_308 : i32 to index
    %swap3A_310 = arith.constant 0 : index
    %swap3A_311 = tpu.vector_load %arg8[%swap3A_309, %swap3A_310] {strides = array<i32>} : memref<8x128xi32, #tpu.memory_space<vmem>>, vector<1x16xi32>,
    %swap3A_312 = vector.shape_cast %swap3A_311 : vector<1x16xi32> to vector<16xi32>
    %swap3A_313 = vector.shape_cast %select_n3A_307 : vector<16xi32> to vector<1x16xi32>
    tpu.vector_store %arg8[%swap3A_309, %swap3A_310], %swap3A_313 {strides = array<i32>} : memref<8x128xi32, #tpu.memory_space<vmem>>, vector<1x16xi32>,
    %get3A_314 = arith.constant 144 : index
    %get3A_315 = tpu.vector_load %arg5[%get3A_314] {strides = array<i32>} : memref<1024xi32, #tpu.memory_space<vmem>>, vector<16xi32>,
    %get3A_316 = vector.shape_cast %get3A_315 : vector<16xi32> to vector<16xi32>
    %sub3A_317 = vector.broadcast %mul3A_41 : i32 to vector<16xi32>
    %sub3A_318 = arith.subi %get3A_316, %sub3A_317 : vector<16xi32>
    %get3A_319 = arith.constant 144 : index
    %get3A_320 = tpu.vector_load %arg6[%get3A_319] {strides = array<i32>} : memref<1024xi32, #tpu.memory_space<vmem>>, vector<16xi32>,
    %get3A_321 = vector.shape_cast %get3A_320 : vector<16xi32> to vector<16xi32>
    %mul3A_322 = arith.constant 1024 : i32
    %mul3A_323 = vector.broadcast %mul3A_322 : i32 to vector<16xi32>
    %mul3A_324 = arith.muli %sub3A_318, %mul3A_323 : vector<16xi32>
    %add3A_325 = arith.addi %mul3A_324, %get3A_321 : vector<16xi32>
    %ge3A_326 = arith.constant 0 : i32
    %ge3A_327 = vector.broadcast %ge3A_326 : i32 to vector<16xi32>
    %ge3A_328 = arith.cmpi sge, %sub3A_318, %ge3A_327 : vector<16xi32>
    %lt3A_329 = arith.constant 512 : i32
    %lt3A_330 = vector.broadcast %lt3A_329 : i32 to vector<16xi32>
    %lt3A_331 = arith.cmpi slt, %sub3A_318, %lt3A_330 : vector<16xi32>
    %and3A_332 = arith.andi %ge3A_328, %lt3A_331 : vector<16xi1>
    %mul3A_333 = arith.constant 16 : i32
    %mul3A_334 = arith.muli %arg1, %mul3A_333 : i32
    %add3A_335 = arith.constant 524288 : i32
    %add3A_336 = arith.addi %add3A_335, %mul3A_334 : i32
    %broadcast_in_dim3A_337 = vector.broadcast %add3A_336 : i32 to vector<16xi32>
    %select_n3A_338 = arith.select %and3A_332, %add3A_325, %broadcast_in_dim3A_337 : vector<16xi1>, vector<16xi32>
    %swap3A_339 = arith.constant 1 : i32
    %swap3A_340 = arith.index_cast %swap3A_339 : i32 to index
    %swap3A_341 = arith.constant 16 : index
    %swap3A_342 = tpu.vector_load %arg8[%swap3A_340, %swap3A_341] {strides = array<i32>} : memref<8x128xi32, #tpu.memory_space<vmem>>, vector<1x16xi32>,
    %swap3A_343 = vector.shape_cast %swap3A_342 : vector<1x16xi32> to vector<16xi32>
    %swap3A_344 = vector.shape_cast %select_n3A_338 : vector<16xi32> to vector<1x16xi32>
    tpu.vector_store %arg8[%swap3A_340, %swap3A_341], %swap3A_344 {strides = array<i32>} : memref<8x128xi32, #tpu.memory_space<vmem>>, vector<1x16xi32>,
    %get3A_345 = arith.constant 160 : index
    %get3A_346 = tpu.vector_load %arg5[%get3A_345] {strides = array<i32>} : memref<1024xi32, #tpu.memory_space<vmem>>, vector<16xi32>,
    %get3A_347 = vector.shape_cast %get3A_346 : vector<16xi32> to vector<16xi32>
    %sub3A_348 = vector.broadcast %mul3A_41 : i32 to vector<16xi32>
    %sub3A_349 = arith.subi %get3A_347, %sub3A_348 : vector<16xi32>
    %get3A_350 = arith.constant 160 : index
    %get3A_351 = tpu.vector_load %arg6[%get3A_350] {strides = array<i32>} : memref<1024xi32, #tpu.memory_space<vmem>>, vector<16xi32>,
    %get3A_352 = vector.shape_cast %get3A_351 : vector<16xi32> to vector<16xi32>
    %mul3A_353 = arith.constant 1024 : i32
    %mul3A_354 = vector.broadcast %mul3A_353 : i32 to vector<16xi32>
    %mul3A_355 = arith.muli %sub3A_349, %mul3A_354 : vector<16xi32>
    %add3A_356 = arith.addi %mul3A_355, %get3A_352 : vector<16xi32>
    %ge3A_357 = arith.constant 0 : i32
    %ge3A_358 = vector.broadcast %ge3A_357 : i32 to vector<16xi32>
    %ge3A_359 = arith.cmpi sge, %sub3A_349, %ge3A_358 : vector<16xi32>
    %lt3A_360 = arith.constant 512 : i32
    %lt3A_361 = vector.broadcast %lt3A_360 : i32 to vector<16xi32>
    %lt3A_362 = arith.cmpi slt, %sub3A_349, %lt3A_361 : vector<16xi32>
    %and3A_363 = arith.andi %ge3A_359, %lt3A_362 : vector<16xi1>
    %mul3A_364 = arith.constant 16 : i32
    %mul3A_365 = arith.muli %arg1, %mul3A_364 : i32
    %add3A_366 = arith.constant 524288 : i32
    %add3A_367 = arith.addi %add3A_366, %mul3A_365 : i32
    %broadcast_in_dim3A_368 = vector.broadcast %add3A_367 : i32 to vector<16xi32>
    %select_n3A_369 = arith.select %and3A_363, %add3A_356, %broadcast_in_dim3A_368 : vector<16xi1>, vector<16xi32>
    %swap3A_370 = arith.constant 1 : i32
    %swap3A_371 = arith.index_cast %swap3A_370 : i32 to index
    %swap3A_372 = arith.constant 32 : index
    %swap3A_373 = tpu.vector_load %arg8[%swap3A_371, %swap3A_372] {strides = array<i32>} : memref<8x128xi32, #tpu.memory_space<vmem>>, vector<1x16xi32>,
    %swap3A_374 = vector.shape_cast %swap3A_373 : vector<1x16xi32> to vector<16xi32>
    %swap3A_375 = vector.shape_cast %select_n3A_369 : vector<16xi32> to vector<1x16xi32>
    tpu.vector_store %arg8[%swap3A_371, %swap3A_372], %swap3A_375 {strides = array<i32>} : memref<8x128xi32, #tpu.memory_space<vmem>>, vector<1x16xi32>,
    %get3A_376 = arith.constant 176 : index
    %get3A_377 = tpu.vector_load %arg5[%get3A_376] {strides = array<i32>} : memref<1024xi32, #tpu.memory_space<vmem>>, vector<16xi32>,
    %get3A_378 = vector.shape_cast %get3A_377 : vector<16xi32> to vector<16xi32>
    %sub3A_379 = vector.broadcast %mul3A_41 : i32 to vector<16xi32>
    %sub3A_380 = arith.subi %get3A_378, %sub3A_379 : vector<16xi32>
    %get3A_381 = arith.constant 176 : index
    %get3A_382 = tpu.vector_load %arg6[%get3A_381] {strides = array<i32>} : memref<1024xi32, #tpu.memory_space<vmem>>, vector<16xi32>,
    %get3A_383 = vector.shape_cast %get3A_382 : vector<16xi32> to vector<16xi32>
    %mul3A_384 = arith.constant 1024 : i32
    %mul3A_385 = vector.broadcast %mul3A_384 : i32 to vector<16xi32>
    %mul3A_386 = arith.muli %sub3A_380, %mul3A_385 : vector<16xi32>
    %add3A_387 = arith.addi %mul3A_386, %get3A_383 : vector<16xi32>
    %ge3A_388 = arith.constant 0 : i32
    %ge3A_389 = vector.broadcast %ge3A_388 : i32 to vector<16xi32>
    %ge3A_390 = arith.cmpi sge, %sub3A_380, %ge3A_389 : vector<16xi32>
    %lt3A_391 = arith.constant 512 : i32
    %lt3A_392 = vector.broadcast %lt3A_391 : i32 to vector<16xi32>
    %lt3A_393 = arith.cmpi slt, %sub3A_380, %lt3A_392 : vector<16xi32>
    %and3A_394 = arith.andi %ge3A_390, %lt3A_393 : vector<16xi1>
    %mul3A_395 = arith.constant 16 : i32
    %mul3A_396 = arith.muli %arg1, %mul3A_395 : i32
    %add3A_397 = arith.constant 524288 : i32
    %add3A_398 = arith.addi %add3A_397, %mul3A_396 : i32
    %broadcast_in_dim3A_399 = vector.broadcast %add3A_398 : i32 to vector<16xi32>
    %select_n3A_400 = arith.select %and3A_394, %add3A_387, %broadcast_in_dim3A_399 : vector<16xi1>, vector<16xi32>
    %swap3A_401 = arith.constant 1 : i32
    %swap3A_402 = arith.index_cast %swap3A_401 : i32 to index
    %swap3A_403 = arith.constant 48 : index
    %swap3A_404 = tpu.vector_load %arg8[%swap3A_402, %swap3A_403] {strides = array<i32>} : memref<8x128xi32, #tpu.memory_space<vmem>>, vector<1x16xi32>,
    %swap3A_405 = vector.shape_cast %swap3A_404 : vector<1x16xi32> to vector<16xi32>
    %swap3A_406 = vector.shape_cast %select_n3A_400 : vector<16xi32> to vector<1x16xi32>
    tpu.vector_store %arg8[%swap3A_402, %swap3A_403], %swap3A_406 {strides = array<i32>} : memref<8x128xi32, #tpu.memory_space<vmem>>, vector<1x16xi32>,
    %get3A_407 = arith.constant 192 : index
    %get3A_408 = tpu.vector_load %arg5[%get3A_407] {strides = array<i32>} : memref<1024xi32, #tpu.memory_space<vmem>>, vector<16xi32>,
    %get3A_409 = vector.shape_cast %get3A_408 : vector<16xi32> to vector<16xi32>
    %sub3A_410 = vector.broadcast %mul3A_41 : i32 to vector<16xi32>
    %sub3A_411 = arith.subi %get3A_409, %sub3A_410 : vector<16xi32>
    %get3A_412 = arith.constant 192 : index
    %get3A_413 = tpu.vector_load %arg6[%get3A_412] {strides = array<i32>} : memref<1024xi32, #tpu.memory_space<vmem>>, vector<16xi32>,
    %get3A_414 = vector.shape_cast %get3A_413 : vector<16xi32> to vector<16xi32>
    %mul3A_415 = arith.constant 1024 : i32
    %mul3A_416 = vector.broadcast %mul3A_415 : i32 to vector<16xi32>
    %mul3A_417 = arith.muli %sub3A_411, %mul3A_416 : vector<16xi32>
    %add3A_418 = arith.addi %mul3A_417, %get3A_414 : vector<16xi32>
    %ge3A_419 = arith.constant 0 : i32
    %ge3A_420 = vector.broadcast %ge3A_419 : i32 to vector<16xi32>
    %ge3A_421 = arith.cmpi sge, %sub3A_411, %ge3A_420 : vector<16xi32>
    %lt3A_422 = arith.constant 512 : i32
    %lt3A_423 = vector.broadcast %lt3A_422 : i32 to vector<16xi32>
    %lt3A_424 = arith.cmpi slt, %sub3A_411, %lt3A_423 : vector<16xi32>
    %and3A_425 = arith.andi %ge3A_421, %lt3A_424 : vector<16xi1>
    %mul3A_426 = arith.constant 16 : i32
    %mul3A_427 = arith.muli %arg1, %mul3A_426 : i32
    %add3A_428 = arith.constant 524288 : i32
    %add3A_429 = arith.addi %add3A_428, %mul3A_427 : i32
    %broadcast_in_dim3A_430 = vector.broadcast %add3A_429 : i32 to vector<16xi32>
    %select_n3A_431 = arith.select %and3A_425, %add3A_418, %broadcast_in_dim3A_430 : vector<16xi1>, vector<16xi32>
    %swap3A_432 = arith.constant 1 : i32
    %swap3A_433 = arith.index_cast %swap3A_432 : i32 to index
    %swap3A_434 = arith.constant 64 : index
    %swap3A_435 = tpu.vector_load %arg8[%swap3A_433, %swap3A_434] {strides = array<i32>} : memref<8x128xi32, #tpu.memory_space<vmem>>, vector<1x16xi32>,
    %swap3A_436 = vector.shape_cast %swap3A_435 : vector<1x16xi32> to vector<16xi32>
    %swap3A_437 = vector.shape_cast %select_n3A_431 : vector<16xi32> to vector<1x16xi32>
    tpu.vector_store %arg8[%swap3A_433, %swap3A_434], %swap3A_437 {strides = array<i32>} : memref<8x128xi32, #tpu.memory_space<vmem>>, vector<1x16xi32>,
    %get3A_438 = arith.constant 208 : index
    %get3A_439 = tpu.vector_load %arg5[%get3A_438] {strides = array<i32>} : memref<1024xi32, #tpu.memory_space<vmem>>, vector<16xi32>,
    %get3A_440 = vector.shape_cast %get3A_439 : vector<16xi32> to vector<16xi32>
    %sub3A_441 = vector.broadcast %mul3A_41 : i32 to vector<16xi32>
    %sub3A_442 = arith.subi %get3A_440, %sub3A_441 : vector<16xi32>
    %get3A_443 = arith.constant 208 : index
    %get3A_444 = tpu.vector_load %arg6[%get3A_443] {strides = array<i32>} : memref<1024xi32, #tpu.memory_space<vmem>>, vector<16xi32>,
    %get3A_445 = vector.shape_cast %get3A_444 : vector<16xi32> to vector<16xi32>
    %mul3A_446 = arith.constant 1024 : i32
    %mul3A_447 = vector.broadcast %mul3A_446 : i32 to vector<16xi32>
    %mul3A_448 = arith.muli %sub3A_442, %mul3A_447 : vector<16xi32>
    %add3A_449 = arith.addi %mul3A_448, %get3A_445 : vector<16xi32>
    %ge3A_450 = arith.constant 0 : i32
    %ge3A_451 = vector.broadcast %ge3A_450 : i32 to vector<16xi32>
    %ge3A_452 = arith.cmpi sge, %sub3A_442, %ge3A_451 : vector<16xi32>
    %lt3A_453 = arith.constant 512 : i32
    %lt3A_454 = vector.broadcast %lt3A_453 : i32 to vector<16xi32>
    %lt3A_455 = arith.cmpi slt, %sub3A_442, %lt3A_454 : vector<16xi32>
    %and3A_456 = arith.andi %ge3A_452, %lt3A_455 : vector<16xi1>
    %mul3A_457 = arith.constant 16 : i32
    %mul3A_458 = arith.muli %arg1, %mul3A_457 : i32
    %add3A_459 = arith.constant 524288 : i32
    %add3A_460 = arith.addi %add3A_459, %mul3A_458 : i32
    %broadcast_in_dim3A_461 = vector.broadcast %add3A_460 : i32 to vector<16xi32>
    %select_n3A_462 = arith.select %and3A_456, %add3A_449, %broadcast_in_dim3A_461 : vector<16xi1>, vector<16xi32>
    %swap3A_463 = arith.constant 1 : i32
    %swap3A_464 = arith.index_cast %swap3A_463 : i32 to index
    %swap3A_465 = arith.constant 80 : index
    %swap3A_466 = tpu.vector_load %arg8[%swap3A_464, %swap3A_465] {strides = array<i32>} : memref<8x128xi32, #tpu.memory_space<vmem>>, vector<1x16xi32>,
    %swap3A_467 = vector.shape_cast %swap3A_466 : vector<1x16xi32> to vector<16xi32>
    %swap3A_468 = vector.shape_cast %select_n3A_462 : vector<16xi32> to vector<1x16xi32>
    tpu.vector_store %arg8[%swap3A_464, %swap3A_465], %swap3A_468 {strides = array<i32>} : memref<8x128xi32, #tpu.memory_space<vmem>>, vector<1x16xi32>,
    %get3A_469 = arith.constant 224 : index
    %get3A_470 = tpu.vector_load %arg5[%get3A_469] {strides = array<i32>} : memref<1024xi32, #tpu.memory_space<vmem>>, vector<16xi32>,
    %get3A_471 = vector.shape_cast %get3A_470 : vector<16xi32> to vector<16xi32>
    %sub3A_472 = vector.broadcast %mul3A_41 : i32 to vector<16xi32>
    %sub3A_473 = arith.subi %get3A_471, %sub3A_472 : vector<16xi32>
    %get3A_474 = arith.constant 224 : index
    %get3A_475 = tpu.vector_load %arg6[%get3A_474] {strides = array<i32>} : memref<1024xi32, #tpu.memory_space<vmem>>, vector<16xi32>,
    %get3A_476 = vector.shape_cast %get3A_475 : vector<16xi32> to vector<16xi32>
    %mul3A_477 = arith.constant 1024 : i32
    %mul3A_478 = vector.broadcast %mul3A_477 : i32 to vector<16xi32>
    %mul3A_479 = arith.muli %sub3A_473, %mul3A_478 : vector<16xi32>
    %add3A_480 = arith.addi %mul3A_479, %get3A_476 : vector<16xi32>
    %ge3A_481 = arith.constant 0 : i32
    %ge3A_482 = vector.broadcast %ge3A_481 : i32 to vector<16xi32>
    %ge3A_483 = arith.cmpi sge, %sub3A_473, %ge3A_482 : vector<16xi32>
    %lt3A_484 = arith.constant 512 : i32
    %lt3A_485 = vector.broadcast %lt3A_484 : i32 to vector<16xi32>
    %lt3A_486 = arith.cmpi slt, %sub3A_473, %lt3A_485 : vector<16xi32>
    %and3A_487 = arith.andi %ge3A_483, %lt3A_486 : vector<16xi1>
    %mul3A_488 = arith.constant 16 : i32
    %mul3A_489 = arith.muli %arg1, %mul3A_488 : i32
    %add3A_490 = arith.constant 524288 : i32
    %add3A_491 = arith.addi %add3A_490, %mul3A_489 : i32
    %broadcast_in_dim3A_492 = vector.broadcast %add3A_491 : i32 to vector<16xi32>
    %select_n3A_493 = arith.select %and3A_487, %add3A_480, %broadcast_in_dim3A_492 : vector<16xi1>, vector<16xi32>
    %swap3A_494 = arith.constant 1 : i32
    %swap3A_495 = arith.index_cast %swap3A_494 : i32 to index
    %swap3A_496 = arith.constant 96 : index
    %swap3A_497 = tpu.vector_load %arg8[%swap3A_495, %swap3A_496] {strides = array<i32>} : memref<8x128xi32, #tpu.memory_space<vmem>>, vector<1x16xi32>,
    %swap3A_498 = vector.shape_cast %swap3A_497 : vector<1x16xi32> to vector<16xi32>
    %swap3A_499 = vector.shape_cast %select_n3A_493 : vector<16xi32> to vector<1x16xi32>
    tpu.vector_store %arg8[%swap3A_495, %swap3A_496], %swap3A_499 {strides = array<i32>} : memref<8x128xi32, #tpu.memory_space<vmem>>, vector<1x16xi32>,
    %get3A_500 = arith.constant 240 : index
    %get3A_501 = tpu.vector_load %arg5[%get3A_500] {strides = array<i32>} : memref<1024xi32, #tpu.memory_space<vmem>>, vector<16xi32>,
    %get3A_502 = vector.shape_cast %get3A_501 : vector<16xi32> to vector<16xi32>
    %sub3A_503 = vector.broadcast %mul3A_41 : i32 to vector<16xi32>
    %sub3A_504 = arith.subi %get3A_502, %sub3A_503 : vector<16xi32>
    %get3A_505 = arith.constant 240 : index
    %get3A_506 = tpu.vector_load %arg6[%get3A_505] {strides = array<i32>} : memref<1024xi32, #tpu.memory_space<vmem>>, vector<16xi32>,
    %get3A_507 = vector.shape_cast %get3A_506 : vector<16xi32> to vector<16xi32>
    %mul3A_508 = arith.constant 1024 : i32
    %mul3A_509 = vector.broadcast %mul3A_508 : i32 to vector<16xi32>
    %mul3A_510 = arith.muli %sub3A_504, %mul3A_509 : vector<16xi32>
    %add3A_511 = arith.addi %mul3A_510, %get3A_507 : vector<16xi32>
    %ge3A_512 = arith.constant 0 : i32
    %ge3A_513 = vector.broadcast %ge3A_512 : i32 to vector<16xi32>
    %ge3A_514 = arith.cmpi sge, %sub3A_504, %ge3A_513 : vector<16xi32>
    %lt3A_515 = arith.constant 512 : i32
    %lt3A_516 = vector.broadcast %lt3A_515 : i32 to vector<16xi32>
    %lt3A_517 = arith.cmpi slt, %sub3A_504, %lt3A_516 : vector<16xi32>
    %and3A_518 = arith.andi %ge3A_514, %lt3A_517 : vector<16xi1>
    %mul3A_519 = arith.constant 16 : i32
    %mul3A_520 = arith.muli %arg1, %mul3A_519 : i32
    %add3A_521 = arith.constant 524288 : i32
    %add3A_522 = arith.addi %add3A_521, %mul3A_520 : i32
    %broadcast_in_dim3A_523 = vector.broadcast %add3A_522 : i32 to vector<16xi32>
    %select_n3A_524 = arith.select %and3A_518, %add3A_511, %broadcast_in_dim3A_523 : vector<16xi1>, vector<16xi32>
    %swap3A_525 = arith.constant 1 : i32
    %swap3A_526 = arith.index_cast %swap3A_525 : i32 to index
    %swap3A_527 = arith.constant 112 : index
    %swap3A_528 = tpu.vector_load %arg8[%swap3A_526, %swap3A_527] {strides = array<i32>} : memref<8x128xi32, #tpu.memory_space<vmem>>, vector<1x16xi32>,
    %swap3A_529 = vector.shape_cast %swap3A_528 : vector<1x16xi32> to vector<16xi32>
    %swap3A_530 = vector.shape_cast %select_n3A_524 : vector<16xi32> to vector<1x16xi32>
    tpu.vector_store %arg8[%swap3A_526, %swap3A_527], %swap3A_530 {strides = array<i32>} : memref<8x128xi32, #tpu.memory_space<vmem>>, vector<1x16xi32>,
    %get3A_531 = arith.constant 256 : index
    %get3A_532 = tpu.vector_load %arg5[%get3A_531] {strides = array<i32>} : memref<1024xi32, #tpu.memory_space<vmem>>, vector<16xi32>,
    %get3A_533 = vector.shape_cast %get3A_532 : vector<16xi32> to vector<16xi32>
    %sub3A_534 = vector.broadcast %mul3A_41 : i32 to vector<16xi32>
    %sub3A_535 = arith.subi %get3A_533, %sub3A_534 : vector<16xi32>
    %get3A_536 = arith.constant 256 : index
    %get3A_537 = tpu.vector_load %arg6[%get3A_536] {strides = array<i32>} : memref<1024xi32, #tpu.memory_space<vmem>>, vector<16xi32>,
    %get3A_538 = vector.shape_cast %get3A_537 : vector<16xi32> to vector<16xi32>
    %mul3A_539 = arith.constant 1024 : i32
    %mul3A_540 = vector.broadcast %mul3A_539 : i32 to vector<16xi32>
    %mul3A_541 = arith.muli %sub3A_535, %mul3A_540 : vector<16xi32>
    %add3A_542 = arith.addi %mul3A_541, %get3A_538 : vector<16xi32>
    %ge3A_543 = arith.constant 0 : i32
    %ge3A_544 = vector.broadcast %ge3A_543 : i32 to vector<16xi32>
    %ge3A_545 = arith.cmpi sge, %sub3A_535, %ge3A_544 : vector<16xi32>
    %lt3A_546 = arith.constant 512 : i32
    %lt3A_547 = vector.broadcast %lt3A_546 : i32 to vector<16xi32>
    %lt3A_548 = arith.cmpi slt, %sub3A_535, %lt3A_547 : vector<16xi32>
    %and3A_549 = arith.andi %ge3A_545, %lt3A_548 : vector<16xi1>
    %mul3A_550 = arith.constant 16 : i32
    %mul3A_551 = arith.muli %arg1, %mul3A_550 : i32
    %add3A_552 = arith.constant 524288 : i32
    %add3A_553 = arith.addi %add3A_552, %mul3A_551 : i32
    %broadcast_in_dim3A_554 = vector.broadcast %add3A_553 : i32 to vector<16xi32>
    %select_n3A_555 = arith.select %and3A_549, %add3A_542, %broadcast_in_dim3A_554 : vector<16xi1>, vector<16xi32>
    %swap3A_556 = arith.constant 2 : i32
    %swap3A_557 = arith.index_cast %swap3A_556 : i32 to index
    %swap3A_558 = arith.constant 0 : index
    %swap3A_559 = tpu.vector_load %arg8[%swap3A_557, %swap3A_558] {strides = array<i32>} : memref<8x128xi32, #tpu.memory_space<vmem>>, vector<1x16xi32>,
    %swap3A_560 = vector.shape_cast %swap3A_559 : vector<1x16xi32> to vector<16xi32>
    %swap3A_561 = vector.shape_cast %select_n3A_555 : vector<16xi32> to vector<1x16xi32>
    tpu.vector_store %arg8[%swap3A_557, %swap3A_558], %swap3A_561 {strides = array<i32>} : memref<8x128xi32, #tpu.memory_space<vmem>>, vector<1x16xi32>,
    %get3A_562 = arith.constant 272 : index
    %get3A_563 = tpu.vector_load %arg5[%get3A_562] {strides = array<i32>} : memref<1024xi32, #tpu.memory_space<vmem>>, vector<16xi32>,
    %get3A_564 = vector.shape_cast %get3A_563 : vector<16xi32> to vector<16xi32>
    %sub3A_565 = vector.broadcast %mul3A_41 : i32 to vector<16xi32>
    %sub3A_566 = arith.subi %get3A_564, %sub3A_565 : vector<16xi32>
    %get3A_567 = arith.constant 272 : index
    %get3A_568 = tpu.vector_load %arg6[%get3A_567] {strides = array<i32>} : memref<1024xi32, #tpu.memory_space<vmem>>, vector<16xi32>,
    %get3A_569 = vector.shape_cast %get3A_568 : vector<16xi32> to vector<16xi32>
    %mul3A_570 = arith.constant 1024 : i32
    %mul3A_571 = vector.broadcast %mul3A_570 : i32 to vector<16xi32>
    %mul3A_572 = arith.muli %sub3A_566, %mul3A_571 : vector<16xi32>
    %add3A_573 = arith.addi %mul3A_572, %get3A_569 : vector<16xi32>
    %ge3A_574 = arith.constant 0 : i32
    %ge3A_575 = vector.broadcast %ge3A_574 : i32 to vector<16xi32>
    %ge3A_576 = arith.cmpi sge, %sub3A_566, %ge3A_575 : vector<16xi32>
    %lt3A_577 = arith.constant 512 : i32
    %lt3A_578 = vector.broadcast %lt3A_577 : i32 to vector<16xi32>
    %lt3A_579 = arith.cmpi slt, %sub3A_566, %lt3A_578 : vector<16xi32>
    %and3A_580 = arith.andi %ge3A_576, %lt3A_579 : vector<16xi1>
    %mul3A_581 = arith.constant 16 : i32
    %mul3A_582 = arith.muli %arg1, %mul3A_581 : i32
    %add3A_583 = arith.constant 524288 : i32
    %add3A_584 = arith.addi %add3A_583, %mul3A_582 : i32
    %broadcast_in_dim3A_585 = vector.broadcast %add3A_584 : i32 to vector<16xi32>
    %select_n3A_586 = arith.select %and3A_580, %add3A_573, %broadcast_in_dim3A_585 : vector<16xi1>, vector<16xi32>
    %swap3A_587 = arith.constant 2 : i32
    %swap3A_588 = arith.index_cast %swap3A_587 : i32 to index
    %swap3A_589 = arith.constant 16 : index
    %swap3A_590 = tpu.vector_load %arg8[%swap3A_588, %swap3A_589] {strides = array<i32>} : memref<8x128xi32, #tpu.memory_space<vmem>>, vector<1x16xi32>,
    %swap3A_591 = vector.shape_cast %swap3A_590 : vector<1x16xi32> to vector<16xi32>
    %swap3A_592 = vector.shape_cast %select_n3A_586 : vector<16xi32> to vector<1x16xi32>
    tpu.vector_store %arg8[%swap3A_588, %swap3A_589], %swap3A_592 {strides = array<i32>} : memref<8x128xi32, #tpu.memory_space<vmem>>, vector<1x16xi32>,
    %get3A_593 = arith.constant 288 : index
    %get3A_594 = tpu.vector_load %arg5[%get3A_593] {strides = array<i32>} : memref<1024xi32, #tpu.memory_space<vmem>>, vector<16xi32>,
    %get3A_595 = vector.shape_cast %get3A_594 : vector<16xi32> to vector<16xi32>
    %sub3A_596 = vector.broadcast %mul3A_41 : i32 to vector<16xi32>
    %sub3A_597 = arith.subi %get3A_595, %sub3A_596 : vector<16xi32>
    %get3A_598 = arith.constant 288 : index
    %get3A_599 = tpu.vector_load %arg6[%get3A_598] {strides = array<i32>} : memref<1024xi32, #tpu.memory_space<vmem>>, vector<16xi32>,
    %get3A_600 = vector.shape_cast %get3A_599 : vector<16xi32> to vector<16xi32>
    %mul3A_601 = arith.constant 1024 : i32
    %mul3A_602 = vector.broadcast %mul3A_601 : i32 to vector<16xi32>
    %mul3A_603 = arith.muli %sub3A_597, %mul3A_602 : vector<16xi32>
    %add3A_604 = arith.addi %mul3A_603, %get3A_600 : vector<16xi32>
    %ge3A_605 = arith.constant 0 : i32
    %ge3A_606 = vector.broadcast %ge3A_605 : i32 to vector<16xi32>
    %ge3A_607 = arith.cmpi sge, %sub3A_597, %ge3A_606 : vector<16xi32>
    %lt3A_608 = arith.constant 512 : i32
    %lt3A_609 = vector.broadcast %lt3A_608 : i32 to vector<16xi32>
    %lt3A_610 = arith.cmpi slt, %sub3A_597, %lt3A_609 : vector<16xi32>
    %and3A_611 = arith.andi %ge3A_607, %lt3A_610 : vector<16xi1>
    %mul3A_612 = arith.constant 16 : i32
    %mul3A_613 = arith.muli %arg1, %mul3A_612 : i32
    %add3A_614 = arith.constant 524288 : i32
    %add3A_615 = arith.addi %add3A_614, %mul3A_613 : i32
    %broadcast_in_dim3A_616 = vector.broadcast %add3A_615 : i32 to vector<16xi32>
    %select_n3A_617 = arith.select %and3A_611, %add3A_604, %broadcast_in_dim3A_616 : vector<16xi1>, vector<16xi32>
    %swap3A_618 = arith.constant 2 : i32
    %swap3A_619 = arith.index_cast %swap3A_618 : i32 to index
    %swap3A_620 = arith.constant 32 : index
    %swap3A_621 = tpu.vector_load %arg8[%swap3A_619, %swap3A_620] {strides = array<i32>} : memref<8x128xi32, #tpu.memory_space<vmem>>, vector<1x16xi32>,
    %swap3A_622 = vector.shape_cast %swap3A_621 : vector<1x16xi32> to vector<16xi32>
    %swap3A_623 = vector.shape_cast %select_n3A_617 : vector<16xi32> to vector<1x16xi32>
    tpu.vector_store %arg8[%swap3A_619, %swap3A_620], %swap3A_623 {strides = array<i32>} : memref<8x128xi32, #tpu.memory_space<vmem>>, vector<1x16xi32>,
    %get3A_624 = arith.constant 304 : index
    %get3A_625 = tpu.vector_load %arg5[%get3A_624] {strides = array<i32>} : memref<1024xi32, #tpu.memory_space<vmem>>, vector<16xi32>,
    %get3A_626 = vector.shape_cast %get3A_625 : vector<16xi32> to vector<16xi32>
    %sub3A_627 = vector.broadcast %mul3A_41 : i32 to vector<16xi32>
    %sub3A_628 = arith.subi %get3A_626, %sub3A_627 : vector<16xi32>
    %get3A_629 = arith.constant 304 : index
    %get3A_630 = tpu.vector_load %arg6[%get3A_629] {strides = array<i32>} : memref<1024xi32, #tpu.memory_space<vmem>>, vector<16xi32>,
    %get3A_631 = vector.shape_cast %get3A_630 : vector<16xi32> to vector<16xi32>
    %mul3A_632 = arith.constant 1024 : i32
    %mul3A_633 = vector.broadcast %mul3A_632 : i32 to vector<16xi32>
    %mul3A_634 = arith.muli %sub3A_628, %mul3A_633 : vector<16xi32>
    %add3A_635 = arith.addi %mul3A_634, %get3A_631 : vector<16xi32>
    %ge3A_636 = arith.constant 0 : i32
    %ge3A_637 = vector.broadcast %ge3A_636 : i32 to vector<16xi32>
    %ge3A_638 = arith.cmpi sge, %sub3A_628, %ge3A_637 : vector<16xi32>
    %lt3A_639 = arith.constant 512 : i32
    %lt3A_640 = vector.broadcast %lt3A_639 : i32 to vector<16xi32>
    %lt3A_641 = arith.cmpi slt, %sub3A_628, %lt3A_640 : vector<16xi32>
    %and3A_642 = arith.andi %ge3A_638, %lt3A_641 : vector<16xi1>
    %mul3A_643 = arith.constant 16 : i32
    %mul3A_644 = arith.muli %arg1, %mul3A_643 : i32
    %add3A_645 = arith.constant 524288 : i32
    %add3A_646 = arith.addi %add3A_645, %mul3A_644 : i32
    %broadcast_in_dim3A_647 = vector.broadcast %add3A_646 : i32 to vector<16xi32>
    %select_n3A_648 = arith.select %and3A_642, %add3A_635, %broadcast_in_dim3A_647 : vector<16xi1>, vector<16xi32>
    %swap3A_649 = arith.constant 2 : i32
    %swap3A_650 = arith.index_cast %swap3A_649 : i32 to index
    %swap3A_651 = arith.constant 48 : index
    %swap3A_652 = tpu.vector_load %arg8[%swap3A_650, %swap3A_651] {strides = array<i32>} : memref<8x128xi32, #tpu.memory_space<vmem>>, vector<1x16xi32>,
    %swap3A_653 = vector.shape_cast %swap3A_652 : vector<1x16xi32> to vector<16xi32>
    %swap3A_654 = vector.shape_cast %select_n3A_648 : vector<16xi32> to vector<1x16xi32>
    tpu.vector_store %arg8[%swap3A_650, %swap3A_651], %swap3A_654 {strides = array<i32>} : memref<8x128xi32, #tpu.memory_space<vmem>>, vector<1x16xi32>,
    %get3A_655 = arith.constant 320 : index
    %get3A_656 = tpu.vector_load %arg5[%get3A_655] {strides = array<i32>} : memref<1024xi32, #tpu.memory_space<vmem>>, vector<16xi32>,
    %get3A_657 = vector.shape_cast %get3A_656 : vector<16xi32> to vector<16xi32>
    %sub3A_658 = vector.broadcast %mul3A_41 : i32 to vector<16xi32>
    %sub3A_659 = arith.subi %get3A_657, %sub3A_658 : vector<16xi32>
    %get3A_660 = arith.constant 320 : index
    %get3A_661 = tpu.vector_load %arg6[%get3A_660] {strides = array<i32>} : memref<1024xi32, #tpu.memory_space<vmem>>, vector<16xi32>,
    %get3A_662 = vector.shape_cast %get3A_661 : vector<16xi32> to vector<16xi32>
    %mul3A_663 = arith.constant 1024 : i32
    %mul3A_664 = vector.broadcast %mul3A_663 : i32 to vector<16xi32>
    %mul3A_665 = arith.muli %sub3A_659, %mul3A_664 : vector<16xi32>
    %add3A_666 = arith.addi %mul3A_665, %get3A_662 : vector<16xi32>
    %ge3A_667 = arith.constant 0 : i32
    %ge3A_668 = vector.broadcast %ge3A_667 : i32 to vector<16xi32>
    %ge3A_669 = arith.cmpi sge, %sub3A_659, %ge3A_668 : vector<16xi32>
    %lt3A_670 = arith.constant 512 : i32
    %lt3A_671 = vector.broadcast %lt3A_670 : i32 to vector<16xi32>
    %lt3A_672 = arith.cmpi slt, %sub3A_659, %lt3A_671 : vector<16xi32>
    %and3A_673 = arith.andi %ge3A_669, %lt3A_672 : vector<16xi1>
    %mul3A_674 = arith.constant 16 : i32
    %mul3A_675 = arith.muli %arg1, %mul3A_674 : i32
    %add3A_676 = arith.constant 524288 : i32
    %add3A_677 = arith.addi %add3A_676, %mul3A_675 : i32
    %broadcast_in_dim3A_678 = vector.broadcast %add3A_677 : i32 to vector<16xi32>
    %select_n3A_679 = arith.select %and3A_673, %add3A_666, %broadcast_in_dim3A_678 : vector<16xi1>, vector<16xi32>
    %swap3A_680 = arith.constant 2 : i32
    %swap3A_681 = arith.index_cast %swap3A_680 : i32 to index
    %swap3A_682 = arith.constant 64 : index
    %swap3A_683 = tpu.vector_load %arg8[%swap3A_681, %swap3A_682] {strides = array<i32>} : memref<8x128xi32, #tpu.memory_space<vmem>>, vector<1x16xi32>,
    %swap3A_684 = vector.shape_cast %swap3A_683 : vector<1x16xi32> to vector<16xi32>
    %swap3A_685 = vector.shape_cast %select_n3A_679 : vector<16xi32> to vector<1x16xi32>
    tpu.vector_store %arg8[%swap3A_681, %swap3A_682], %swap3A_685 {strides = array<i32>} : memref<8x128xi32, #tpu.memory_space<vmem>>, vector<1x16xi32>,
    %get3A_686 = arith.constant 336 : index
    %get3A_687 = tpu.vector_load %arg5[%get3A_686] {strides = array<i32>} : memref<1024xi32, #tpu.memory_space<vmem>>, vector<16xi32>,
    %get3A_688 = vector.shape_cast %get3A_687 : vector<16xi32> to vector<16xi32>
    %sub3A_689 = vector.broadcast %mul3A_41 : i32 to vector<16xi32>
    %sub3A_690 = arith.subi %get3A_688, %sub3A_689 : vector<16xi32>
    %get3A_691 = arith.constant 336 : index
    %get3A_692 = tpu.vector_load %arg6[%get3A_691] {strides = array<i32>} : memref<1024xi32, #tpu.memory_space<vmem>>, vector<16xi32>,
    %get3A_693 = vector.shape_cast %get3A_692 : vector<16xi32> to vector<16xi32>
    %mul3A_694 = arith.constant 1024 : i32
    %mul3A_695 = vector.broadcast %mul3A_694 : i32 to vector<16xi32>
    %mul3A_696 = arith.muli %sub3A_690, %mul3A_695 : vector<16xi32>
    %add3A_697 = arith.addi %mul3A_696, %get3A_693 : vector<16xi32>
    %ge3A_698 = arith.constant 0 : i32
    %ge3A_699 = vector.broadcast %ge3A_698 : i32 to vector<16xi32>
    %ge3A_700 = arith.cmpi sge, %sub3A_690, %ge3A_699 : vector<16xi32>
    %lt3A_701 = arith.constant 512 : i32
    %lt3A_702 = vector.broadcast %lt3A_701 : i32 to vector<16xi32>
    %lt3A_703 = arith.cmpi slt, %sub3A_690, %lt3A_702 : vector<16xi32>
    %and3A_704 = arith.andi %ge3A_700, %lt3A_703 : vector<16xi1>
    %mul3A_705 = arith.constant 16 : i32
    %mul3A_706 = arith.muli %arg1, %mul3A_705 : i32
    %add3A_707 = arith.constant 524288 : i32
    %add3A_708 = arith.addi %add3A_707, %mul3A_706 : i32
    %broadcast_in_dim3A_709 = vector.broadcast %add3A_708 : i32 to vector<16xi32>
    %select_n3A_710 = arith.select %and3A_704, %add3A_697, %broadcast_in_dim3A_709 : vector<16xi1>, vector<16xi32>
    %swap3A_711 = arith.constant 2 : i32
    %swap3A_712 = arith.index_cast %swap3A_711 : i32 to index
    %swap3A_713 = arith.constant 80 : index
    %swap3A_714 = tpu.vector_load %arg8[%swap3A_712, %swap3A_713] {strides = array<i32>} : memref<8x128xi32, #tpu.memory_space<vmem>>, vector<1x16xi32>,
    %swap3A_715 = vector.shape_cast %swap3A_714 : vector<1x16xi32> to vector<16xi32>
    %swap3A_716 = vector.shape_cast %select_n3A_710 : vector<16xi32> to vector<1x16xi32>
    tpu.vector_store %arg8[%swap3A_712, %swap3A_713], %swap3A_716 {strides = array<i32>} : memref<8x128xi32, #tpu.memory_space<vmem>>, vector<1x16xi32>,
    %get3A_717 = arith.constant 352 : index
    %get3A_718 = tpu.vector_load %arg5[%get3A_717] {strides = array<i32>} : memref<1024xi32, #tpu.memory_space<vmem>>, vector<16xi32>,
    %get3A_719 = vector.shape_cast %get3A_718 : vector<16xi32> to vector<16xi32>
    %sub3A_720 = vector.broadcast %mul3A_41 : i32 to vector<16xi32>
    %sub3A_721 = arith.subi %get3A_719, %sub3A_720 : vector<16xi32>
    %get3A_722 = arith.constant 352 : index
    %get3A_723 = tpu.vector_load %arg6[%get3A_722] {strides = array<i32>} : memref<1024xi32, #tpu.memory_space<vmem>>, vector<16xi32>,
    %get3A_724 = vector.shape_cast %get3A_723 : vector<16xi32> to vector<16xi32>
    %mul3A_725 = arith.constant 1024 : i32
    %mul3A_726 = vector.broadcast %mul3A_725 : i32 to vector<16xi32>
    %mul3A_727 = arith.muli %sub3A_721, %mul3A_726 : vector<16xi32>
    %add3A_728 = arith.addi %mul3A_727, %get3A_724 : vector<16xi32>
    %ge3A_729 = arith.constant 0 : i32
    %ge3A_730 = vector.broadcast %ge3A_729 : i32 to vector<16xi32>
    %ge3A_731 = arith.cmpi sge, %sub3A_721, %ge3A_730 : vector<16xi32>
    %lt3A_732 = arith.constant 512 : i32
    %lt3A_733 = vector.broadcast %lt3A_732 : i32 to vector<16xi32>
    %lt3A_734 = arith.cmpi slt, %sub3A_721, %lt3A_733 : vector<16xi32>
    %and3A_735 = arith.andi %ge3A_731, %lt3A_734 : vector<16xi1>
    %mul3A_736 = arith.constant 16 : i32
    %mul3A_737 = arith.muli %arg1, %mul3A_736 : i32
    %add3A_738 = arith.constant 524288 : i32
    %add3A_739 = arith.addi %add3A_738, %mul3A_737 : i32
    %broadcast_in_dim3A_740 = vector.broadcast %add3A_739 : i32 to vector<16xi32>
    %select_n3A_741 = arith.select %and3A_735, %add3A_728, %broadcast_in_dim3A_740 : vector<16xi1>, vector<16xi32>
    %swap3A_742 = arith.constant 2 : i32
    %swap3A_743 = arith.index_cast %swap3A_742 : i32 to index
    %swap3A_744 = arith.constant 96 : index
    %swap3A_745 = tpu.vector_load %arg8[%swap3A_743, %swap3A_744] {strides = array<i32>} : memref<8x128xi32, #tpu.memory_space<vmem>>, vector<1x16xi32>,
    %swap3A_746 = vector.shape_cast %swap3A_745 : vector<1x16xi32> to vector<16xi32>
    %swap3A_747 = vector.shape_cast %select_n3A_741 : vector<16xi32> to vector<1x16xi32>
    tpu.vector_store %arg8[%swap3A_743, %swap3A_744], %swap3A_747 {strides = array<i32>} : memref<8x128xi32, #tpu.memory_space<vmem>>, vector<1x16xi32>,
    %get3A_748 = arith.constant 368 : index
    %get3A_749 = tpu.vector_load %arg5[%get3A_748] {strides = array<i32>} : memref<1024xi32, #tpu.memory_space<vmem>>, vector<16xi32>,
    %get3A_750 = vector.shape_cast %get3A_749 : vector<16xi32> to vector<16xi32>
    %sub3A_751 = vector.broadcast %mul3A_41 : i32 to vector<16xi32>
    %sub3A_752 = arith.subi %get3A_750, %sub3A_751 : vector<16xi32>
    %get3A_753 = arith.constant 368 : index
    %get3A_754 = tpu.vector_load %arg6[%get3A_753] {strides = array<i32>} : memref<1024xi32, #tpu.memory_space<vmem>>, vector<16xi32>,
    %get3A_755 = vector.shape_cast %get3A_754 : vector<16xi32> to vector<16xi32>
    %mul3A_756 = arith.constant 1024 : i32
    %mul3A_757 = vector.broadcast %mul3A_756 : i32 to vector<16xi32>
    %mul3A_758 = arith.muli %sub3A_752, %mul3A_757 : vector<16xi32>
    %add3A_759 = arith.addi %mul3A_758, %get3A_755 : vector<16xi32>
    %ge3A_760 = arith.constant 0 : i32
    %ge3A_761 = vector.broadcast %ge3A_760 : i32 to vector<16xi32>
    %ge3A_762 = arith.cmpi sge, %sub3A_752, %ge3A_761 : vector<16xi32>
    %lt3A_763 = arith.constant 512 : i32
    %lt3A_764 = vector.broadcast %lt3A_763 : i32 to vector<16xi32>
    %lt3A_765 = arith.cmpi slt, %sub3A_752, %lt3A_764 : vector<16xi32>
    %and3A_766 = arith.andi %ge3A_762, %lt3A_765 : vector<16xi1>
    %mul3A_767 = arith.constant 16 : i32
    %mul3A_768 = arith.muli %arg1, %mul3A_767 : i32
    %add3A_769 = arith.constant 524288 : i32
    %add3A_770 = arith.addi %add3A_769, %mul3A_768 : i32
    %broadcast_in_dim3A_771 = vector.broadcast %add3A_770 : i32 to vector<16xi32>
    %select_n3A_772 = arith.select %and3A_766, %add3A_759, %broadcast_in_dim3A_771 : vector<16xi1>, vector<16xi32>
    %swap3A_773 = arith.constant 2 : i32
    %swap3A_774 = arith.index_cast %swap3A_773 : i32 to index
    %swap3A_775 = arith.constant 112 : index
    %swap3A_776 = tpu.vector_load %arg8[%swap3A_774, %swap3A_775] {strides = array<i32>} : memref<8x128xi32, #tpu.memory_space<vmem>>, vector<1x16xi32>,
    %swap3A_777 = vector.shape_cast %swap3A_776 : vector<1x16xi32> to vector<16xi32>
    %swap3A_778 = vector.shape_cast %select_n3A_772 : vector<16xi32> to vector<1x16xi32>
    tpu.vector_store %arg8[%swap3A_774, %swap3A_775], %swap3A_778 {strides = array<i32>} : memref<8x128xi32, #tpu.memory_space<vmem>>, vector<1x16xi32>,
    %get3A_779 = arith.constant 384 : index
    %get3A_780 = tpu.vector_load %arg5[%get3A_779] {strides = array<i32>} : memref<1024xi32, #tpu.memory_space<vmem>>, vector<16xi32>,
    %get3A_781 = vector.shape_cast %get3A_780 : vector<16xi32> to vector<16xi32>
    %sub3A_782 = vector.broadcast %mul3A_41 : i32 to vector<16xi32>
    %sub3A_783 = arith.subi %get3A_781, %sub3A_782 : vector<16xi32>
    %get3A_784 = arith.constant 384 : index
    %get3A_785 = tpu.vector_load %arg6[%get3A_784] {strides = array<i32>} : memref<1024xi32, #tpu.memory_space<vmem>>, vector<16xi32>,
    %get3A_786 = vector.shape_cast %get3A_785 : vector<16xi32> to vector<16xi32>
    %mul3A_787 = arith.constant 1024 : i32
    %mul3A_788 = vector.broadcast %mul3A_787 : i32 to vector<16xi32>
    %mul3A_789 = arith.muli %sub3A_783, %mul3A_788 : vector<16xi32>
    %add3A_790 = arith.addi %mul3A_789, %get3A_786 : vector<16xi32>
    %ge3A_791 = arith.constant 0 : i32
    %ge3A_792 = vector.broadcast %ge3A_791 : i32 to vector<16xi32>
    %ge3A_793 = arith.cmpi sge, %sub3A_783, %ge3A_792 : vector<16xi32>
    %lt3A_794 = arith.constant 512 : i32
    %lt3A_795 = vector.broadcast %lt3A_794 : i32 to vector<16xi32>
    %lt3A_796 = arith.cmpi slt, %sub3A_783, %lt3A_795 : vector<16xi32>
    %and3A_797 = arith.andi %ge3A_793, %lt3A_796 : vector<16xi1>
    %mul3A_798 = arith.constant 16 : i32
    %mul3A_799 = arith.muli %arg1, %mul3A_798 : i32
    %add3A_800 = arith.constant 524288 : i32
    %add3A_801 = arith.addi %add3A_800, %mul3A_799 : i32
    %broadcast_in_dim3A_802 = vector.broadcast %add3A_801 : i32 to vector<16xi32>
    %select_n3A_803 = arith.select %and3A_797, %add3A_790, %broadcast_in_dim3A_802 : vector<16xi1>, vector<16xi32>
    %swap3A_804 = arith.constant 3 : i32
    %swap3A_805 = arith.index_cast %swap3A_804 : i32 to index
    %swap3A_806 = arith.constant 0 : index
    %swap3A_807 = tpu.vector_load %arg8[%swap3A_805, %swap3A_806] {strides = array<i32>} : memref<8x128xi32, #tpu.memory_space<vmem>>, vector<1x16xi32>,
    %swap3A_808 = vector.shape_cast %swap3A_807 : vector<1x16xi32> to vector<16xi32>
    %swap3A_809 = vector.shape_cast %select_n3A_803 : vector<16xi32> to vector<1x16xi32>
    tpu.vector_store %arg8[%swap3A_805, %swap3A_806], %swap3A_809 {strides = array<i32>} : memref<8x128xi32, #tpu.memory_space<vmem>>, vector<1x16xi32>,
    %get3A_810 = arith.constant 400 : index
    %get3A_811 = tpu.vector_load %arg5[%get3A_810] {strides = array<i32>} : memref<1024xi32, #tpu.memory_space<vmem>>, vector<16xi32>,
    %get3A_812 = vector.shape_cast %get3A_811 : vector<16xi32> to vector<16xi32>
    %sub3A_813 = vector.broadcast %mul3A_41 : i32 to vector<16xi32>
    %sub3A_814 = arith.subi %get3A_812, %sub3A_813 : vector<16xi32>
    %get3A_815 = arith.constant 400 : index
    %get3A_816 = tpu.vector_load %arg6[%get3A_815] {strides = array<i32>} : memref<1024xi32, #tpu.memory_space<vmem>>, vector<16xi32>,
    %get3A_817 = vector.shape_cast %get3A_816 : vector<16xi32> to vector<16xi32>
    %mul3A_818 = arith.constant 1024 : i32
    %mul3A_819 = vector.broadcast %mul3A_818 : i32 to vector<16xi32>
    %mul3A_820 = arith.muli %sub3A_814, %mul3A_819 : vector<16xi32>
    %add3A_821 = arith.addi %mul3A_820, %get3A_817 : vector<16xi32>
    %ge3A_822 = arith.constant 0 : i32
    %ge3A_823 = vector.broadcast %ge3A_822 : i32 to vector<16xi32>
    %ge3A_824 = arith.cmpi sge, %sub3A_814, %ge3A_823 : vector<16xi32>
    %lt3A_825 = arith.constant 512 : i32
    %lt3A_826 = vector.broadcast %lt3A_825 : i32 to vector<16xi32>
    %lt3A_827 = arith.cmpi slt, %sub3A_814, %lt3A_826 : vector<16xi32>
    %and3A_828 = arith.andi %ge3A_824, %lt3A_827 : vector<16xi1>
    %mul3A_829 = arith.constant 16 : i32
    %mul3A_830 = arith.muli %arg1, %mul3A_829 : i32
    %add3A_831 = arith.constant 524288 : i32
    %add3A_832 = arith.addi %add3A_831, %mul3A_830 : i32
    %broadcast_in_dim3A_833 = vector.broadcast %add3A_832 : i32 to vector<16xi32>
    %select_n3A_834 = arith.select %and3A_828, %add3A_821, %broadcast_in_dim3A_833 : vector<16xi1>, vector<16xi32>
    %swap3A_835 = arith.constant 3 : i32
    %swap3A_836 = arith.index_cast %swap3A_835 : i32 to index
    %swap3A_837 = arith.constant 16 : index
    %swap3A_838 = tpu.vector_load %arg8[%swap3A_836, %swap3A_837] {strides = array<i32>} : memref<8x128xi32, #tpu.memory_space<vmem>>, vector<1x16xi32>,
    %swap3A_839 = vector.shape_cast %swap3A_838 : vector<1x16xi32> to vector<16xi32>
    %swap3A_840 = vector.shape_cast %select_n3A_834 : vector<16xi32> to vector<1x16xi32>
    tpu.vector_store %arg8[%swap3A_836, %swap3A_837], %swap3A_840 {strides = array<i32>} : memref<8x128xi32, #tpu.memory_space<vmem>>, vector<1x16xi32>,
    %get3A_841 = arith.constant 416 : index
    %get3A_842 = tpu.vector_load %arg5[%get3A_841] {strides = array<i32>} : memref<1024xi32, #tpu.memory_space<vmem>>, vector<16xi32>,
    %get3A_843 = vector.shape_cast %get3A_842 : vector<16xi32> to vector<16xi32>
    %sub3A_844 = vector.broadcast %mul3A_41 : i32 to vector<16xi32>
    %sub3A_845 = arith.subi %get3A_843, %sub3A_844 : vector<16xi32>
    %get3A_846 = arith.constant 416 : index
    %get3A_847 = tpu.vector_load %arg6[%get3A_846] {strides = array<i32>} : memref<1024xi32, #tpu.memory_space<vmem>>, vector<16xi32>,
    %get3A_848 = vector.shape_cast %get3A_847 : vector<16xi32> to vector<16xi32>
    %mul3A_849 = arith.constant 1024 : i32
    %mul3A_850 = vector.broadcast %mul3A_849 : i32 to vector<16xi32>
    %mul3A_851 = arith.muli %sub3A_845, %mul3A_850 : vector<16xi32>
    %add3A_852 = arith.addi %mul3A_851, %get3A_848 : vector<16xi32>
    %ge3A_853 = arith.constant 0 : i32
    %ge3A_854 = vector.broadcast %ge3A_853 : i32 to vector<16xi32>
    %ge3A_855 = arith.cmpi sge, %sub3A_845, %ge3A_854 : vector<16xi32>
    %lt3A_856 = arith.constant 512 : i32
    %lt3A_857 = vector.broadcast %lt3A_856 : i32 to vector<16xi32>
    %lt3A_858 = arith.cmpi slt, %sub3A_845, %lt3A_857 : vector<16xi32>
    %and3A_859 = arith.andi %ge3A_855, %lt3A_858 : vector<16xi1>
    %mul3A_860 = arith.constant 16 : i32
    %mul3A_861 = arith.muli %arg1, %mul3A_860 : i32
    %add3A_862 = arith.constant 524288 : i32
    %add3A_863 = arith.addi %add3A_862, %mul3A_861 : i32
    %broadcast_in_dim3A_864 = vector.broadcast %add3A_863 : i32 to vector<16xi32>
    %select_n3A_865 = arith.select %and3A_859, %add3A_852, %broadcast_in_dim3A_864 : vector<16xi1>, vector<16xi32>
    %swap3A_866 = arith.constant 3 : i32
    %swap3A_867 = arith.index_cast %swap3A_866 : i32 to index
    %swap3A_868 = arith.constant 32 : index
    %swap3A_869 = tpu.vector_load %arg8[%swap3A_867, %swap3A_868] {strides = array<i32>} : memref<8x128xi32, #tpu.memory_space<vmem>>, vector<1x16xi32>,
    %swap3A_870 = vector.shape_cast %swap3A_869 : vector<1x16xi32> to vector<16xi32>
    %swap3A_871 = vector.shape_cast %select_n3A_865 : vector<16xi32> to vector<1x16xi32>
    tpu.vector_store %arg8[%swap3A_867, %swap3A_868], %swap3A_871 {strides = array<i32>} : memref<8x128xi32, #tpu.memory_space<vmem>>, vector<1x16xi32>,
    %get3A_872 = arith.constant 432 : index
    %get3A_873 = tpu.vector_load %arg5[%get3A_872] {strides = array<i32>} : memref<1024xi32, #tpu.memory_space<vmem>>, vector<16xi32>,
    %get3A_874 = vector.shape_cast %get3A_873 : vector<16xi32> to vector<16xi32>
    %sub3A_875 = vector.broadcast %mul3A_41 : i32 to vector<16xi32>
    %sub3A_876 = arith.subi %get3A_874, %sub3A_875 : vector<16xi32>
    %get3A_877 = arith.constant 432 : index
    %get3A_878 = tpu.vector_load %arg6[%get3A_877] {strides = array<i32>} : memref<1024xi32, #tpu.memory_space<vmem>>, vector<16xi32>,
    %get3A_879 = vector.shape_cast %get3A_878 : vector<16xi32> to vector<16xi32>
    %mul3A_880 = arith.constant 1024 : i32
    %mul3A_881 = vector.broadcast %mul3A_880 : i32 to vector<16xi32>
    %mul3A_882 = arith.muli %sub3A_876, %mul3A_881 : vector<16xi32>
    %add3A_883 = arith.addi %mul3A_882, %get3A_879 : vector<16xi32>
    %ge3A_884 = arith.constant 0 : i32
    %ge3A_885 = vector.broadcast %ge3A_884 : i32 to vector<16xi32>
    %ge3A_886 = arith.cmpi sge, %sub3A_876, %ge3A_885 : vector<16xi32>
    %lt3A_887 = arith.constant 512 : i32
    %lt3A_888 = vector.broadcast %lt3A_887 : i32 to vector<16xi32>
    %lt3A_889 = arith.cmpi slt, %sub3A_876, %lt3A_888 : vector<16xi32>
    %and3A_890 = arith.andi %ge3A_886, %lt3A_889 : vector<16xi1>
    %mul3A_891 = arith.constant 16 : i32
    %mul3A_892 = arith.muli %arg1, %mul3A_891 : i32
    %add3A_893 = arith.constant 524288 : i32
    %add3A_894 = arith.addi %add3A_893, %mul3A_892 : i32
    %broadcast_in_dim3A_895 = vector.broadcast %add3A_894 : i32 to vector<16xi32>
    %select_n3A_896 = arith.select %and3A_890, %add3A_883, %broadcast_in_dim3A_895 : vector<16xi1>, vector<16xi32>
    %swap3A_897 = arith.constant 3 : i32
    %swap3A_898 = arith.index_cast %swap3A_897 : i32 to index
    %swap3A_899 = arith.constant 48 : index
    %swap3A_900 = tpu.vector_load %arg8[%swap3A_898, %swap3A_899] {strides = array<i32>} : memref<8x128xi32, #tpu.memory_space<vmem>>, vector<1x16xi32>,
    %swap3A_901 = vector.shape_cast %swap3A_900 : vector<1x16xi32> to vector<16xi32>
    %swap3A_902 = vector.shape_cast %select_n3A_896 : vector<16xi32> to vector<1x16xi32>
    tpu.vector_store %arg8[%swap3A_898, %swap3A_899], %swap3A_902 {strides = array<i32>} : memref<8x128xi32, #tpu.memory_space<vmem>>, vector<1x16xi32>,
    %get3A_903 = arith.constant 448 : index
    %get3A_904 = tpu.vector_load %arg5[%get3A_903] {strides = array<i32>} : memref<1024xi32, #tpu.memory_space<vmem>>, vector<16xi32>,
    %get3A_905 = vector.shape_cast %get3A_904 : vector<16xi32> to vector<16xi32>
    %sub3A_906 = vector.broadcast %mul3A_41 : i32 to vector<16xi32>
    %sub3A_907 = arith.subi %get3A_905, %sub3A_906 : vector<16xi32>
    %get3A_908 = arith.constant 448 : index
    %get3A_909 = tpu.vector_load %arg6[%get3A_908] {strides = array<i32>} : memref<1024xi32, #tpu.memory_space<vmem>>, vector<16xi32>,
    %get3A_910 = vector.shape_cast %get3A_909 : vector<16xi32> to vector<16xi32>
    %mul3A_911 = arith.constant 1024 : i32
    %mul3A_912 = vector.broadcast %mul3A_911 : i32 to vector<16xi32>
    %mul3A_913 = arith.muli %sub3A_907, %mul3A_912 : vector<16xi32>
    %add3A_914 = arith.addi %mul3A_913, %get3A_910 : vector<16xi32>
    %ge3A_915 = arith.constant 0 : i32
    %ge3A_916 = vector.broadcast %ge3A_915 : i32 to vector<16xi32>
    %ge3A_917 = arith.cmpi sge, %sub3A_907, %ge3A_916 : vector<16xi32>
    %lt3A_918 = arith.constant 512 : i32
    %lt3A_919 = vector.broadcast %lt3A_918 : i32 to vector<16xi32>
    %lt3A_920 = arith.cmpi slt, %sub3A_907, %lt3A_919 : vector<16xi32>
    %and3A_921 = arith.andi %ge3A_917, %lt3A_920 : vector<16xi1>
    %mul3A_922 = arith.constant 16 : i32
    %mul3A_923 = arith.muli %arg1, %mul3A_922 : i32
    %add3A_924 = arith.constant 524288 : i32
    %add3A_925 = arith.addi %add3A_924, %mul3A_923 : i32
    %broadcast_in_dim3A_926 = vector.broadcast %add3A_925 : i32 to vector<16xi32>
    %select_n3A_927 = arith.select %and3A_921, %add3A_914, %broadcast_in_dim3A_926 : vector<16xi1>, vector<16xi32>
    %swap3A_928 = arith.constant 3 : i32
    %swap3A_929 = arith.index_cast %swap3A_928 : i32 to index
    %swap3A_930 = arith.constant 64 : index
    %swap3A_931 = tpu.vector_load %arg8[%swap3A_929, %swap3A_930] {strides = array<i32>} : memref<8x128xi32, #tpu.memory_space<vmem>>, vector<1x16xi32>,
    %swap3A_932 = vector.shape_cast %swap3A_931 : vector<1x16xi32> to vector<16xi32>
    %swap3A_933 = vector.shape_cast %select_n3A_927 : vector<16xi32> to vector<1x16xi32>
    tpu.vector_store %arg8[%swap3A_929, %swap3A_930], %swap3A_933 {strides = array<i32>} : memref<8x128xi32, #tpu.memory_space<vmem>>, vector<1x16xi32>,
    %get3A_934 = arith.constant 464 : index
    %get3A_935 = tpu.vector_load %arg5[%get3A_934] {strides = array<i32>} : memref<1024xi32, #tpu.memory_space<vmem>>, vector<16xi32>,
    %get3A_936 = vector.shape_cast %get3A_935 : vector<16xi32> to vector<16xi32>
    %sub3A_937 = vector.broadcast %mul3A_41 : i32 to vector<16xi32>
    %sub3A_938 = arith.subi %get3A_936, %sub3A_937 : vector<16xi32>
    %get3A_939 = arith.constant 464 : index
    %get3A_940 = tpu.vector_load %arg6[%get3A_939] {strides = array<i32>} : memref<1024xi32, #tpu.memory_space<vmem>>, vector<16xi32>,
    %get3A_941 = vector.shape_cast %get3A_940 : vector<16xi32> to vector<16xi32>
    %mul3A_942 = arith.constant 1024 : i32
    %mul3A_943 = vector.broadcast %mul3A_942 : i32 to vector<16xi32>
    %mul3A_944 = arith.muli %sub3A_938, %mul3A_943 : vector<16xi32>
    %add3A_945 = arith.addi %mul3A_944, %get3A_941 : vector<16xi32>
    %ge3A_946 = arith.constant 0 : i32
    %ge3A_947 = vector.broadcast %ge3A_946 : i32 to vector<16xi32>
    %ge3A_948 = arith.cmpi sge, %sub3A_938, %ge3A_947 : vector<16xi32>
    %lt3A_949 = arith.constant 512 : i32
    %lt3A_950 = vector.broadcast %lt3A_949 : i32 to vector<16xi32>
    %lt3A_951 = arith.cmpi slt, %sub3A_938, %lt3A_950 : vector<16xi32>
    %and3A_952 = arith.andi %ge3A_948, %lt3A_951 : vector<16xi1>
    %mul3A_953 = arith.constant 16 : i32
    %mul3A_954 = arith.muli %arg1, %mul3A_953 : i32
    %add3A_955 = arith.constant 524288 : i32
    %add3A_956 = arith.addi %add3A_955, %mul3A_954 : i32
    %broadcast_in_dim3A_957 = vector.broadcast %add3A_956 : i32 to vector<16xi32>
    %select_n3A_958 = arith.select %and3A_952, %add3A_945, %broadcast_in_dim3A_957 : vector<16xi1>, vector<16xi32>
    %swap3A_959 = arith.constant 3 : i32
    %swap3A_960 = arith.index_cast %swap3A_959 : i32 to index
    %swap3A_961 = arith.constant 80 : index
    %swap3A_962 = tpu.vector_load %arg8[%swap3A_960, %swap3A_961] {strides = array<i32>} : memref<8x128xi32, #tpu.memory_space<vmem>>, vector<1x16xi32>,
    %swap3A_963 = vector.shape_cast %swap3A_962 : vector<1x16xi32> to vector<16xi32>
    %swap3A_964 = vector.shape_cast %select_n3A_958 : vector<16xi32> to vector<1x16xi32>
    tpu.vector_store %arg8[%swap3A_960, %swap3A_961], %swap3A_964 {strides = array<i32>} : memref<8x128xi32, #tpu.memory_space<vmem>>, vector<1x16xi32>,
    %get3A_965 = arith.constant 480 : index
    %get3A_966 = tpu.vector_load %arg5[%get3A_965] {strides = array<i32>} : memref<1024xi32, #tpu.memory_space<vmem>>, vector<16xi32>,
    %get3A_967 = vector.shape_cast %get3A_966 : vector<16xi32> to vector<16xi32>
    %sub3A_968 = vector.broadcast %mul3A_41 : i32 to vector<16xi32>
    %sub3A_969 = arith.subi %get3A_967, %sub3A_968 : vector<16xi32>
    %get3A_970 = arith.constant 480 : index
    %get3A_971 = tpu.vector_load %arg6[%get3A_970] {strides = array<i32>} : memref<1024xi32, #tpu.memory_space<vmem>>, vector<16xi32>,
    %get3A_972 = vector.shape_cast %get3A_971 : vector<16xi32> to vector<16xi32>
    %mul3A_973 = arith.constant 1024 : i32
    %mul3A_974 = vector.broadcast %mul3A_973 : i32 to vector<16xi32>
    %mul3A_975 = arith.muli %sub3A_969, %mul3A_974 : vector<16xi32>
    %add3A_976 = arith.addi %mul3A_975, %get3A_972 : vector<16xi32>
    %ge3A_977 = arith.constant 0 : i32
    %ge3A_978 = vector.broadcast %ge3A_977 : i32 to vector<16xi32>
    %ge3A_979 = arith.cmpi sge, %sub3A_969, %ge3A_978 : vector<16xi32>
    %lt3A_980 = arith.constant 512 : i32
    %lt3A_981 = vector.broadcast %lt3A_980 : i32 to vector<16xi32>
    %lt3A_982 = arith.cmpi slt, %sub3A_969, %lt3A_981 : vector<16xi32>
    %and3A_983 = arith.andi %ge3A_979, %lt3A_982 : vector<16xi1>
    %mul3A_984 = arith.constant 16 : i32
    %mul3A_985 = arith.muli %arg1, %mul3A_984 : i32
    %add3A_986 = arith.constant 524288 : i32
    %add3A_987 = arith.addi %add3A_986, %mul3A_985 : i32
    %broadcast_in_dim3A_988 = vector.broadcast %add3A_987 : i32 to vector<16xi32>
    %select_n3A_989 = arith.select %and3A_983, %add3A_976, %broadcast_in_dim3A_988 : vector<16xi1>, vector<16xi32>
    %swap3A_990 = arith.constant 3 : i32
    %swap3A_991 = arith.index_cast %swap3A_990 : i32 to index
    %swap3A_992 = arith.constant 96 : index
    %swap3A_993 = tpu.vector_load %arg8[%swap3A_991, %swap3A_992] {strides = array<i32>} : memref<8x128xi32, #tpu.memory_space<vmem>>, vector<1x16xi32>,
    %swap3A_994 = vector.shape_cast %swap3A_993 : vector<1x16xi32> to vector<16xi32>
    %swap3A_995 = vector.shape_cast %select_n3A_989 : vector<16xi32> to vector<1x16xi32>
    tpu.vector_store %arg8[%swap3A_991, %swap3A_992], %swap3A_995 {strides = array<i32>} : memref<8x128xi32, #tpu.memory_space<vmem>>, vector<1x16xi32>,
    %get3A_996 = arith.constant 496 : index
    %get3A_997 = tpu.vector_load %arg5[%get3A_996] {strides = array<i32>} : memref<1024xi32, #tpu.memory_space<vmem>>, vector<16xi32>,
    %get3A_998 = vector.shape_cast %get3A_997 : vector<16xi32> to vector<16xi32>
    %sub3A_999 = vector.broadcast %mul3A_41 : i32 to vector<16xi32>
    %sub3A_1000 = arith.subi %get3A_998, %sub3A_999 : vector<16xi32>
    %get3A_1001 = arith.constant 496 : index
    %get3A_1002 = tpu.vector_load %arg6[%get3A_1001] {strides = array<i32>} : memref<1024xi32, #tpu.memory_space<vmem>>, vector<16xi32>,
    %get3A_1003 = vector.shape_cast %get3A_1002 : vector<16xi32> to vector<16xi32>
    %mul3A_1004 = arith.constant 1024 : i32
    %mul3A_1005 = vector.broadcast %mul3A_1004 : i32 to vector<16xi32>
    %mul3A_1006 = arith.muli %sub3A_1000, %mul3A_1005 : vector<16xi32>
    %add3A_1007 = arith.addi %mul3A_1006, %get3A_1003 : vector<16xi32>
    %ge3A_1008 = arith.constant 0 : i32
    %ge3A_1009 = vector.broadcast %ge3A_1008 : i32 to vector<16xi32>
    %ge3A_1010 = arith.cmpi sge, %sub3A_1000, %ge3A_1009 : vector<16xi32>
    %lt3A_1011 = arith.constant 512 : i32
    %lt3A_1012 = vector.broadcast %lt3A_1011 : i32 to vector<16xi32>
    %lt3A_1013 = arith.cmpi slt, %sub3A_1000, %lt3A_1012 : vector<16xi32>
    %and3A_1014 = arith.andi %ge3A_1010, %lt3A_1013 : vector<16xi1>
    %mul3A_1015 = arith.constant 16 : i32
    %mul3A_1016 = arith.muli %arg1, %mul3A_1015 : i32
    %add3A_1017 = arith.constant 524288 : i32
    %add3A_1018 = arith.addi %add3A_1017, %mul3A_1016 : i32
    %broadcast_in_dim3A_1019 = vector.broadcast %add3A_1018 : i32 to vector<16xi32>
    %select_n3A_1020 = arith.select %and3A_1014, %add3A_1007, %broadcast_in_dim3A_1019 : vector<16xi1>, vector<16xi32>
    %swap3A_1021 = arith.constant 3 : i32
    %swap3A_1022 = arith.index_cast %swap3A_1021 : i32 to index
    %swap3A_1023 = arith.constant 112 : index
    %swap3A_1024 = tpu.vector_load %arg8[%swap3A_1022, %swap3A_1023] {strides = array<i32>} : memref<8x128xi32, #tpu.memory_space<vmem>>, vector<1x16xi32>,
    %swap3A_1025 = vector.shape_cast %swap3A_1024 : vector<1x16xi32> to vector<16xi32>
    %swap3A_1026 = vector.shape_cast %select_n3A_1020 : vector<16xi32> to vector<1x16xi32>
    tpu.vector_store %arg8[%swap3A_1022, %swap3A_1023], %swap3A_1026 {strides = array<i32>} : memref<8x128xi32, #tpu.memory_space<vmem>>, vector<1x16xi32>,
    %get3A_1027 = arith.constant 512 : index
    %get3A_1028 = tpu.vector_load %arg5[%get3A_1027] {strides = array<i32>} : memref<1024xi32, #tpu.memory_space<vmem>>, vector<16xi32>,
    %get3A_1029 = vector.shape_cast %get3A_1028 : vector<16xi32> to vector<16xi32>
    %sub3A_1030 = vector.broadcast %mul3A_41 : i32 to vector<16xi32>
    %sub3A_1031 = arith.subi %get3A_1029, %sub3A_1030 : vector<16xi32>
    %get3A_1032 = arith.constant 512 : index
    %get3A_1033 = tpu.vector_load %arg6[%get3A_1032] {strides = array<i32>} : memref<1024xi32, #tpu.memory_space<vmem>>, vector<16xi32>,
    %get3A_1034 = vector.shape_cast %get3A_1033 : vector<16xi32> to vector<16xi32>
    %mul3A_1035 = arith.constant 1024 : i32
    %mul3A_1036 = vector.broadcast %mul3A_1035 : i32 to vector<16xi32>
    %mul3A_1037 = arith.muli %sub3A_1031, %mul3A_1036 : vector<16xi32>
    %add3A_1038 = arith.addi %mul3A_1037, %get3A_1034 : vector<16xi32>
    %ge3A_1039 = arith.constant 0 : i32
    %ge3A_1040 = vector.broadcast %ge3A_1039 : i32 to vector<16xi32>
    %ge3A_1041 = arith.cmpi sge, %sub3A_1031, %ge3A_1040 : vector<16xi32>
    %lt3A_1042 = arith.constant 512 : i32
    %lt3A_1043 = vector.broadcast %lt3A_1042 : i32 to vector<16xi32>
    %lt3A_1044 = arith.cmpi slt, %sub3A_1031, %lt3A_1043 : vector<16xi32>
    %and3A_1045 = arith.andi %ge3A_1041, %lt3A_1044 : vector<16xi1>
    %mul3A_1046 = arith.constant 16 : i32
    %mul3A_1047 = arith.muli %arg1, %mul3A_1046 : i32
    %add3A_1048 = arith.constant 524288 : i32
    %add3A_1049 = arith.addi %add3A_1048, %mul3A_1047 : i32
    %broadcast_in_dim3A_1050 = vector.broadcast %add3A_1049 : i32 to vector<16xi32>
    %select_n3A_1051 = arith.select %and3A_1045, %add3A_1038, %broadcast_in_dim3A_1050 : vector<16xi1>, vector<16xi32>
    %swap3A_1052 = arith.constant 4 : i32
    %swap3A_1053 = arith.index_cast %swap3A_1052 : i32 to index
    %swap3A_1054 = arith.constant 0 : index
    %swap3A_1055 = tpu.vector_load %arg8[%swap3A_1053, %swap3A_1054] {strides = array<i32>} : memref<8x128xi32, #tpu.memory_space<vmem>>, vector<1x16xi32>,
    %swap3A_1056 = vector.shape_cast %swap3A_1055 : vector<1x16xi32> to vector<16xi32>
    %swap3A_1057 = vector.shape_cast %select_n3A_1051 : vector<16xi32> to vector<1x16xi32>
    tpu.vector_store %arg8[%swap3A_1053, %swap3A_1054], %swap3A_1057 {strides = array<i32>} : memref<8x128xi32, #tpu.memory_space<vmem>>, vector<1x16xi32>,
    %get3A_1058 = arith.constant 528 : index
    %get3A_1059 = tpu.vector_load %arg5[%get3A_1058] {strides = array<i32>} : memref<1024xi32, #tpu.memory_space<vmem>>, vector<16xi32>,
    %get3A_1060 = vector.shape_cast %get3A_1059 : vector<16xi32> to vector<16xi32>
    %sub3A_1061 = vector.broadcast %mul3A_41 : i32 to vector<16xi32>
    %sub3A_1062 = arith.subi %get3A_1060, %sub3A_1061 : vector<16xi32>
    %get3A_1063 = arith.constant 528 : index
    %get3A_1064 = tpu.vector_load %arg6[%get3A_1063] {strides = array<i32>} : memref<1024xi32, #tpu.memory_space<vmem>>, vector<16xi32>,
    %get3A_1065 = vector.shape_cast %get3A_1064 : vector<16xi32> to vector<16xi32>
    %mul3A_1066 = arith.constant 1024 : i32
    %mul3A_1067 = vector.broadcast %mul3A_1066 : i32 to vector<16xi32>
    %mul3A_1068 = arith.muli %sub3A_1062, %mul3A_1067 : vector<16xi32>
    %add3A_1069 = arith.addi %mul3A_1068, %get3A_1065 : vector<16xi32>
    %ge3A_1070 = arith.constant 0 : i32
    %ge3A_1071 = vector.broadcast %ge3A_1070 : i32 to vector<16xi32>
    %ge3A_1072 = arith.cmpi sge, %sub3A_1062, %ge3A_1071 : vector<16xi32>
    %lt3A_1073 = arith.constant 512 : i32
    %lt3A_1074 = vector.broadcast %lt3A_1073 : i32 to vector<16xi32>
    %lt3A_1075 = arith.cmpi slt, %sub3A_1062, %lt3A_1074 : vector<16xi32>
    %and3A_1076 = arith.andi %ge3A_1072, %lt3A_1075 : vector<16xi1>
    %mul3A_1077 = arith.constant 16 : i32
    %mul3A_1078 = arith.muli %arg1, %mul3A_1077 : i32
    %add3A_1079 = arith.constant 524288 : i32
    %add3A_1080 = arith.addi %add3A_1079, %mul3A_1078 : i32
    %broadcast_in_dim3A_1081 = vector.broadcast %add3A_1080 : i32 to vector<16xi32>
    %select_n3A_1082 = arith.select %and3A_1076, %add3A_1069, %broadcast_in_dim3A_1081 : vector<16xi1>, vector<16xi32>
    %swap3A_1083 = arith.constant 4 : i32
    %swap3A_1084 = arith.index_cast %swap3A_1083 : i32 to index
    %swap3A_1085 = arith.constant 16 : index
    %swap3A_1086 = tpu.vector_load %arg8[%swap3A_1084, %swap3A_1085] {strides = array<i32>} : memref<8x128xi32, #tpu.memory_space<vmem>>, vector<1x16xi32>,
    %swap3A_1087 = vector.shape_cast %swap3A_1086 : vector<1x16xi32> to vector<16xi32>
    %swap3A_1088 = vector.shape_cast %select_n3A_1082 : vector<16xi32> to vector<1x16xi32>
    tpu.vector_store %arg8[%swap3A_1084, %swap3A_1085], %swap3A_1088 {strides = array<i32>} : memref<8x128xi32, #tpu.memory_space<vmem>>, vector<1x16xi32>,
    %get3A_1089 = arith.constant 544 : index
    %get3A_1090 = tpu.vector_load %arg5[%get3A_1089] {strides = array<i32>} : memref<1024xi32, #tpu.memory_space<vmem>>, vector<16xi32>,
    %get3A_1091 = vector.shape_cast %get3A_1090 : vector<16xi32> to vector<16xi32>
    %sub3A_1092 = vector.broadcast %mul3A_41 : i32 to vector<16xi32>
    %sub3A_1093 = arith.subi %get3A_1091, %sub3A_1092 : vector<16xi32>
    %get3A_1094 = arith.constant 544 : index
    %get3A_1095 = tpu.vector_load %arg6[%get3A_1094] {strides = array<i32>} : memref<1024xi32, #tpu.memory_space<vmem>>, vector<16xi32>,
    %get3A_1096 = vector.shape_cast %get3A_1095 : vector<16xi32> to vector<16xi32>
    %mul3A_1097 = arith.constant 1024 : i32
    %mul3A_1098 = vector.broadcast %mul3A_1097 : i32 to vector<16xi32>
    %mul3A_1099 = arith.muli %sub3A_1093, %mul3A_1098 : vector<16xi32>
    %add3A_1100 = arith.addi %mul3A_1099, %get3A_1096 : vector<16xi32>
    %ge3A_1101 = arith.constant 0 : i32
    %ge3A_1102 = vector.broadcast %ge3A_1101 : i32 to vector<16xi32>
    %ge3A_1103 = arith.cmpi sge, %sub3A_1093, %ge3A_1102 : vector<16xi32>
    %lt3A_1104 = arith.constant 512 : i32
    %lt3A_1105 = vector.broadcast %lt3A_1104 : i32 to vector<16xi32>
    %lt3A_1106 = arith.cmpi slt, %sub3A_1093, %lt3A_1105 : vector<16xi32>
    %and3A_1107 = arith.andi %ge3A_1103, %lt3A_1106 : vector<16xi1>
    %mul3A_1108 = arith.constant 16 : i32
    %mul3A_1109 = arith.muli %arg1, %mul3A_1108 : i32
    %add3A_1110 = arith.constant 524288 : i32
    %add3A_1111 = arith.addi %add3A_1110, %mul3A_1109 : i32
    %broadcast_in_dim3A_1112 = vector.broadcast %add3A_1111 : i32 to vector<16xi32>
    %select_n3A_1113 = arith.select %and3A_1107, %add3A_1100, %broadcast_in_dim3A_1112 : vector<16xi1>, vector<16xi32>
    %swap3A_1114 = arith.constant 4 : i32
    %swap3A_1115 = arith.index_cast %swap3A_1114 : i32 to index
    %swap3A_1116 = arith.constant 32 : index
    %swap3A_1117 = tpu.vector_load %arg8[%swap3A_1115, %swap3A_1116] {strides = array<i32>} : memref<8x128xi32, #tpu.memory_space<vmem>>, vector<1x16xi32>,
    %swap3A_1118 = vector.shape_cast %swap3A_1117 : vector<1x16xi32> to vector<16xi32>
    %swap3A_1119 = vector.shape_cast %select_n3A_1113 : vector<16xi32> to vector<1x16xi32>
    tpu.vector_store %arg8[%swap3A_1115, %swap3A_1116], %swap3A_1119 {strides = array<i32>} : memref<8x128xi32, #tpu.memory_space<vmem>>, vector<1x16xi32>,
    %get3A_1120 = arith.constant 560 : index
    %get3A_1121 = tpu.vector_load %arg5[%get3A_1120] {strides = array<i32>} : memref<1024xi32, #tpu.memory_space<vmem>>, vector<16xi32>,
    %get3A_1122 = vector.shape_cast %get3A_1121 : vector<16xi32> to vector<16xi32>
    %sub3A_1123 = vector.broadcast %mul3A_41 : i32 to vector<16xi32>
    %sub3A_1124 = arith.subi %get3A_1122, %sub3A_1123 : vector<16xi32>
    %get3A_1125 = arith.constant 560 : index
    %get3A_1126 = tpu.vector_load %arg6[%get3A_1125] {strides = array<i32>} : memref<1024xi32, #tpu.memory_space<vmem>>, vector<16xi32>,
    %get3A_1127 = vector.shape_cast %get3A_1126 : vector<16xi32> to vector<16xi32>
    %mul3A_1128 = arith.constant 1024 : i32
    %mul3A_1129 = vector.broadcast %mul3A_1128 : i32 to vector<16xi32>
    %mul3A_1130 = arith.muli %sub3A_1124, %mul3A_1129 : vector<16xi32>
    %add3A_1131 = arith.addi %mul3A_1130, %get3A_1127 : vector<16xi32>
    %ge3A_1132 = arith.constant 0 : i32
    %ge3A_1133 = vector.broadcast %ge3A_1132 : i32 to vector<16xi32>
    %ge3A_1134 = arith.cmpi sge, %sub3A_1124, %ge3A_1133 : vector<16xi32>
    %lt3A_1135 = arith.constant 512 : i32
    %lt3A_1136 = vector.broadcast %lt3A_1135 : i32 to vector<16xi32>
    %lt3A_1137 = arith.cmpi slt, %sub3A_1124, %lt3A_1136 : vector<16xi32>
    %and3A_1138 = arith.andi %ge3A_1134, %lt3A_1137 : vector<16xi1>
    %mul3A_1139 = arith.constant 16 : i32
    %mul3A_1140 = arith.muli %arg1, %mul3A_1139 : i32
    %add3A_1141 = arith.constant 524288 : i32
    %add3A_1142 = arith.addi %add3A_1141, %mul3A_1140 : i32
    %broadcast_in_dim3A_1143 = vector.broadcast %add3A_1142 : i32 to vector<16xi32>
    %select_n3A_1144 = arith.select %and3A_1138, %add3A_1131, %broadcast_in_dim3A_1143 : vector<16xi1>, vector<16xi32>
    %swap3A_1145 = arith.constant 4 : i32
    %swap3A_1146 = arith.index_cast %swap3A_1145 : i32 to index
    %swap3A_1147 = arith.constant 48 : index
    %swap3A_1148 = tpu.vector_load %arg8[%swap3A_1146, %swap3A_1147] {strides = array<i32>} : memref<8x128xi32, #tpu.memory_space<vmem>>, vector<1x16xi32>,
    %swap3A_1149 = vector.shape_cast %swap3A_1148 : vector<1x16xi32> to vector<16xi32>
    %swap3A_1150 = vector.shape_cast %select_n3A_1144 : vector<16xi32> to vector<1x16xi32>
    tpu.vector_store %arg8[%swap3A_1146, %swap3A_1147], %swap3A_1150 {strides = array<i32>} : memref<8x128xi32, #tpu.memory_space<vmem>>, vector<1x16xi32>,
    %get3A_1151 = arith.constant 576 : index
    %get3A_1152 = tpu.vector_load %arg5[%get3A_1151] {strides = array<i32>} : memref<1024xi32, #tpu.memory_space<vmem>>, vector<16xi32>,
    %get3A_1153 = vector.shape_cast %get3A_1152 : vector<16xi32> to vector<16xi32>
    %sub3A_1154 = vector.broadcast %mul3A_41 : i32 to vector<16xi32>
    %sub3A_1155 = arith.subi %get3A_1153, %sub3A_1154 : vector<16xi32>
    %get3A_1156 = arith.constant 576 : index
    %get3A_1157 = tpu.vector_load %arg6[%get3A_1156] {strides = array<i32>} : memref<1024xi32, #tpu.memory_space<vmem>>, vector<16xi32>,
    %get3A_1158 = vector.shape_cast %get3A_1157 : vector<16xi32> to vector<16xi32>
    %mul3A_1159 = arith.constant 1024 : i32
    %mul3A_1160 = vector.broadcast %mul3A_1159 : i32 to vector<16xi32>
    %mul3A_1161 = arith.muli %sub3A_1155, %mul3A_1160 : vector<16xi32>
    %add3A_1162 = arith.addi %mul3A_1161, %get3A_1158 : vector<16xi32>
    %ge3A_1163 = arith.constant 0 : i32
    %ge3A_1164 = vector.broadcast %ge3A_1163 : i32 to vector<16xi32>
    %ge3A_1165 = arith.cmpi sge, %sub3A_1155, %ge3A_1164 : vector<16xi32>
    %lt3A_1166 = arith.constant 512 : i32
    %lt3A_1167 = vector.broadcast %lt3A_1166 : i32 to vector<16xi32>
    %lt3A_1168 = arith.cmpi slt, %sub3A_1155, %lt3A_1167 : vector<16xi32>
    %and3A_1169 = arith.andi %ge3A_1165, %lt3A_1168 : vector<16xi1>
    %mul3A_1170 = arith.constant 16 : i32
    %mul3A_1171 = arith.muli %arg1, %mul3A_1170 : i32
    %add3A_1172 = arith.constant 524288 : i32
    %add3A_1173 = arith.addi %add3A_1172, %mul3A_1171 : i32
    %broadcast_in_dim3A_1174 = vector.broadcast %add3A_1173 : i32 to vector<16xi32>
    %select_n3A_1175 = arith.select %and3A_1169, %add3A_1162, %broadcast_in_dim3A_1174 : vector<16xi1>, vector<16xi32>
    %swap3A_1176 = arith.constant 4 : i32
    %swap3A_1177 = arith.index_cast %swap3A_1176 : i32 to index
    %swap3A_1178 = arith.constant 64 : index
    %swap3A_1179 = tpu.vector_load %arg8[%swap3A_1177, %swap3A_1178] {strides = array<i32>} : memref<8x128xi32, #tpu.memory_space<vmem>>, vector<1x16xi32>,
    %swap3A_1180 = vector.shape_cast %swap3A_1179 : vector<1x16xi32> to vector<16xi32>
    %swap3A_1181 = vector.shape_cast %select_n3A_1175 : vector<16xi32> to vector<1x16xi32>
    tpu.vector_store %arg8[%swap3A_1177, %swap3A_1178], %swap3A_1181 {strides = array<i32>} : memref<8x128xi32, #tpu.memory_space<vmem>>, vector<1x16xi32>,
    %get3A_1182 = arith.constant 592 : index
    %get3A_1183 = tpu.vector_load %arg5[%get3A_1182] {strides = array<i32>} : memref<1024xi32, #tpu.memory_space<vmem>>, vector<16xi32>,
    %get3A_1184 = vector.shape_cast %get3A_1183 : vector<16xi32> to vector<16xi32>
    %sub3A_1185 = vector.broadcast %mul3A_41 : i32 to vector<16xi32>
    %sub3A_1186 = arith.subi %get3A_1184, %sub3A_1185 : vector<16xi32>
    %get3A_1187 = arith.constant 592 : index
    %get3A_1188 = tpu.vector_load %arg6[%get3A_1187] {strides = array<i32>} : memref<1024xi32, #tpu.memory_space<vmem>>, vector<16xi32>,
    %get3A_1189 = vector.shape_cast %get3A_1188 : vector<16xi32> to vector<16xi32>
    %mul3A_1190 = arith.constant 1024 : i32
    %mul3A_1191 = vector.broadcast %mul3A_1190 : i32 to vector<16xi32>
    %mul3A_1192 = arith.muli %sub3A_1186, %mul3A_1191 : vector<16xi32>
    %add3A_1193 = arith.addi %mul3A_1192, %get3A_1189 : vector<16xi32>
    %ge3A_1194 = arith.constant 0 : i32
    %ge3A_1195 = vector.broadcast %ge3A_1194 : i32 to vector<16xi32>
    %ge3A_1196 = arith.cmpi sge, %sub3A_1186, %ge3A_1195 : vector<16xi32>
    %lt3A_1197 = arith.constant 512 : i32
    %lt3A_1198 = vector.broadcast %lt3A_1197 : i32 to vector<16xi32>
    %lt3A_1199 = arith.cmpi slt, %sub3A_1186, %lt3A_1198 : vector<16xi32>
    %and3A_1200 = arith.andi %ge3A_1196, %lt3A_1199 : vector<16xi1>
    %mul3A_1201 = arith.constant 16 : i32
    %mul3A_1202 = arith.muli %arg1, %mul3A_1201 : i32
    %add3A_1203 = arith.constant 524288 : i32
    %add3A_1204 = arith.addi %add3A_1203, %mul3A_1202 : i32
    %broadcast_in_dim3A_1205 = vector.broadcast %add3A_1204 : i32 to vector<16xi32>
    %select_n3A_1206 = arith.select %and3A_1200, %add3A_1193, %broadcast_in_dim3A_1205 : vector<16xi1>, vector<16xi32>
    %swap3A_1207 = arith.constant 4 : i32
    %swap3A_1208 = arith.index_cast %swap3A_1207 : i32 to index
    %swap3A_1209 = arith.constant 80 : index
    %swap3A_1210 = tpu.vector_load %arg8[%swap3A_1208, %swap3A_1209] {strides = array<i32>} : memref<8x128xi32, #tpu.memory_space<vmem>>, vector<1x16xi32>,
    %swap3A_1211 = vector.shape_cast %swap3A_1210 : vector<1x16xi32> to vector<16xi32>
    %swap3A_1212 = vector.shape_cast %select_n3A_1206 : vector<16xi32> to vector<1x16xi32>
    tpu.vector_store %arg8[%swap3A_1208, %swap3A_1209], %swap3A_1212 {strides = array<i32>} : memref<8x128xi32, #tpu.memory_space<vmem>>, vector<1x16xi32>,
    %get3A_1213 = arith.constant 608 : index
    %get3A_1214 = tpu.vector_load %arg5[%get3A_1213] {strides = array<i32>} : memref<1024xi32, #tpu.memory_space<vmem>>, vector<16xi32>,
    %get3A_1215 = vector.shape_cast %get3A_1214 : vector<16xi32> to vector<16xi32>
    %sub3A_1216 = vector.broadcast %mul3A_41 : i32 to vector<16xi32>
    %sub3A_1217 = arith.subi %get3A_1215, %sub3A_1216 : vector<16xi32>
    %get3A_1218 = arith.constant 608 : index
    %get3A_1219 = tpu.vector_load %arg6[%get3A_1218] {strides = array<i32>} : memref<1024xi32, #tpu.memory_space<vmem>>, vector<16xi32>,
    %get3A_1220 = vector.shape_cast %get3A_1219 : vector<16xi32> to vector<16xi32>
    %mul3A_1221 = arith.constant 1024 : i32
    %mul3A_1222 = vector.broadcast %mul3A_1221 : i32 to vector<16xi32>
    %mul3A_1223 = arith.muli %sub3A_1217, %mul3A_1222 : vector<16xi32>
    %add3A_1224 = arith.addi %mul3A_1223, %get3A_1220 : vector<16xi32>
    %ge3A_1225 = arith.constant 0 : i32
    %ge3A_1226 = vector.broadcast %ge3A_1225 : i32 to vector<16xi32>
    %ge3A_1227 = arith.cmpi sge, %sub3A_1217, %ge3A_1226 : vector<16xi32>
    %lt3A_1228 = arith.constant 512 : i32
    %lt3A_1229 = vector.broadcast %lt3A_1228 : i32 to vector<16xi32>
    %lt3A_1230 = arith.cmpi slt, %sub3A_1217, %lt3A_1229 : vector<16xi32>
    %and3A_1231 = arith.andi %ge3A_1227, %lt3A_1230 : vector<16xi1>
    %mul3A_1232 = arith.constant 16 : i32
    %mul3A_1233 = arith.muli %arg1, %mul3A_1232 : i32
    %add3A_1234 = arith.constant 524288 : i32
    %add3A_1235 = arith.addi %add3A_1234, %mul3A_1233 : i32
    %broadcast_in_dim3A_1236 = vector.broadcast %add3A_1235 : i32 to vector<16xi32>
    %select_n3A_1237 = arith.select %and3A_1231, %add3A_1224, %broadcast_in_dim3A_1236 : vector<16xi1>, vector<16xi32>
    %swap3A_1238 = arith.constant 4 : i32
    %swap3A_1239 = arith.index_cast %swap3A_1238 : i32 to index
    %swap3A_1240 = arith.constant 96 : index
    %swap3A_1241 = tpu.vector_load %arg8[%swap3A_1239, %swap3A_1240] {strides = array<i32>} : memref<8x128xi32, #tpu.memory_space<vmem>>, vector<1x16xi32>,
    %swap3A_1242 = vector.shape_cast %swap3A_1241 : vector<1x16xi32> to vector<16xi32>
    %swap3A_1243 = vector.shape_cast %select_n3A_1237 : vector<16xi32> to vector<1x16xi32>
    tpu.vector_store %arg8[%swap3A_1239, %swap3A_1240], %swap3A_1243 {strides = array<i32>} : memref<8x128xi32, #tpu.memory_space<vmem>>, vector<1x16xi32>,
    %get3A_1244 = arith.constant 624 : index
    %get3A_1245 = tpu.vector_load %arg5[%get3A_1244] {strides = array<i32>} : memref<1024xi32, #tpu.memory_space<vmem>>, vector<16xi32>,
    %get3A_1246 = vector.shape_cast %get3A_1245 : vector<16xi32> to vector<16xi32>
    %sub3A_1247 = vector.broadcast %mul3A_41 : i32 to vector<16xi32>
    %sub3A_1248 = arith.subi %get3A_1246, %sub3A_1247 : vector<16xi32>
    %get3A_1249 = arith.constant 624 : index
    %get3A_1250 = tpu.vector_load %arg6[%get3A_1249] {strides = array<i32>} : memref<1024xi32, #tpu.memory_space<vmem>>, vector<16xi32>,
    %get3A_1251 = vector.shape_cast %get3A_1250 : vector<16xi32> to vector<16xi32>
    %mul3A_1252 = arith.constant 1024 : i32
    %mul3A_1253 = vector.broadcast %mul3A_1252 : i32 to vector<16xi32>
    %mul3A_1254 = arith.muli %sub3A_1248, %mul3A_1253 : vector<16xi32>
    %add3A_1255 = arith.addi %mul3A_1254, %get3A_1251 : vector<16xi32>
    %ge3A_1256 = arith.constant 0 : i32
    %ge3A_1257 = vector.broadcast %ge3A_1256 : i32 to vector<16xi32>
    %ge3A_1258 = arith.cmpi sge, %sub3A_1248, %ge3A_1257 : vector<16xi32>
    %lt3A_1259 = arith.constant 512 : i32
    %lt3A_1260 = vector.broadcast %lt3A_1259 : i32 to vector<16xi32>
    %lt3A_1261 = arith.cmpi slt, %sub3A_1248, %lt3A_1260 : vector<16xi32>
    %and3A_1262 = arith.andi %ge3A_1258, %lt3A_1261 : vector<16xi1>
    %mul3A_1263 = arith.constant 16 : i32
    %mul3A_1264 = arith.muli %arg1, %mul3A_1263 : i32
    %add3A_1265 = arith.constant 524288 : i32
    %add3A_1266 = arith.addi %add3A_1265, %mul3A_1264 : i32
    %broadcast_in_dim3A_1267 = vector.broadcast %add3A_1266 : i32 to vector<16xi32>
    %select_n3A_1268 = arith.select %and3A_1262, %add3A_1255, %broadcast_in_dim3A_1267 : vector<16xi1>, vector<16xi32>
    %swap3A_1269 = arith.constant 4 : i32
    %swap3A_1270 = arith.index_cast %swap3A_1269 : i32 to index
    %swap3A_1271 = arith.constant 112 : index
    %swap3A_1272 = tpu.vector_load %arg8[%swap3A_1270, %swap3A_1271] {strides = array<i32>} : memref<8x128xi32, #tpu.memory_space<vmem>>, vector<1x16xi32>,
    %swap3A_1273 = vector.shape_cast %swap3A_1272 : vector<1x16xi32> to vector<16xi32>
    %swap3A_1274 = vector.shape_cast %select_n3A_1268 : vector<16xi32> to vector<1x16xi32>
    tpu.vector_store %arg8[%swap3A_1270, %swap3A_1271], %swap3A_1274 {strides = array<i32>} : memref<8x128xi32, #tpu.memory_space<vmem>>, vector<1x16xi32>,
    %get3A_1275 = arith.constant 640 : index
    %get3A_1276 = tpu.vector_load %arg5[%get3A_1275] {strides = array<i32>} : memref<1024xi32, #tpu.memory_space<vmem>>, vector<16xi32>,
    %get3A_1277 = vector.shape_cast %get3A_1276 : vector<16xi32> to vector<16xi32>
    %sub3A_1278 = vector.broadcast %mul3A_41 : i32 to vector<16xi32>
    %sub3A_1279 = arith.subi %get3A_1277, %sub3A_1278 : vector<16xi32>
    %get3A_1280 = arith.constant 640 : index
    %get3A_1281 = tpu.vector_load %arg6[%get3A_1280] {strides = array<i32>} : memref<1024xi32, #tpu.memory_space<vmem>>, vector<16xi32>,
    %get3A_1282 = vector.shape_cast %get3A_1281 : vector<16xi32> to vector<16xi32>
    %mul3A_1283 = arith.constant 1024 : i32
    %mul3A_1284 = vector.broadcast %mul3A_1283 : i32 to vector<16xi32>
    %mul3A_1285 = arith.muli %sub3A_1279, %mul3A_1284 : vector<16xi32>
    %add3A_1286 = arith.addi %mul3A_1285, %get3A_1282 : vector<16xi32>
    %ge3A_1287 = arith.constant 0 : i32
    %ge3A_1288 = vector.broadcast %ge3A_1287 : i32 to vector<16xi32>
    %ge3A_1289 = arith.cmpi sge, %sub3A_1279, %ge3A_1288 : vector<16xi32>
    %lt3A_1290 = arith.constant 512 : i32
    %lt3A_1291 = vector.broadcast %lt3A_1290 : i32 to vector<16xi32>
    %lt3A_1292 = arith.cmpi slt, %sub3A_1279, %lt3A_1291 : vector<16xi32>
    %and3A_1293 = arith.andi %ge3A_1289, %lt3A_1292 : vector<16xi1>
    %mul3A_1294 = arith.constant 16 : i32
    %mul3A_1295 = arith.muli %arg1, %mul3A_1294 : i32
    %add3A_1296 = arith.constant 524288 : i32
    %add3A_1297 = arith.addi %add3A_1296, %mul3A_1295 : i32
    %broadcast_in_dim3A_1298 = vector.broadcast %add3A_1297 : i32 to vector<16xi32>
    %select_n3A_1299 = arith.select %and3A_1293, %add3A_1286, %broadcast_in_dim3A_1298 : vector<16xi1>, vector<16xi32>
    %swap3A_1300 = arith.constant 5 : i32
    %swap3A_1301 = arith.index_cast %swap3A_1300 : i32 to index
    %swap3A_1302 = arith.constant 0 : index
    %swap3A_1303 = tpu.vector_load %arg8[%swap3A_1301, %swap3A_1302] {strides = array<i32>} : memref<8x128xi32, #tpu.memory_space<vmem>>, vector<1x16xi32>,
    %swap3A_1304 = vector.shape_cast %swap3A_1303 : vector<1x16xi32> to vector<16xi32>
    %swap3A_1305 = vector.shape_cast %select_n3A_1299 : vector<16xi32> to vector<1x16xi32>
    tpu.vector_store %arg8[%swap3A_1301, %swap3A_1302], %swap3A_1305 {strides = array<i32>} : memref<8x128xi32, #tpu.memory_space<vmem>>, vector<1x16xi32>,
    %get3A_1306 = arith.constant 656 : index
    %get3A_1307 = tpu.vector_load %arg5[%get3A_1306] {strides = array<i32>} : memref<1024xi32, #tpu.memory_space<vmem>>, vector<16xi32>,
    %get3A_1308 = vector.shape_cast %get3A_1307 : vector<16xi32> to vector<16xi32>
    %sub3A_1309 = vector.broadcast %mul3A_41 : i32 to vector<16xi32>
    %sub3A_1310 = arith.subi %get3A_1308, %sub3A_1309 : vector<16xi32>
    %get3A_1311 = arith.constant 656 : index
    %get3A_1312 = tpu.vector_load %arg6[%get3A_1311] {strides = array<i32>} : memref<1024xi32, #tpu.memory_space<vmem>>, vector<16xi32>,
    %get3A_1313 = vector.shape_cast %get3A_1312 : vector<16xi32> to vector<16xi32>
    %mul3A_1314 = arith.constant 1024 : i32
    %mul3A_1315 = vector.broadcast %mul3A_1314 : i32 to vector<16xi32>
    %mul3A_1316 = arith.muli %sub3A_1310, %mul3A_1315 : vector<16xi32>
    %add3A_1317 = arith.addi %mul3A_1316, %get3A_1313 : vector<16xi32>
    %ge3A_1318 = arith.constant 0 : i32
    %ge3A_1319 = vector.broadcast %ge3A_1318 : i32 to vector<16xi32>
    %ge3A_1320 = arith.cmpi sge, %sub3A_1310, %ge3A_1319 : vector<16xi32>
    %lt3A_1321 = arith.constant 512 : i32
    %lt3A_1322 = vector.broadcast %lt3A_1321 : i32 to vector<16xi32>
    %lt3A_1323 = arith.cmpi slt, %sub3A_1310, %lt3A_1322 : vector<16xi32>
    %and3A_1324 = arith.andi %ge3A_1320, %lt3A_1323 : vector<16xi1>
    %mul3A_1325 = arith.constant 16 : i32
    %mul3A_1326 = arith.muli %arg1, %mul3A_1325 : i32
    %add3A_1327 = arith.constant 524288 : i32
    %add3A_1328 = arith.addi %add3A_1327, %mul3A_1326 : i32
    %broadcast_in_dim3A_1329 = vector.broadcast %add3A_1328 : i32 to vector<16xi32>
    %select_n3A_1330 = arith.select %and3A_1324, %add3A_1317, %broadcast_in_dim3A_1329 : vector<16xi1>, vector<16xi32>
    %swap3A_1331 = arith.constant 5 : i32
    %swap3A_1332 = arith.index_cast %swap3A_1331 : i32 to index
    %swap3A_1333 = arith.constant 16 : index
    %swap3A_1334 = tpu.vector_load %arg8[%swap3A_1332, %swap3A_1333] {strides = array<i32>} : memref<8x128xi32, #tpu.memory_space<vmem>>, vector<1x16xi32>,
    %swap3A_1335 = vector.shape_cast %swap3A_1334 : vector<1x16xi32> to vector<16xi32>
    %swap3A_1336 = vector.shape_cast %select_n3A_1330 : vector<16xi32> to vector<1x16xi32>
    tpu.vector_store %arg8[%swap3A_1332, %swap3A_1333], %swap3A_1336 {strides = array<i32>} : memref<8x128xi32, #tpu.memory_space<vmem>>, vector<1x16xi32>,
    %get3A_1337 = arith.constant 672 : index
    %get3A_1338 = tpu.vector_load %arg5[%get3A_1337] {strides = array<i32>} : memref<1024xi32, #tpu.memory_space<vmem>>, vector<16xi32>,
    %get3A_1339 = vector.shape_cast %get3A_1338 : vector<16xi32> to vector<16xi32>
    %sub3A_1340 = vector.broadcast %mul3A_41 : i32 to vector<16xi32>
    %sub3A_1341 = arith.subi %get3A_1339, %sub3A_1340 : vector<16xi32>
    %get3A_1342 = arith.constant 672 : index
    %get3A_1343 = tpu.vector_load %arg6[%get3A_1342] {strides = array<i32>} : memref<1024xi32, #tpu.memory_space<vmem>>, vector<16xi32>,
    %get3A_1344 = vector.shape_cast %get3A_1343 : vector<16xi32> to vector<16xi32>
    %mul3A_1345 = arith.constant 1024 : i32
    %mul3A_1346 = vector.broadcast %mul3A_1345 : i32 to vector<16xi32>
    %mul3A_1347 = arith.muli %sub3A_1341, %mul3A_1346 : vector<16xi32>
    %add3A_1348 = arith.addi %mul3A_1347, %get3A_1344 : vector<16xi32>
    %ge3A_1349 = arith.constant 0 : i32
    %ge3A_1350 = vector.broadcast %ge3A_1349 : i32 to vector<16xi32>
    %ge3A_1351 = arith.cmpi sge, %sub3A_1341, %ge3A_1350 : vector<16xi32>
    %lt3A_1352 = arith.constant 512 : i32
    %lt3A_1353 = vector.broadcast %lt3A_1352 : i32 to vector<16xi32>
    %lt3A_1354 = arith.cmpi slt, %sub3A_1341, %lt3A_1353 : vector<16xi32>
    %and3A_1355 = arith.andi %ge3A_1351, %lt3A_1354 : vector<16xi1>
    %mul3A_1356 = arith.constant 16 : i32
    %mul3A_1357 = arith.muli %arg1, %mul3A_1356 : i32
    %add3A_1358 = arith.constant 524288 : i32
    %add3A_1359 = arith.addi %add3A_1358, %mul3A_1357 : i32
    %broadcast_in_dim3A_1360 = vector.broadcast %add3A_1359 : i32 to vector<16xi32>
    %select_n3A_1361 = arith.select %and3A_1355, %add3A_1348, %broadcast_in_dim3A_1360 : vector<16xi1>, vector<16xi32>
    %swap3A_1362 = arith.constant 5 : i32
    %swap3A_1363 = arith.index_cast %swap3A_1362 : i32 to index
    %swap3A_1364 = arith.constant 32 : index
    %swap3A_1365 = tpu.vector_load %arg8[%swap3A_1363, %swap3A_1364] {strides = array<i32>} : memref<8x128xi32, #tpu.memory_space<vmem>>, vector<1x16xi32>,
    %swap3A_1366 = vector.shape_cast %swap3A_1365 : vector<1x16xi32> to vector<16xi32>
    %swap3A_1367 = vector.shape_cast %select_n3A_1361 : vector<16xi32> to vector<1x16xi32>
    tpu.vector_store %arg8[%swap3A_1363, %swap3A_1364], %swap3A_1367 {strides = array<i32>} : memref<8x128xi32, #tpu.memory_space<vmem>>, vector<1x16xi32>,
    %get3A_1368 = arith.constant 688 : index
    %get3A_1369 = tpu.vector_load %arg5[%get3A_1368] {strides = array<i32>} : memref<1024xi32, #tpu.memory_space<vmem>>, vector<16xi32>,
    %get3A_1370 = vector.shape_cast %get3A_1369 : vector<16xi32> to vector<16xi32>
    %sub3A_1371 = vector.broadcast %mul3A_41 : i32 to vector<16xi32>
    %sub3A_1372 = arith.subi %get3A_1370, %sub3A_1371 : vector<16xi32>
    %get3A_1373 = arith.constant 688 : index
    %get3A_1374 = tpu.vector_load %arg6[%get3A_1373] {strides = array<i32>} : memref<1024xi32, #tpu.memory_space<vmem>>, vector<16xi32>,
    %get3A_1375 = vector.shape_cast %get3A_1374 : vector<16xi32> to vector<16xi32>
    %mul3A_1376 = arith.constant 1024 : i32
    %mul3A_1377 = vector.broadcast %mul3A_1376 : i32 to vector<16xi32>
    %mul3A_1378 = arith.muli %sub3A_1372, %mul3A_1377 : vector<16xi32>
    %add3A_1379 = arith.addi %mul3A_1378, %get3A_1375 : vector<16xi32>
    %ge3A_1380 = arith.constant 0 : i32
    %ge3A_1381 = vector.broadcast %ge3A_1380 : i32 to vector<16xi32>
    %ge3A_1382 = arith.cmpi sge, %sub3A_1372, %ge3A_1381 : vector<16xi32>
    %lt3A_1383 = arith.constant 512 : i32
    %lt3A_1384 = vector.broadcast %lt3A_1383 : i32 to vector<16xi32>
    %lt3A_1385 = arith.cmpi slt, %sub3A_1372, %lt3A_1384 : vector<16xi32>
    %and3A_1386 = arith.andi %ge3A_1382, %lt3A_1385 : vector<16xi1>
    %mul3A_1387 = arith.constant 16 : i32
    %mul3A_1388 = arith.muli %arg1, %mul3A_1387 : i32
    %add3A_1389 = arith.constant 524288 : i32
    %add3A_1390 = arith.addi %add3A_1389, %mul3A_1388 : i32
    %broadcast_in_dim3A_1391 = vector.broadcast %add3A_1390 : i32 to vector<16xi32>
    %select_n3A_1392 = arith.select %and3A_1386, %add3A_1379, %broadcast_in_dim3A_1391 : vector<16xi1>, vector<16xi32>
    %swap3A_1393 = arith.constant 5 : i32
    %swap3A_1394 = arith.index_cast %swap3A_1393 : i32 to index
    %swap3A_1395 = arith.constant 48 : index
    %swap3A_1396 = tpu.vector_load %arg8[%swap3A_1394, %swap3A_1395] {strides = array<i32>} : memref<8x128xi32, #tpu.memory_space<vmem>>, vector<1x16xi32>,
    %swap3A_1397 = vector.shape_cast %swap3A_1396 : vector<1x16xi32> to vector<16xi32>
    %swap3A_1398 = vector.shape_cast %select_n3A_1392 : vector<16xi32> to vector<1x16xi32>
    tpu.vector_store %arg8[%swap3A_1394, %swap3A_1395], %swap3A_1398 {strides = array<i32>} : memref<8x128xi32, #tpu.memory_space<vmem>>, vector<1x16xi32>,
    %get3A_1399 = arith.constant 704 : index
    %get3A_1400 = tpu.vector_load %arg5[%get3A_1399] {strides = array<i32>} : memref<1024xi32, #tpu.memory_space<vmem>>, vector<16xi32>,
    %get3A_1401 = vector.shape_cast %get3A_1400 : vector<16xi32> to vector<16xi32>
    %sub3A_1402 = vector.broadcast %mul3A_41 : i32 to vector<16xi32>
    %sub3A_1403 = arith.subi %get3A_1401, %sub3A_1402 : vector<16xi32>
    %get3A_1404 = arith.constant 704 : index
    %get3A_1405 = tpu.vector_load %arg6[%get3A_1404] {strides = array<i32>} : memref<1024xi32, #tpu.memory_space<vmem>>, vector<16xi32>,
    %get3A_1406 = vector.shape_cast %get3A_1405 : vector<16xi32> to vector<16xi32>
    %mul3A_1407 = arith.constant 1024 : i32
    %mul3A_1408 = vector.broadcast %mul3A_1407 : i32 to vector<16xi32>
    %mul3A_1409 = arith.muli %sub3A_1403, %mul3A_1408 : vector<16xi32>
    %add3A_1410 = arith.addi %mul3A_1409, %get3A_1406 : vector<16xi32>
    %ge3A_1411 = arith.constant 0 : i32
    %ge3A_1412 = vector.broadcast %ge3A_1411 : i32 to vector<16xi32>
    %ge3A_1413 = arith.cmpi sge, %sub3A_1403, %ge3A_1412 : vector<16xi32>
    %lt3A_1414 = arith.constant 512 : i32
    %lt3A_1415 = vector.broadcast %lt3A_1414 : i32 to vector<16xi32>
    %lt3A_1416 = arith.cmpi slt, %sub3A_1403, %lt3A_1415 : vector<16xi32>
    %and3A_1417 = arith.andi %ge3A_1413, %lt3A_1416 : vector<16xi1>
    %mul3A_1418 = arith.constant 16 : i32
    %mul3A_1419 = arith.muli %arg1, %mul3A_1418 : i32
    %add3A_1420 = arith.constant 524288 : i32
    %add3A_1421 = arith.addi %add3A_1420, %mul3A_1419 : i32
    %broadcast_in_dim3A_1422 = vector.broadcast %add3A_1421 : i32 to vector<16xi32>
    %select_n3A_1423 = arith.select %and3A_1417, %add3A_1410, %broadcast_in_dim3A_1422 : vector<16xi1>, vector<16xi32>
    %swap3A_1424 = arith.constant 5 : i32
    %swap3A_1425 = arith.index_cast %swap3A_1424 : i32 to index
    %swap3A_1426 = arith.constant 64 : index
    %swap3A_1427 = tpu.vector_load %arg8[%swap3A_1425, %swap3A_1426] {strides = array<i32>} : memref<8x128xi32, #tpu.memory_space<vmem>>, vector<1x16xi32>,
    %swap3A_1428 = vector.shape_cast %swap3A_1427 : vector<1x16xi32> to vector<16xi32>
    %swap3A_1429 = vector.shape_cast %select_n3A_1423 : vector<16xi32> to vector<1x16xi32>
    tpu.vector_store %arg8[%swap3A_1425, %swap3A_1426], %swap3A_1429 {strides = array<i32>} : memref<8x128xi32, #tpu.memory_space<vmem>>, vector<1x16xi32>,
    %get3A_1430 = arith.constant 720 : index
    %get3A_1431 = tpu.vector_load %arg5[%get3A_1430] {strides = array<i32>} : memref<1024xi32, #tpu.memory_space<vmem>>, vector<16xi32>,
    %get3A_1432 = vector.shape_cast %get3A_1431 : vector<16xi32> to vector<16xi32>
    %sub3A_1433 = vector.broadcast %mul3A_41 : i32 to vector<16xi32>
    %sub3A_1434 = arith.subi %get3A_1432, %sub3A_1433 : vector<16xi32>
    %get3A_1435 = arith.constant 720 : index
    %get3A_1436 = tpu.vector_load %arg6[%get3A_1435] {strides = array<i32>} : memref<1024xi32, #tpu.memory_space<vmem>>, vector<16xi32>,
    %get3A_1437 = vector.shape_cast %get3A_1436 : vector<16xi32> to vector<16xi32>
    %mul3A_1438 = arith.constant 1024 : i32
    %mul3A_1439 = vector.broadcast %mul3A_1438 : i32 to vector<16xi32>
    %mul3A_1440 = arith.muli %sub3A_1434, %mul3A_1439 : vector<16xi32>
    %add3A_1441 = arith.addi %mul3A_1440, %get3A_1437 : vector<16xi32>
    %ge3A_1442 = arith.constant 0 : i32
    %ge3A_1443 = vector.broadcast %ge3A_1442 : i32 to vector<16xi32>
    %ge3A_1444 = arith.cmpi sge, %sub3A_1434, %ge3A_1443 : vector<16xi32>
    %lt3A_1445 = arith.constant 512 : i32
    %lt3A_1446 = vector.broadcast %lt3A_1445 : i32 to vector<16xi32>
    %lt3A_1447 = arith.cmpi slt, %sub3A_1434, %lt3A_1446 : vector<16xi32>
    %and3A_1448 = arith.andi %ge3A_1444, %lt3A_1447 : vector<16xi1>
    %mul3A_1449 = arith.constant 16 : i32
    %mul3A_1450 = arith.muli %arg1, %mul3A_1449 : i32
    %add3A_1451 = arith.constant 524288 : i32
    %add3A_1452 = arith.addi %add3A_1451, %mul3A_1450 : i32
    %broadcast_in_dim3A_1453 = vector.broadcast %add3A_1452 : i32 to vector<16xi32>
    %select_n3A_1454 = arith.select %and3A_1448, %add3A_1441, %broadcast_in_dim3A_1453 : vector<16xi1>, vector<16xi32>
    %swap3A_1455 = arith.constant 5 : i32
    %swap3A_1456 = arith.index_cast %swap3A_1455 : i32 to index
    %swap3A_1457 = arith.constant 80 : index
    %swap3A_1458 = tpu.vector_load %arg8[%swap3A_1456, %swap3A_1457] {strides = array<i32>} : memref<8x128xi32, #tpu.memory_space<vmem>>, vector<1x16xi32>,
    %swap3A_1459 = vector.shape_cast %swap3A_1458 : vector<1x16xi32> to vector<16xi32>
    %swap3A_1460 = vector.shape_cast %select_n3A_1454 : vector<16xi32> to vector<1x16xi32>
    tpu.vector_store %arg8[%swap3A_1456, %swap3A_1457], %swap3A_1460 {strides = array<i32>} : memref<8x128xi32, #tpu.memory_space<vmem>>, vector<1x16xi32>,
    %get3A_1461 = arith.constant 736 : index
    %get3A_1462 = tpu.vector_load %arg5[%get3A_1461] {strides = array<i32>} : memref<1024xi32, #tpu.memory_space<vmem>>, vector<16xi32>,
    %get3A_1463 = vector.shape_cast %get3A_1462 : vector<16xi32> to vector<16xi32>
    %sub3A_1464 = vector.broadcast %mul3A_41 : i32 to vector<16xi32>
    %sub3A_1465 = arith.subi %get3A_1463, %sub3A_1464 : vector<16xi32>
    %get3A_1466 = arith.constant 736 : index
    %get3A_1467 = tpu.vector_load %arg6[%get3A_1466] {strides = array<i32>} : memref<1024xi32, #tpu.memory_space<vmem>>, vector<16xi32>,
    %get3A_1468 = vector.shape_cast %get3A_1467 : vector<16xi32> to vector<16xi32>
    %mul3A_1469 = arith.constant 1024 : i32
    %mul3A_1470 = vector.broadcast %mul3A_1469 : i32 to vector<16xi32>
    %mul3A_1471 = arith.muli %sub3A_1465, %mul3A_1470 : vector<16xi32>
    %add3A_1472 = arith.addi %mul3A_1471, %get3A_1468 : vector<16xi32>
    %ge3A_1473 = arith.constant 0 : i32
    %ge3A_1474 = vector.broadcast %ge3A_1473 : i32 to vector<16xi32>
    %ge3A_1475 = arith.cmpi sge, %sub3A_1465, %ge3A_1474 : vector<16xi32>
    %lt3A_1476 = arith.constant 512 : i32
    %lt3A_1477 = vector.broadcast %lt3A_1476 : i32 to vector<16xi32>
    %lt3A_1478 = arith.cmpi slt, %sub3A_1465, %lt3A_1477 : vector<16xi32>
    %and3A_1479 = arith.andi %ge3A_1475, %lt3A_1478 : vector<16xi1>
    %mul3A_1480 = arith.constant 16 : i32
    %mul3A_1481 = arith.muli %arg1, %mul3A_1480 : i32
    %add3A_1482 = arith.constant 524288 : i32
    %add3A_1483 = arith.addi %add3A_1482, %mul3A_1481 : i32
    %broadcast_in_dim3A_1484 = vector.broadcast %add3A_1483 : i32 to vector<16xi32>
    %select_n3A_1485 = arith.select %and3A_1479, %add3A_1472, %broadcast_in_dim3A_1484 : vector<16xi1>, vector<16xi32>
    %swap3A_1486 = arith.constant 5 : i32
    %swap3A_1487 = arith.index_cast %swap3A_1486 : i32 to index
    %swap3A_1488 = arith.constant 96 : index
    %swap3A_1489 = tpu.vector_load %arg8[%swap3A_1487, %swap3A_1488] {strides = array<i32>} : memref<8x128xi32, #tpu.memory_space<vmem>>, vector<1x16xi32>,
    %swap3A_1490 = vector.shape_cast %swap3A_1489 : vector<1x16xi32> to vector<16xi32>
    %swap3A_1491 = vector.shape_cast %select_n3A_1485 : vector<16xi32> to vector<1x16xi32>
    tpu.vector_store %arg8[%swap3A_1487, %swap3A_1488], %swap3A_1491 {strides = array<i32>} : memref<8x128xi32, #tpu.memory_space<vmem>>, vector<1x16xi32>,
    %get3A_1492 = arith.constant 752 : index
    %get3A_1493 = tpu.vector_load %arg5[%get3A_1492] {strides = array<i32>} : memref<1024xi32, #tpu.memory_space<vmem>>, vector<16xi32>,
    %get3A_1494 = vector.shape_cast %get3A_1493 : vector<16xi32> to vector<16xi32>
    %sub3A_1495 = vector.broadcast %mul3A_41 : i32 to vector<16xi32>
    %sub3A_1496 = arith.subi %get3A_1494, %sub3A_1495 : vector<16xi32>
    %get3A_1497 = arith.constant 752 : index
    %get3A_1498 = tpu.vector_load %arg6[%get3A_1497] {strides = array<i32>} : memref<1024xi32, #tpu.memory_space<vmem>>, vector<16xi32>,
    %get3A_1499 = vector.shape_cast %get3A_1498 : vector<16xi32> to vector<16xi32>
    %mul3A_1500 = arith.constant 1024 : i32
    %mul3A_1501 = vector.broadcast %mul3A_1500 : i32 to vector<16xi32>
    %mul3A_1502 = arith.muli %sub3A_1496, %mul3A_1501 : vector<16xi32>
    %add3A_1503 = arith.addi %mul3A_1502, %get3A_1499 : vector<16xi32>
    %ge3A_1504 = arith.constant 0 : i32
    %ge3A_1505 = vector.broadcast %ge3A_1504 : i32 to vector<16xi32>
    %ge3A_1506 = arith.cmpi sge, %sub3A_1496, %ge3A_1505 : vector<16xi32>
    %lt3A_1507 = arith.constant 512 : i32
    %lt3A_1508 = vector.broadcast %lt3A_1507 : i32 to vector<16xi32>
    %lt3A_1509 = arith.cmpi slt, %sub3A_1496, %lt3A_1508 : vector<16xi32>
    %and3A_1510 = arith.andi %ge3A_1506, %lt3A_1509 : vector<16xi1>
    %mul3A_1511 = arith.constant 16 : i32
    %mul3A_1512 = arith.muli %arg1, %mul3A_1511 : i32
    %add3A_1513 = arith.constant 524288 : i32
    %add3A_1514 = arith.addi %add3A_1513, %mul3A_1512 : i32
    %broadcast_in_dim3A_1515 = vector.broadcast %add3A_1514 : i32 to vector<16xi32>
    %select_n3A_1516 = arith.select %and3A_1510, %add3A_1503, %broadcast_in_dim3A_1515 : vector<16xi1>, vector<16xi32>
    %swap3A_1517 = arith.constant 5 : i32
    %swap3A_1518 = arith.index_cast %swap3A_1517 : i32 to index
    %swap3A_1519 = arith.constant 112 : index
    %swap3A_1520 = tpu.vector_load %arg8[%swap3A_1518, %swap3A_1519] {strides = array<i32>} : memref<8x128xi32, #tpu.memory_space<vmem>>, vector<1x16xi32>,
    %swap3A_1521 = vector.shape_cast %swap3A_1520 : vector<1x16xi32> to vector<16xi32>
    %swap3A_1522 = vector.shape_cast %select_n3A_1516 : vector<16xi32> to vector<1x16xi32>
    tpu.vector_store %arg8[%swap3A_1518, %swap3A_1519], %swap3A_1522 {strides = array<i32>} : memref<8x128xi32, #tpu.memory_space<vmem>>, vector<1x16xi32>,
    %get3A_1523 = arith.constant 768 : index
    %get3A_1524 = tpu.vector_load %arg5[%get3A_1523] {strides = array<i32>} : memref<1024xi32, #tpu.memory_space<vmem>>, vector<16xi32>,
    %get3A_1525 = vector.shape_cast %get3A_1524 : vector<16xi32> to vector<16xi32>
    %sub3A_1526 = vector.broadcast %mul3A_41 : i32 to vector<16xi32>
    %sub3A_1527 = arith.subi %get3A_1525, %sub3A_1526 : vector<16xi32>
    %get3A_1528 = arith.constant 768 : index
    %get3A_1529 = tpu.vector_load %arg6[%get3A_1528] {strides = array<i32>} : memref<1024xi32, #tpu.memory_space<vmem>>, vector<16xi32>,
    %get3A_1530 = vector.shape_cast %get3A_1529 : vector<16xi32> to vector<16xi32>
    %mul3A_1531 = arith.constant 1024 : i32
    %mul3A_1532 = vector.broadcast %mul3A_1531 : i32 to vector<16xi32>
    %mul3A_1533 = arith.muli %sub3A_1527, %mul3A_1532 : vector<16xi32>
    %add3A_1534 = arith.addi %mul3A_1533, %get3A_1530 : vector<16xi32>
    %ge3A_1535 = arith.constant 0 : i32
    %ge3A_1536 = vector.broadcast %ge3A_1535 : i32 to vector<16xi32>
    %ge3A_1537 = arith.cmpi sge, %sub3A_1527, %ge3A_1536 : vector<16xi32>
    %lt3A_1538 = arith.constant 512 : i32
    %lt3A_1539 = vector.broadcast %lt3A_1538 : i32 to vector<16xi32>
    %lt3A_1540 = arith.cmpi slt, %sub3A_1527, %lt3A_1539 : vector<16xi32>
    %and3A_1541 = arith.andi %ge3A_1537, %lt3A_1540 : vector<16xi1>
    %mul3A_1542 = arith.constant 16 : i32
    %mul3A_1543 = arith.muli %arg1, %mul3A_1542 : i32
    %add3A_1544 = arith.constant 524288 : i32
    %add3A_1545 = arith.addi %add3A_1544, %mul3A_1543 : i32
    %broadcast_in_dim3A_1546 = vector.broadcast %add3A_1545 : i32 to vector<16xi32>
    %select_n3A_1547 = arith.select %and3A_1541, %add3A_1534, %broadcast_in_dim3A_1546 : vector<16xi1>, vector<16xi32>
    %swap3A_1548 = arith.constant 6 : i32
    %swap3A_1549 = arith.index_cast %swap3A_1548 : i32 to index
    %swap3A_1550 = arith.constant 0 : index
    %swap3A_1551 = tpu.vector_load %arg8[%swap3A_1549, %swap3A_1550] {strides = array<i32>} : memref<8x128xi32, #tpu.memory_space<vmem>>, vector<1x16xi32>,
    %swap3A_1552 = vector.shape_cast %swap3A_1551 : vector<1x16xi32> to vector<16xi32>
    %swap3A_1553 = vector.shape_cast %select_n3A_1547 : vector<16xi32> to vector<1x16xi32>
    tpu.vector_store %arg8[%swap3A_1549, %swap3A_1550], %swap3A_1553 {strides = array<i32>} : memref<8x128xi32, #tpu.memory_space<vmem>>, vector<1x16xi32>,
    %get3A_1554 = arith.constant 784 : index
    %get3A_1555 = tpu.vector_load %arg5[%get3A_1554] {strides = array<i32>} : memref<1024xi32, #tpu.memory_space<vmem>>, vector<16xi32>,
    %get3A_1556 = vector.shape_cast %get3A_1555 : vector<16xi32> to vector<16xi32>
    %sub3A_1557 = vector.broadcast %mul3A_41 : i32 to vector<16xi32>
    %sub3A_1558 = arith.subi %get3A_1556, %sub3A_1557 : vector<16xi32>
    %get3A_1559 = arith.constant 784 : index
    %get3A_1560 = tpu.vector_load %arg6[%get3A_1559] {strides = array<i32>} : memref<1024xi32, #tpu.memory_space<vmem>>, vector<16xi32>,
    %get3A_1561 = vector.shape_cast %get3A_1560 : vector<16xi32> to vector<16xi32>
    %mul3A_1562 = arith.constant 1024 : i32
    %mul3A_1563 = vector.broadcast %mul3A_1562 : i32 to vector<16xi32>
    %mul3A_1564 = arith.muli %sub3A_1558, %mul3A_1563 : vector<16xi32>
    %add3A_1565 = arith.addi %mul3A_1564, %get3A_1561 : vector<16xi32>
    %ge3A_1566 = arith.constant 0 : i32
    %ge3A_1567 = vector.broadcast %ge3A_1566 : i32 to vector<16xi32>
    %ge3A_1568 = arith.cmpi sge, %sub3A_1558, %ge3A_1567 : vector<16xi32>
    %lt3A_1569 = arith.constant 512 : i32
    %lt3A_1570 = vector.broadcast %lt3A_1569 : i32 to vector<16xi32>
    %lt3A_1571 = arith.cmpi slt, %sub3A_1558, %lt3A_1570 : vector<16xi32>
    %and3A_1572 = arith.andi %ge3A_1568, %lt3A_1571 : vector<16xi1>
    %mul3A_1573 = arith.constant 16 : i32
    %mul3A_1574 = arith.muli %arg1, %mul3A_1573 : i32
    %add3A_1575 = arith.constant 524288 : i32
    %add3A_1576 = arith.addi %add3A_1575, %mul3A_1574 : i32
    %broadcast_in_dim3A_1577 = vector.broadcast %add3A_1576 : i32 to vector<16xi32>
    %select_n3A_1578 = arith.select %and3A_1572, %add3A_1565, %broadcast_in_dim3A_1577 : vector<16xi1>, vector<16xi32>
    %swap3A_1579 = arith.constant 6 : i32
    %swap3A_1580 = arith.index_cast %swap3A_1579 : i32 to index
    %swap3A_1581 = arith.constant 16 : index
    %swap3A_1582 = tpu.vector_load %arg8[%swap3A_1580, %swap3A_1581] {strides = array<i32>} : memref<8x128xi32, #tpu.memory_space<vmem>>, vector<1x16xi32>,
    %swap3A_1583 = vector.shape_cast %swap3A_1582 : vector<1x16xi32> to vector<16xi32>
    %swap3A_1584 = vector.shape_cast %select_n3A_1578 : vector<16xi32> to vector<1x16xi32>
    tpu.vector_store %arg8[%swap3A_1580, %swap3A_1581], %swap3A_1584 {strides = array<i32>} : memref<8x128xi32, #tpu.memory_space<vmem>>, vector<1x16xi32>,
    %get3A_1585 = arith.constant 800 : index
    %get3A_1586 = tpu.vector_load %arg5[%get3A_1585] {strides = array<i32>} : memref<1024xi32, #tpu.memory_space<vmem>>, vector<16xi32>,
    %get3A_1587 = vector.shape_cast %get3A_1586 : vector<16xi32> to vector<16xi32>
    %sub3A_1588 = vector.broadcast %mul3A_41 : i32 to vector<16xi32>
    %sub3A_1589 = arith.subi %get3A_1587, %sub3A_1588 : vector<16xi32>
    %get3A_1590 = arith.constant 800 : index
    %get3A_1591 = tpu.vector_load %arg6[%get3A_1590] {strides = array<i32>} : memref<1024xi32, #tpu.memory_space<vmem>>, vector<16xi32>,
    %get3A_1592 = vector.shape_cast %get3A_1591 : vector<16xi32> to vector<16xi32>
    %mul3A_1593 = arith.constant 1024 : i32
    %mul3A_1594 = vector.broadcast %mul3A_1593 : i32 to vector<16xi32>
    %mul3A_1595 = arith.muli %sub3A_1589, %mul3A_1594 : vector<16xi32>
    %add3A_1596 = arith.addi %mul3A_1595, %get3A_1592 : vector<16xi32>
    %ge3A_1597 = arith.constant 0 : i32
    %ge3A_1598 = vector.broadcast %ge3A_1597 : i32 to vector<16xi32>
    %ge3A_1599 = arith.cmpi sge, %sub3A_1589, %ge3A_1598 : vector<16xi32>
    %lt3A_1600 = arith.constant 512 : i32
    %lt3A_1601 = vector.broadcast %lt3A_1600 : i32 to vector<16xi32>
    %lt3A_1602 = arith.cmpi slt, %sub3A_1589, %lt3A_1601 : vector<16xi32>
    %and3A_1603 = arith.andi %ge3A_1599, %lt3A_1602 : vector<16xi1>
    %mul3A_1604 = arith.constant 16 : i32
    %mul3A_1605 = arith.muli %arg1, %mul3A_1604 : i32
    %add3A_1606 = arith.constant 524288 : i32
    %add3A_1607 = arith.addi %add3A_1606, %mul3A_1605 : i32
    %broadcast_in_dim3A_1608 = vector.broadcast %add3A_1607 : i32 to vector<16xi32>
    %select_n3A_1609 = arith.select %and3A_1603, %add3A_1596, %broadcast_in_dim3A_1608 : vector<16xi1>, vector<16xi32>
    %swap3A_1610 = arith.constant 6 : i32
    %swap3A_1611 = arith.index_cast %swap3A_1610 : i32 to index
    %swap3A_1612 = arith.constant 32 : index
    %swap3A_1613 = tpu.vector_load %arg8[%swap3A_1611, %swap3A_1612] {strides = array<i32>} : memref<8x128xi32, #tpu.memory_space<vmem>>, vector<1x16xi32>,
    %swap3A_1614 = vector.shape_cast %swap3A_1613 : vector<1x16xi32> to vector<16xi32>
    %swap3A_1615 = vector.shape_cast %select_n3A_1609 : vector<16xi32> to vector<1x16xi32>
    tpu.vector_store %arg8[%swap3A_1611, %swap3A_1612], %swap3A_1615 {strides = array<i32>} : memref<8x128xi32, #tpu.memory_space<vmem>>, vector<1x16xi32>,
    %get3A_1616 = arith.constant 816 : index
    %get3A_1617 = tpu.vector_load %arg5[%get3A_1616] {strides = array<i32>} : memref<1024xi32, #tpu.memory_space<vmem>>, vector<16xi32>,
    %get3A_1618 = vector.shape_cast %get3A_1617 : vector<16xi32> to vector<16xi32>
    %sub3A_1619 = vector.broadcast %mul3A_41 : i32 to vector<16xi32>
    %sub3A_1620 = arith.subi %get3A_1618, %sub3A_1619 : vector<16xi32>
    %get3A_1621 = arith.constant 816 : index
    %get3A_1622 = tpu.vector_load %arg6[%get3A_1621] {strides = array<i32>} : memref<1024xi32, #tpu.memory_space<vmem>>, vector<16xi32>,
    %get3A_1623 = vector.shape_cast %get3A_1622 : vector<16xi32> to vector<16xi32>
    %mul3A_1624 = arith.constant 1024 : i32
    %mul3A_1625 = vector.broadcast %mul3A_1624 : i32 to vector<16xi32>
    %mul3A_1626 = arith.muli %sub3A_1620, %mul3A_1625 : vector<16xi32>
    %add3A_1627 = arith.addi %mul3A_1626, %get3A_1623 : vector<16xi32>
    %ge3A_1628 = arith.constant 0 : i32
    %ge3A_1629 = vector.broadcast %ge3A_1628 : i32 to vector<16xi32>
    %ge3A_1630 = arith.cmpi sge, %sub3A_1620, %ge3A_1629 : vector<16xi32>
    %lt3A_1631 = arith.constant 512 : i32
    %lt3A_1632 = vector.broadcast %lt3A_1631 : i32 to vector<16xi32>
    %lt3A_1633 = arith.cmpi slt, %sub3A_1620, %lt3A_1632 : vector<16xi32>
    %and3A_1634 = arith.andi %ge3A_1630, %lt3A_1633 : vector<16xi1>
    %mul3A_1635 = arith.constant 16 : i32
    %mul3A_1636 = arith.muli %arg1, %mul3A_1635 : i32
    %add3A_1637 = arith.constant 524288 : i32
    %add3A_1638 = arith.addi %add3A_1637, %mul3A_1636 : i32
    %broadcast_in_dim3A_1639 = vector.broadcast %add3A_1638 : i32 to vector<16xi32>
    %select_n3A_1640 = arith.select %and3A_1634, %add3A_1627, %broadcast_in_dim3A_1639 : vector<16xi1>, vector<16xi32>
    %swap3A_1641 = arith.constant 6 : i32
    %swap3A_1642 = arith.index_cast %swap3A_1641 : i32 to index
    %swap3A_1643 = arith.constant 48 : index
    %swap3A_1644 = tpu.vector_load %arg8[%swap3A_1642, %swap3A_1643] {strides = array<i32>} : memref<8x128xi32, #tpu.memory_space<vmem>>, vector<1x16xi32>,
    %swap3A_1645 = vector.shape_cast %swap3A_1644 : vector<1x16xi32> to vector<16xi32>
    %swap3A_1646 = vector.shape_cast %select_n3A_1640 : vector<16xi32> to vector<1x16xi32>
    tpu.vector_store %arg8[%swap3A_1642, %swap3A_1643], %swap3A_1646 {strides = array<i32>} : memref<8x128xi32, #tpu.memory_space<vmem>>, vector<1x16xi32>,
    %get3A_1647 = arith.constant 832 : index
    %get3A_1648 = tpu.vector_load %arg5[%get3A_1647] {strides = array<i32>} : memref<1024xi32, #tpu.memory_space<vmem>>, vector<16xi32>,
    %get3A_1649 = vector.shape_cast %get3A_1648 : vector<16xi32> to vector<16xi32>
    %sub3A_1650 = vector.broadcast %mul3A_41 : i32 to vector<16xi32>
    %sub3A_1651 = arith.subi %get3A_1649, %sub3A_1650 : vector<16xi32>
    %get3A_1652 = arith.constant 832 : index
    %get3A_1653 = tpu.vector_load %arg6[%get3A_1652] {strides = array<i32>} : memref<1024xi32, #tpu.memory_space<vmem>>, vector<16xi32>,
    %get3A_1654 = vector.shape_cast %get3A_1653 : vector<16xi32> to vector<16xi32>
    %mul3A_1655 = arith.constant 1024 : i32
    %mul3A_1656 = vector.broadcast %mul3A_1655 : i32 to vector<16xi32>
    %mul3A_1657 = arith.muli %sub3A_1651, %mul3A_1656 : vector<16xi32>
    %add3A_1658 = arith.addi %mul3A_1657, %get3A_1654 : vector<16xi32>
    %ge3A_1659 = arith.constant 0 : i32
    %ge3A_1660 = vector.broadcast %ge3A_1659 : i32 to vector<16xi32>
    %ge3A_1661 = arith.cmpi sge, %sub3A_1651, %ge3A_1660 : vector<16xi32>
    %lt3A_1662 = arith.constant 512 : i32
    %lt3A_1663 = vector.broadcast %lt3A_1662 : i32 to vector<16xi32>
    %lt3A_1664 = arith.cmpi slt, %sub3A_1651, %lt3A_1663 : vector<16xi32>
    %and3A_1665 = arith.andi %ge3A_1661, %lt3A_1664 : vector<16xi1>
    %mul3A_1666 = arith.constant 16 : i32
    %mul3A_1667 = arith.muli %arg1, %mul3A_1666 : i32
    %add3A_1668 = arith.constant 524288 : i32
    %add3A_1669 = arith.addi %add3A_1668, %mul3A_1667 : i32
    %broadcast_in_dim3A_1670 = vector.broadcast %add3A_1669 : i32 to vector<16xi32>
    %select_n3A_1671 = arith.select %and3A_1665, %add3A_1658, %broadcast_in_dim3A_1670 : vector<16xi1>, vector<16xi32>
    %swap3A_1672 = arith.constant 6 : i32
    %swap3A_1673 = arith.index_cast %swap3A_1672 : i32 to index
    %swap3A_1674 = arith.constant 64 : index
    %swap3A_1675 = tpu.vector_load %arg8[%swap3A_1673, %swap3A_1674] {strides = array<i32>} : memref<8x128xi32, #tpu.memory_space<vmem>>, vector<1x16xi32>,
    %swap3A_1676 = vector.shape_cast %swap3A_1675 : vector<1x16xi32> to vector<16xi32>
    %swap3A_1677 = vector.shape_cast %select_n3A_1671 : vector<16xi32> to vector<1x16xi32>
    tpu.vector_store %arg8[%swap3A_1673, %swap3A_1674], %swap3A_1677 {strides = array<i32>} : memref<8x128xi32, #tpu.memory_space<vmem>>, vector<1x16xi32>,
    %get3A_1678 = arith.constant 848 : index
    %get3A_1679 = tpu.vector_load %arg5[%get3A_1678] {strides = array<i32>} : memref<1024xi32, #tpu.memory_space<vmem>>, vector<16xi32>,
    %get3A_1680 = vector.shape_cast %get3A_1679 : vector<16xi32> to vector<16xi32>
    %sub3A_1681 = vector.broadcast %mul3A_41 : i32 to vector<16xi32>
    %sub3A_1682 = arith.subi %get3A_1680, %sub3A_1681 : vector<16xi32>
    %get3A_1683 = arith.constant 848 : index
    %get3A_1684 = tpu.vector_load %arg6[%get3A_1683] {strides = array<i32>} : memref<1024xi32, #tpu.memory_space<vmem>>, vector<16xi32>,
    %get3A_1685 = vector.shape_cast %get3A_1684 : vector<16xi32> to vector<16xi32>
    %mul3A_1686 = arith.constant 1024 : i32
    %mul3A_1687 = vector.broadcast %mul3A_1686 : i32 to vector<16xi32>
    %mul3A_1688 = arith.muli %sub3A_1682, %mul3A_1687 : vector<16xi32>
    %add3A_1689 = arith.addi %mul3A_1688, %get3A_1685 : vector<16xi32>
    %ge3A_1690 = arith.constant 0 : i32
    %ge3A_1691 = vector.broadcast %ge3A_1690 : i32 to vector<16xi32>
    %ge3A_1692 = arith.cmpi sge, %sub3A_1682, %ge3A_1691 : vector<16xi32>
    %lt3A_1693 = arith.constant 512 : i32
    %lt3A_1694 = vector.broadcast %lt3A_1693 : i32 to vector<16xi32>
    %lt3A_1695 = arith.cmpi slt, %sub3A_1682, %lt3A_1694 : vector<16xi32>
    %and3A_1696 = arith.andi %ge3A_1692, %lt3A_1695 : vector<16xi1>
    %mul3A_1697 = arith.constant 16 : i32
    %mul3A_1698 = arith.muli %arg1, %mul3A_1697 : i32
    %add3A_1699 = arith.constant 524288 : i32
    %add3A_1700 = arith.addi %add3A_1699, %mul3A_1698 : i32
    %broadcast_in_dim3A_1701 = vector.broadcast %add3A_1700 : i32 to vector<16xi32>
    %select_n3A_1702 = arith.select %and3A_1696, %add3A_1689, %broadcast_in_dim3A_1701 : vector<16xi1>, vector<16xi32>
    %swap3A_1703 = arith.constant 6 : i32
    %swap3A_1704 = arith.index_cast %swap3A_1703 : i32 to index
    %swap3A_1705 = arith.constant 80 : index
    %swap3A_1706 = tpu.vector_load %arg8[%swap3A_1704, %swap3A_1705] {strides = array<i32>} : memref<8x128xi32, #tpu.memory_space<vmem>>, vector<1x16xi32>,
    %swap3A_1707 = vector.shape_cast %swap3A_1706 : vector<1x16xi32> to vector<16xi32>
    %swap3A_1708 = vector.shape_cast %select_n3A_1702 : vector<16xi32> to vector<1x16xi32>
    tpu.vector_store %arg8[%swap3A_1704, %swap3A_1705], %swap3A_1708 {strides = array<i32>} : memref<8x128xi32, #tpu.memory_space<vmem>>, vector<1x16xi32>,
    %get3A_1709 = arith.constant 864 : index
    %get3A_1710 = tpu.vector_load %arg5[%get3A_1709] {strides = array<i32>} : memref<1024xi32, #tpu.memory_space<vmem>>, vector<16xi32>,
    %get3A_1711 = vector.shape_cast %get3A_1710 : vector<16xi32> to vector<16xi32>
    %sub3A_1712 = vector.broadcast %mul3A_41 : i32 to vector<16xi32>
    %sub3A_1713 = arith.subi %get3A_1711, %sub3A_1712 : vector<16xi32>
    %get3A_1714 = arith.constant 864 : index
    %get3A_1715 = tpu.vector_load %arg6[%get3A_1714] {strides = array<i32>} : memref<1024xi32, #tpu.memory_space<vmem>>, vector<16xi32>,
    %get3A_1716 = vector.shape_cast %get3A_1715 : vector<16xi32> to vector<16xi32>
    %mul3A_1717 = arith.constant 1024 : i32
    %mul3A_1718 = vector.broadcast %mul3A_1717 : i32 to vector<16xi32>
    %mul3A_1719 = arith.muli %sub3A_1713, %mul3A_1718 : vector<16xi32>
    %add3A_1720 = arith.addi %mul3A_1719, %get3A_1716 : vector<16xi32>
    %ge3A_1721 = arith.constant 0 : i32
    %ge3A_1722 = vector.broadcast %ge3A_1721 : i32 to vector<16xi32>
    %ge3A_1723 = arith.cmpi sge, %sub3A_1713, %ge3A_1722 : vector<16xi32>
    %lt3A_1724 = arith.constant 512 : i32
    %lt3A_1725 = vector.broadcast %lt3A_1724 : i32 to vector<16xi32>
    %lt3A_1726 = arith.cmpi slt, %sub3A_1713, %lt3A_1725 : vector<16xi32>
    %and3A_1727 = arith.andi %ge3A_1723, %lt3A_1726 : vector<16xi1>
    %mul3A_1728 = arith.constant 16 : i32
    %mul3A_1729 = arith.muli %arg1, %mul3A_1728 : i32
    %add3A_1730 = arith.constant 524288 : i32
    %add3A_1731 = arith.addi %add3A_1730, %mul3A_1729 : i32
    %broadcast_in_dim3A_1732 = vector.broadcast %add3A_1731 : i32 to vector<16xi32>
    %select_n3A_1733 = arith.select %and3A_1727, %add3A_1720, %broadcast_in_dim3A_1732 : vector<16xi1>, vector<16xi32>
    %swap3A_1734 = arith.constant 6 : i32
    %swap3A_1735 = arith.index_cast %swap3A_1734 : i32 to index
    %swap3A_1736 = arith.constant 96 : index
    %swap3A_1737 = tpu.vector_load %arg8[%swap3A_1735, %swap3A_1736] {strides = array<i32>} : memref<8x128xi32, #tpu.memory_space<vmem>>, vector<1x16xi32>,
    %swap3A_1738 = vector.shape_cast %swap3A_1737 : vector<1x16xi32> to vector<16xi32>
    %swap3A_1739 = vector.shape_cast %select_n3A_1733 : vector<16xi32> to vector<1x16xi32>
    tpu.vector_store %arg8[%swap3A_1735, %swap3A_1736], %swap3A_1739 {strides = array<i32>} : memref<8x128xi32, #tpu.memory_space<vmem>>, vector<1x16xi32>,
    %get3A_1740 = arith.constant 880 : index
    %get3A_1741 = tpu.vector_load %arg5[%get3A_1740] {strides = array<i32>} : memref<1024xi32, #tpu.memory_space<vmem>>, vector<16xi32>,
    %get3A_1742 = vector.shape_cast %get3A_1741 : vector<16xi32> to vector<16xi32>
    %sub3A_1743 = vector.broadcast %mul3A_41 : i32 to vector<16xi32>
    %sub3A_1744 = arith.subi %get3A_1742, %sub3A_1743 : vector<16xi32>
    %get3A_1745 = arith.constant 880 : index
    %get3A_1746 = tpu.vector_load %arg6[%get3A_1745] {strides = array<i32>} : memref<1024xi32, #tpu.memory_space<vmem>>, vector<16xi32>,
    %get3A_1747 = vector.shape_cast %get3A_1746 : vector<16xi32> to vector<16xi32>
    %mul3A_1748 = arith.constant 1024 : i32
    %mul3A_1749 = vector.broadcast %mul3A_1748 : i32 to vector<16xi32>
    %mul3A_1750 = arith.muli %sub3A_1744, %mul3A_1749 : vector<16xi32>
    %add3A_1751 = arith.addi %mul3A_1750, %get3A_1747 : vector<16xi32>
    %ge3A_1752 = arith.constant 0 : i32
    %ge3A_1753 = vector.broadcast %ge3A_1752 : i32 to vector<16xi32>
    %ge3A_1754 = arith.cmpi sge, %sub3A_1744, %ge3A_1753 : vector<16xi32>
    %lt3A_1755 = arith.constant 512 : i32
    %lt3A_1756 = vector.broadcast %lt3A_1755 : i32 to vector<16xi32>
    %lt3A_1757 = arith.cmpi slt, %sub3A_1744, %lt3A_1756 : vector<16xi32>
    %and3A_1758 = arith.andi %ge3A_1754, %lt3A_1757 : vector<16xi1>
    %mul3A_1759 = arith.constant 16 : i32
    %mul3A_1760 = arith.muli %arg1, %mul3A_1759 : i32
    %add3A_1761 = arith.constant 524288 : i32
    %add3A_1762 = arith.addi %add3A_1761, %mul3A_1760 : i32
    %broadcast_in_dim3A_1763 = vector.broadcast %add3A_1762 : i32 to vector<16xi32>
    %select_n3A_1764 = arith.select %and3A_1758, %add3A_1751, %broadcast_in_dim3A_1763 : vector<16xi1>, vector<16xi32>
    %swap3A_1765 = arith.constant 6 : i32
    %swap3A_1766 = arith.index_cast %swap3A_1765 : i32 to index
    %swap3A_1767 = arith.constant 112 : index
    %swap3A_1768 = tpu.vector_load %arg8[%swap3A_1766, %swap3A_1767] {strides = array<i32>} : memref<8x128xi32, #tpu.memory_space<vmem>>, vector<1x16xi32>,
    %swap3A_1769 = vector.shape_cast %swap3A_1768 : vector<1x16xi32> to vector<16xi32>
    %swap3A_1770 = vector.shape_cast %select_n3A_1764 : vector<16xi32> to vector<1x16xi32>
    tpu.vector_store %arg8[%swap3A_1766, %swap3A_1767], %swap3A_1770 {strides = array<i32>} : memref<8x128xi32, #tpu.memory_space<vmem>>, vector<1x16xi32>,
    %get3A_1771 = arith.constant 896 : index
    %get3A_1772 = tpu.vector_load %arg5[%get3A_1771] {strides = array<i32>} : memref<1024xi32, #tpu.memory_space<vmem>>, vector<16xi32>,
    %get3A_1773 = vector.shape_cast %get3A_1772 : vector<16xi32> to vector<16xi32>
    %sub3A_1774 = vector.broadcast %mul3A_41 : i32 to vector<16xi32>
    %sub3A_1775 = arith.subi %get3A_1773, %sub3A_1774 : vector<16xi32>
    %get3A_1776 = arith.constant 896 : index
    %get3A_1777 = tpu.vector_load %arg6[%get3A_1776] {strides = array<i32>} : memref<1024xi32, #tpu.memory_space<vmem>>, vector<16xi32>,
    %get3A_1778 = vector.shape_cast %get3A_1777 : vector<16xi32> to vector<16xi32>
    %mul3A_1779 = arith.constant 1024 : i32
    %mul3A_1780 = vector.broadcast %mul3A_1779 : i32 to vector<16xi32>
    %mul3A_1781 = arith.muli %sub3A_1775, %mul3A_1780 : vector<16xi32>
    %add3A_1782 = arith.addi %mul3A_1781, %get3A_1778 : vector<16xi32>
    %ge3A_1783 = arith.constant 0 : i32
    %ge3A_1784 = vector.broadcast %ge3A_1783 : i32 to vector<16xi32>
    %ge3A_1785 = arith.cmpi sge, %sub3A_1775, %ge3A_1784 : vector<16xi32>
    %lt3A_1786 = arith.constant 512 : i32
    %lt3A_1787 = vector.broadcast %lt3A_1786 : i32 to vector<16xi32>
    %lt3A_1788 = arith.cmpi slt, %sub3A_1775, %lt3A_1787 : vector<16xi32>
    %and3A_1789 = arith.andi %ge3A_1785, %lt3A_1788 : vector<16xi1>
    %mul3A_1790 = arith.constant 16 : i32
    %mul3A_1791 = arith.muli %arg1, %mul3A_1790 : i32
    %add3A_1792 = arith.constant 524288 : i32
    %add3A_1793 = arith.addi %add3A_1792, %mul3A_1791 : i32
    %broadcast_in_dim3A_1794 = vector.broadcast %add3A_1793 : i32 to vector<16xi32>
    %select_n3A_1795 = arith.select %and3A_1789, %add3A_1782, %broadcast_in_dim3A_1794 : vector<16xi1>, vector<16xi32>
    %swap3A_1796 = arith.constant 7 : i32
    %swap3A_1797 = arith.index_cast %swap3A_1796 : i32 to index
    %swap3A_1798 = arith.constant 0 : index
    %swap3A_1799 = tpu.vector_load %arg8[%swap3A_1797, %swap3A_1798] {strides = array<i32>} : memref<8x128xi32, #tpu.memory_space<vmem>>, vector<1x16xi32>,
    %swap3A_1800 = vector.shape_cast %swap3A_1799 : vector<1x16xi32> to vector<16xi32>
    %swap3A_1801 = vector.shape_cast %select_n3A_1795 : vector<16xi32> to vector<1x16xi32>
    tpu.vector_store %arg8[%swap3A_1797, %swap3A_1798], %swap3A_1801 {strides = array<i32>} : memref<8x128xi32, #tpu.memory_space<vmem>>, vector<1x16xi32>,
    %get3A_1802 = arith.constant 912 : index
    %get3A_1803 = tpu.vector_load %arg5[%get3A_1802] {strides = array<i32>} : memref<1024xi32, #tpu.memory_space<vmem>>, vector<16xi32>,
    %get3A_1804 = vector.shape_cast %get3A_1803 : vector<16xi32> to vector<16xi32>
    %sub3A_1805 = vector.broadcast %mul3A_41 : i32 to vector<16xi32>
    %sub3A_1806 = arith.subi %get3A_1804, %sub3A_1805 : vector<16xi32>
    %get3A_1807 = arith.constant 912 : index
    %get3A_1808 = tpu.vector_load %arg6[%get3A_1807] {strides = array<i32>} : memref<1024xi32, #tpu.memory_space<vmem>>, vector<16xi32>,
    %get3A_1809 = vector.shape_cast %get3A_1808 : vector<16xi32> to vector<16xi32>
    %mul3A_1810 = arith.constant 1024 : i32
    %mul3A_1811 = vector.broadcast %mul3A_1810 : i32 to vector<16xi32>
    %mul3A_1812 = arith.muli %sub3A_1806, %mul3A_1811 : vector<16xi32>
    %add3A_1813 = arith.addi %mul3A_1812, %get3A_1809 : vector<16xi32>
    %ge3A_1814 = arith.constant 0 : i32
    %ge3A_1815 = vector.broadcast %ge3A_1814 : i32 to vector<16xi32>
    %ge3A_1816 = arith.cmpi sge, %sub3A_1806, %ge3A_1815 : vector<16xi32>
    %lt3A_1817 = arith.constant 512 : i32
    %lt3A_1818 = vector.broadcast %lt3A_1817 : i32 to vector<16xi32>
    %lt3A_1819 = arith.cmpi slt, %sub3A_1806, %lt3A_1818 : vector<16xi32>
    %and3A_1820 = arith.andi %ge3A_1816, %lt3A_1819 : vector<16xi1>
    %mul3A_1821 = arith.constant 16 : i32
    %mul3A_1822 = arith.muli %arg1, %mul3A_1821 : i32
    %add3A_1823 = arith.constant 524288 : i32
    %add3A_1824 = arith.addi %add3A_1823, %mul3A_1822 : i32
    %broadcast_in_dim3A_1825 = vector.broadcast %add3A_1824 : i32 to vector<16xi32>
    %select_n3A_1826 = arith.select %and3A_1820, %add3A_1813, %broadcast_in_dim3A_1825 : vector<16xi1>, vector<16xi32>
    %swap3A_1827 = arith.constant 7 : i32
    %swap3A_1828 = arith.index_cast %swap3A_1827 : i32 to index
    %swap3A_1829 = arith.constant 16 : index
    %swap3A_1830 = tpu.vector_load %arg8[%swap3A_1828, %swap3A_1829] {strides = array<i32>} : memref<8x128xi32, #tpu.memory_space<vmem>>, vector<1x16xi32>,
    %swap3A_1831 = vector.shape_cast %swap3A_1830 : vector<1x16xi32> to vector<16xi32>
    %swap3A_1832 = vector.shape_cast %select_n3A_1826 : vector<16xi32> to vector<1x16xi32>
    tpu.vector_store %arg8[%swap3A_1828, %swap3A_1829], %swap3A_1832 {strides = array<i32>} : memref<8x128xi32, #tpu.memory_space<vmem>>, vector<1x16xi32>,
    %get3A_1833 = arith.constant 928 : index
    %get3A_1834 = tpu.vector_load %arg5[%get3A_1833] {strides = array<i32>} : memref<1024xi32, #tpu.memory_space<vmem>>, vector<16xi32>,
    %get3A_1835 = vector.shape_cast %get3A_1834 : vector<16xi32> to vector<16xi32>
    %sub3A_1836 = vector.broadcast %mul3A_41 : i32 to vector<16xi32>
    %sub3A_1837 = arith.subi %get3A_1835, %sub3A_1836 : vector<16xi32>
    %get3A_1838 = arith.constant 928 : index
    %get3A_1839 = tpu.vector_load %arg6[%get3A_1838] {strides = array<i32>} : memref<1024xi32, #tpu.memory_space<vmem>>, vector<16xi32>,
    %get3A_1840 = vector.shape_cast %get3A_1839 : vector<16xi32> to vector<16xi32>
    %mul3A_1841 = arith.constant 1024 : i32
    %mul3A_1842 = vector.broadcast %mul3A_1841 : i32 to vector<16xi32>
    %mul3A_1843 = arith.muli %sub3A_1837, %mul3A_1842 : vector<16xi32>
    %add3A_1844 = arith.addi %mul3A_1843, %get3A_1840 : vector<16xi32>
    %ge3A_1845 = arith.constant 0 : i32
    %ge3A_1846 = vector.broadcast %ge3A_1845 : i32 to vector<16xi32>
    %ge3A_1847 = arith.cmpi sge, %sub3A_1837, %ge3A_1846 : vector<16xi32>
    %lt3A_1848 = arith.constant 512 : i32
    %lt3A_1849 = vector.broadcast %lt3A_1848 : i32 to vector<16xi32>
    %lt3A_1850 = arith.cmpi slt, %sub3A_1837, %lt3A_1849 : vector<16xi32>
    %and3A_1851 = arith.andi %ge3A_1847, %lt3A_1850 : vector<16xi1>
    %mul3A_1852 = arith.constant 16 : i32
    %mul3A_1853 = arith.muli %arg1, %mul3A_1852 : i32
    %add3A_1854 = arith.constant 524288 : i32
    %add3A_1855 = arith.addi %add3A_1854, %mul3A_1853 : i32
    %broadcast_in_dim3A_1856 = vector.broadcast %add3A_1855 : i32 to vector<16xi32>
    %select_n3A_1857 = arith.select %and3A_1851, %add3A_1844, %broadcast_in_dim3A_1856 : vector<16xi1>, vector<16xi32>
    %swap3A_1858 = arith.constant 7 : i32
    %swap3A_1859 = arith.index_cast %swap3A_1858 : i32 to index
    %swap3A_1860 = arith.constant 32 : index
    %swap3A_1861 = tpu.vector_load %arg8[%swap3A_1859, %swap3A_1860] {strides = array<i32>} : memref<8x128xi32, #tpu.memory_space<vmem>>, vector<1x16xi32>,
    %swap3A_1862 = vector.shape_cast %swap3A_1861 : vector<1x16xi32> to vector<16xi32>
    %swap3A_1863 = vector.shape_cast %select_n3A_1857 : vector<16xi32> to vector<1x16xi32>
    tpu.vector_store %arg8[%swap3A_1859, %swap3A_1860], %swap3A_1863 {strides = array<i32>} : memref<8x128xi32, #tpu.memory_space<vmem>>, vector<1x16xi32>,
    %get3A_1864 = arith.constant 944 : index
    %get3A_1865 = tpu.vector_load %arg5[%get3A_1864] {strides = array<i32>} : memref<1024xi32, #tpu.memory_space<vmem>>, vector<16xi32>,
    %get3A_1866 = vector.shape_cast %get3A_1865 : vector<16xi32> to vector<16xi32>
    %sub3A_1867 = vector.broadcast %mul3A_41 : i32 to vector<16xi32>
    %sub3A_1868 = arith.subi %get3A_1866, %sub3A_1867 : vector<16xi32>
    %get3A_1869 = arith.constant 944 : index
    %get3A_1870 = tpu.vector_load %arg6[%get3A_1869] {strides = array<i32>} : memref<1024xi32, #tpu.memory_space<vmem>>, vector<16xi32>,
    %get3A_1871 = vector.shape_cast %get3A_1870 : vector<16xi32> to vector<16xi32>
    %mul3A_1872 = arith.constant 1024 : i32
    %mul3A_1873 = vector.broadcast %mul3A_1872 : i32 to vector<16xi32>
    %mul3A_1874 = arith.muli %sub3A_1868, %mul3A_1873 : vector<16xi32>
    %add3A_1875 = arith.addi %mul3A_1874, %get3A_1871 : vector<16xi32>
    %ge3A_1876 = arith.constant 0 : i32
    %ge3A_1877 = vector.broadcast %ge3A_1876 : i32 to vector<16xi32>
    %ge3A_1878 = arith.cmpi sge, %sub3A_1868, %ge3A_1877 : vector<16xi32>
    %lt3A_1879 = arith.constant 512 : i32
    %lt3A_1880 = vector.broadcast %lt3A_1879 : i32 to vector<16xi32>
    %lt3A_1881 = arith.cmpi slt, %sub3A_1868, %lt3A_1880 : vector<16xi32>
    %and3A_1882 = arith.andi %ge3A_1878, %lt3A_1881 : vector<16xi1>
    %mul3A_1883 = arith.constant 16 : i32
    %mul3A_1884 = arith.muli %arg1, %mul3A_1883 : i32
    %add3A_1885 = arith.constant 524288 : i32
    %add3A_1886 = arith.addi %add3A_1885, %mul3A_1884 : i32
    %broadcast_in_dim3A_1887 = vector.broadcast %add3A_1886 : i32 to vector<16xi32>
    %select_n3A_1888 = arith.select %and3A_1882, %add3A_1875, %broadcast_in_dim3A_1887 : vector<16xi1>, vector<16xi32>
    %swap3A_1889 = arith.constant 7 : i32
    %swap3A_1890 = arith.index_cast %swap3A_1889 : i32 to index
    %swap3A_1891 = arith.constant 48 : index
    %swap3A_1892 = tpu.vector_load %arg8[%swap3A_1890, %swap3A_1891] {strides = array<i32>} : memref<8x128xi32, #tpu.memory_space<vmem>>, vector<1x16xi32>,
    %swap3A_1893 = vector.shape_cast %swap3A_1892 : vector<1x16xi32> to vector<16xi32>
    %swap3A_1894 = vector.shape_cast %select_n3A_1888 : vector<16xi32> to vector<1x16xi32>
    tpu.vector_store %arg8[%swap3A_1890, %swap3A_1891], %swap3A_1894 {strides = array<i32>} : memref<8x128xi32, #tpu.memory_space<vmem>>, vector<1x16xi32>,
    %get3A_1895 = arith.constant 960 : index
    %get3A_1896 = tpu.vector_load %arg5[%get3A_1895] {strides = array<i32>} : memref<1024xi32, #tpu.memory_space<vmem>>, vector<16xi32>,
    %get3A_1897 = vector.shape_cast %get3A_1896 : vector<16xi32> to vector<16xi32>
    %sub3A_1898 = vector.broadcast %mul3A_41 : i32 to vector<16xi32>
    %sub3A_1899 = arith.subi %get3A_1897, %sub3A_1898 : vector<16xi32>
    %get3A_1900 = arith.constant 960 : index
    %get3A_1901 = tpu.vector_load %arg6[%get3A_1900] {strides = array<i32>} : memref<1024xi32, #tpu.memory_space<vmem>>, vector<16xi32>,
    %get3A_1902 = vector.shape_cast %get3A_1901 : vector<16xi32> to vector<16xi32>
    %mul3A_1903 = arith.constant 1024 : i32
    %mul3A_1904 = vector.broadcast %mul3A_1903 : i32 to vector<16xi32>
    %mul3A_1905 = arith.muli %sub3A_1899, %mul3A_1904 : vector<16xi32>
    %add3A_1906 = arith.addi %mul3A_1905, %get3A_1902 : vector<16xi32>
    %ge3A_1907 = arith.constant 0 : i32
    %ge3A_1908 = vector.broadcast %ge3A_1907 : i32 to vector<16xi32>
    %ge3A_1909 = arith.cmpi sge, %sub3A_1899, %ge3A_1908 : vector<16xi32>
    %lt3A_1910 = arith.constant 512 : i32
    %lt3A_1911 = vector.broadcast %lt3A_1910 : i32 to vector<16xi32>
    %lt3A_1912 = arith.cmpi slt, %sub3A_1899, %lt3A_1911 : vector<16xi32>
    %and3A_1913 = arith.andi %ge3A_1909, %lt3A_1912 : vector<16xi1>
    %mul3A_1914 = arith.constant 16 : i32
    %mul3A_1915 = arith.muli %arg1, %mul3A_1914 : i32
    %add3A_1916 = arith.constant 524288 : i32
    %add3A_1917 = arith.addi %add3A_1916, %mul3A_1915 : i32
    %broadcast_in_dim3A_1918 = vector.broadcast %add3A_1917 : i32 to vector<16xi32>
    %select_n3A_1919 = arith.select %and3A_1913, %add3A_1906, %broadcast_in_dim3A_1918 : vector<16xi1>, vector<16xi32>
    %swap3A_1920 = arith.constant 7 : i32
    %swap3A_1921 = arith.index_cast %swap3A_1920 : i32 to index
    %swap3A_1922 = arith.constant 64 : index
    %swap3A_1923 = tpu.vector_load %arg8[%swap3A_1921, %swap3A_1922] {strides = array<i32>} : memref<8x128xi32, #tpu.memory_space<vmem>>, vector<1x16xi32>,
    %swap3A_1924 = vector.shape_cast %swap3A_1923 : vector<1x16xi32> to vector<16xi32>
    %swap3A_1925 = vector.shape_cast %select_n3A_1919 : vector<16xi32> to vector<1x16xi32>
    tpu.vector_store %arg8[%swap3A_1921, %swap3A_1922], %swap3A_1925 {strides = array<i32>} : memref<8x128xi32, #tpu.memory_space<vmem>>, vector<1x16xi32>,
    %get3A_1926 = arith.constant 976 : index
    %get3A_1927 = tpu.vector_load %arg5[%get3A_1926] {strides = array<i32>} : memref<1024xi32, #tpu.memory_space<vmem>>, vector<16xi32>,
    %get3A_1928 = vector.shape_cast %get3A_1927 : vector<16xi32> to vector<16xi32>
    %sub3A_1929 = vector.broadcast %mul3A_41 : i32 to vector<16xi32>
    %sub3A_1930 = arith.subi %get3A_1928, %sub3A_1929 : vector<16xi32>
    %get3A_1931 = arith.constant 976 : index
    %get3A_1932 = tpu.vector_load %arg6[%get3A_1931] {strides = array<i32>} : memref<1024xi32, #tpu.memory_space<vmem>>, vector<16xi32>,
    %get3A_1933 = vector.shape_cast %get3A_1932 : vector<16xi32> to vector<16xi32>
    %mul3A_1934 = arith.constant 1024 : i32
    %mul3A_1935 = vector.broadcast %mul3A_1934 : i32 to vector<16xi32>
    %mul3A_1936 = arith.muli %sub3A_1930, %mul3A_1935 : vector<16xi32>
    %add3A_1937 = arith.addi %mul3A_1936, %get3A_1933 : vector<16xi32>
    %ge3A_1938 = arith.constant 0 : i32
    %ge3A_1939 = vector.broadcast %ge3A_1938 : i32 to vector<16xi32>
    %ge3A_1940 = arith.cmpi sge, %sub3A_1930, %ge3A_1939 : vector<16xi32>
    %lt3A_1941 = arith.constant 512 : i32
    %lt3A_1942 = vector.broadcast %lt3A_1941 : i32 to vector<16xi32>
    %lt3A_1943 = arith.cmpi slt, %sub3A_1930, %lt3A_1942 : vector<16xi32>
    %and3A_1944 = arith.andi %ge3A_1940, %lt3A_1943 : vector<16xi1>
    %mul3A_1945 = arith.constant 16 : i32
    %mul3A_1946 = arith.muli %arg1, %mul3A_1945 : i32
    %add3A_1947 = arith.constant 524288 : i32
    %add3A_1948 = arith.addi %add3A_1947, %mul3A_1946 : i32
    %broadcast_in_dim3A_1949 = vector.broadcast %add3A_1948 : i32 to vector<16xi32>
    %select_n3A_1950 = arith.select %and3A_1944, %add3A_1937, %broadcast_in_dim3A_1949 : vector<16xi1>, vector<16xi32>
    %swap3A_1951 = arith.constant 7 : i32
    %swap3A_1952 = arith.index_cast %swap3A_1951 : i32 to index
    %swap3A_1953 = arith.constant 80 : index
    %swap3A_1954 = tpu.vector_load %arg8[%swap3A_1952, %swap3A_1953] {strides = array<i32>} : memref<8x128xi32, #tpu.memory_space<vmem>>, vector<1x16xi32>,
    %swap3A_1955 = vector.shape_cast %swap3A_1954 : vector<1x16xi32> to vector<16xi32>
    %swap3A_1956 = vector.shape_cast %select_n3A_1950 : vector<16xi32> to vector<1x16xi32>
    tpu.vector_store %arg8[%swap3A_1952, %swap3A_1953], %swap3A_1956 {strides = array<i32>} : memref<8x128xi32, #tpu.memory_space<vmem>>, vector<1x16xi32>,
    %get3A_1957 = arith.constant 992 : index
    %get3A_1958 = tpu.vector_load %arg5[%get3A_1957] {strides = array<i32>} : memref<1024xi32, #tpu.memory_space<vmem>>, vector<16xi32>,
    %get3A_1959 = vector.shape_cast %get3A_1958 : vector<16xi32> to vector<16xi32>
    %sub3A_1960 = vector.broadcast %mul3A_41 : i32 to vector<16xi32>
    %sub3A_1961 = arith.subi %get3A_1959, %sub3A_1960 : vector<16xi32>
    %get3A_1962 = arith.constant 992 : index
    %get3A_1963 = tpu.vector_load %arg6[%get3A_1962] {strides = array<i32>} : memref<1024xi32, #tpu.memory_space<vmem>>, vector<16xi32>,
    %get3A_1964 = vector.shape_cast %get3A_1963 : vector<16xi32> to vector<16xi32>
    %mul3A_1965 = arith.constant 1024 : i32
    %mul3A_1966 = vector.broadcast %mul3A_1965 : i32 to vector<16xi32>
    %mul3A_1967 = arith.muli %sub3A_1961, %mul3A_1966 : vector<16xi32>
    %add3A_1968 = arith.addi %mul3A_1967, %get3A_1964 : vector<16xi32>
    %ge3A_1969 = arith.constant 0 : i32
    %ge3A_1970 = vector.broadcast %ge3A_1969 : i32 to vector<16xi32>
    %ge3A_1971 = arith.cmpi sge, %sub3A_1961, %ge3A_1970 : vector<16xi32>
    %lt3A_1972 = arith.constant 512 : i32
    %lt3A_1973 = vector.broadcast %lt3A_1972 : i32 to vector<16xi32>
    %lt3A_1974 = arith.cmpi slt, %sub3A_1961, %lt3A_1973 : vector<16xi32>
    %and3A_1975 = arith.andi %ge3A_1971, %lt3A_1974 : vector<16xi1>
    %mul3A_1976 = arith.constant 16 : i32
    %mul3A_1977 = arith.muli %arg1, %mul3A_1976 : i32
    %add3A_1978 = arith.constant 524288 : i32
    %add3A_1979 = arith.addi %add3A_1978, %mul3A_1977 : i32
    %broadcast_in_dim3A_1980 = vector.broadcast %add3A_1979 : i32 to vector<16xi32>
    %select_n3A_1981 = arith.select %and3A_1975, %add3A_1968, %broadcast_in_dim3A_1980 : vector<16xi1>, vector<16xi32>
    %swap3A_1982 = arith.constant 7 : i32
    %swap3A_1983 = arith.index_cast %swap3A_1982 : i32 to index
    %swap3A_1984 = arith.constant 96 : index
    %swap3A_1985 = tpu.vector_load %arg8[%swap3A_1983, %swap3A_1984] {strides = array<i32>} : memref<8x128xi32, #tpu.memory_space<vmem>>, vector<1x16xi32>,
    %swap3A_1986 = vector.shape_cast %swap3A_1985 : vector<1x16xi32> to vector<16xi32>
    %swap3A_1987 = vector.shape_cast %select_n3A_1981 : vector<16xi32> to vector<1x16xi32>
    tpu.vector_store %arg8[%swap3A_1983, %swap3A_1984], %swap3A_1987 {strides = array<i32>} : memref<8x128xi32, #tpu.memory_space<vmem>>, vector<1x16xi32>,
    %get3A_1988 = arith.constant 1008 : index
    %get3A_1989 = tpu.vector_load %arg5[%get3A_1988] {strides = array<i32>} : memref<1024xi32, #tpu.memory_space<vmem>>, vector<16xi32>,
    %get3A_1990 = vector.shape_cast %get3A_1989 : vector<16xi32> to vector<16xi32>
    %sub3A_1991 = vector.broadcast %mul3A_41 : i32 to vector<16xi32>
    %sub3A_1992 = arith.subi %get3A_1990, %sub3A_1991 : vector<16xi32>
    %get3A_1993 = arith.constant 1008 : index
    %get3A_1994 = tpu.vector_load %arg6[%get3A_1993] {strides = array<i32>} : memref<1024xi32, #tpu.memory_space<vmem>>, vector<16xi32>,
    %get3A_1995 = vector.shape_cast %get3A_1994 : vector<16xi32> to vector<16xi32>
    %mul3A_1996 = arith.constant 1024 : i32
    %mul3A_1997 = vector.broadcast %mul3A_1996 : i32 to vector<16xi32>
    %mul3A_1998 = arith.muli %sub3A_1992, %mul3A_1997 : vector<16xi32>
    %add3A_1999 = arith.addi %mul3A_1998, %get3A_1995 : vector<16xi32>
    %ge3A_2000 = arith.constant 0 : i32
    %ge3A_2001 = vector.broadcast %ge3A_2000 : i32 to vector<16xi32>
    %ge3A_2002 = arith.cmpi sge, %sub3A_1992, %ge3A_2001 : vector<16xi32>
    %lt3A_2003 = arith.constant 512 : i32
    %lt3A_2004 = vector.broadcast %lt3A_2003 : i32 to vector<16xi32>
    %lt3A_2005 = arith.cmpi slt, %sub3A_1992, %lt3A_2004 : vector<16xi32>
    %and3A_2006 = arith.andi %ge3A_2002, %lt3A_2005 : vector<16xi1>
    %mul3A_2007 = arith.constant 16 : i32
    %mul3A_2008 = arith.muli %arg1, %mul3A_2007 : i32
    %add3A_2009 = arith.constant 524288 : i32
    %add3A_2010 = arith.addi %add3A_2009, %mul3A_2008 : i32
    %broadcast_in_dim3A_2011 = vector.broadcast %add3A_2010 : i32 to vector<16xi32>
    %select_n3A_2012 = arith.select %and3A_2006, %add3A_1999, %broadcast_in_dim3A_2011 : vector<16xi1>, vector<16xi32>
    %swap3A_2013 = arith.constant 7 : i32
    %swap3A_2014 = arith.index_cast %swap3A_2013 : i32 to index
    %swap3A_2015 = arith.constant 112 : index
    %swap3A_2016 = tpu.vector_load %arg8[%swap3A_2014, %swap3A_2015] {strides = array<i32>} : memref<8x128xi32, #tpu.memory_space<vmem>>, vector<1x16xi32>,
    %swap3A_2017 = vector.shape_cast %swap3A_2016 : vector<1x16xi32> to vector<16xi32>
    %swap3A_2018 = vector.shape_cast %select_n3A_2012 : vector<16xi32> to vector<1x16xi32>
    tpu.vector_store %arg8[%swap3A_2014, %swap3A_2015], %swap3A_2018 {strides = array<i32>} : memref<8x128xi32, #tpu.memory_space<vmem>>, vector<1x16xi32>,
    %dma_wait3A_2019 = tpu.memref_slice %arg3[%mul3A_0] : memref<16384xf32, #tpu.memory_space<hbm>> -> memref<1024xf32, #tpu.memory_space<hbm>>
    %dma_wait3A_2020 = tpu.memref_slice %arg3[%mul3A_0] : memref<16384xf32, #tpu.memory_space<hbm>> -> memref<1024xf32, #tpu.memory_space<hbm>>
    tpu.wait_dma2 semaphore(%arg12 : memref<!tpu.dma_semaphore, #tpu.memory_space<semaphore_mem>>) src(%dma_wait3A_2020 : memref<1024xf32, #tpu.memory_space<hbm>>) dst(%arg7 : memref<1024xf32, #tpu.memory_space<vmem>>)
    %dma_wait3A_2021 = tpu.memref_slice %arg10[%add3A_16] : memref<524544xf32, #tpu.memory_space<vmem_shared>> -> memref<8192xf32, #tpu.memory_space<vmem_shared>>
    %dma_wait3A_2022 = tpu.memref_slice %arg10[%add3A_16] : memref<524544xf32, #tpu.memory_space<vmem_shared>> -> memref<8192xf32, #tpu.memory_space<vmem_shared>>
    tpu.wait_dma2 semaphore(%arg13 : memref<!tpu.dma_semaphore, #tpu.memory_space<semaphore_mem>>) src(%arg9 : memref<8192xf32, #tpu.memory_space<vmem>>) dst(%dma_wait3A_2022 : memref<8192xf32, #tpu.memory_space<vmem_shared>>)
    %dma_wait3A_2023 = tpu.memref_slice %arg10[%add3A_22] : memref<524544xf32, #tpu.memory_space<vmem_shared>> -> memref<8192xf32, #tpu.memory_space<vmem_shared>>
    %dma_wait3A_2024 = tpu.memref_slice %arg10[%add3A_22] : memref<524544xf32, #tpu.memory_space<vmem_shared>> -> memref<8192xf32, #tpu.memory_space<vmem_shared>>
    tpu.wait_dma2 semaphore(%arg13 : memref<!tpu.dma_semaphore, #tpu.memory_space<semaphore_mem>>) src(%arg9 : memref<8192xf32, #tpu.memory_space<vmem>>) dst(%dma_wait3A_2024 : memref<8192xf32, #tpu.memory_space<vmem_shared>>)
    %dma_wait3A_2025 = tpu.memref_slice %arg10[%add3A_28] : memref<524544xf32, #tpu.memory_space<vmem_shared>> -> memref<8192xf32, #tpu.memory_space<vmem_shared>>
    %dma_wait3A_2026 = tpu.memref_slice %arg10[%add3A_28] : memref<524544xf32, #tpu.memory_space<vmem_shared>> -> memref<8192xf32, #tpu.memory_space<vmem_shared>>
    tpu.wait_dma2 semaphore(%arg13 : memref<!tpu.dma_semaphore, #tpu.memory_space<semaphore_mem>>) src(%arg9 : memref<8192xf32, #tpu.memory_space<vmem>>) dst(%dma_wait3A_2026 : memref<8192xf32, #tpu.memory_space<vmem_shared>>)
    %dma_wait3A_2027 = tpu.memref_slice %arg10[%add3A_34] : memref<524544xf32, #tpu.memory_space<vmem_shared>> -> memref<8192xf32, #tpu.memory_space<vmem_shared>>
    %dma_wait3A_2028 = tpu.memref_slice %arg10[%add3A_34] : memref<524544xf32, #tpu.memory_space<vmem_shared>> -> memref<8192xf32, #tpu.memory_space<vmem_shared>>
    tpu.wait_dma2 semaphore(%arg13 : memref<!tpu.dma_semaphore, #tpu.memory_space<semaphore_mem>>) src(%arg9 : memref<8192xf32, #tpu.memory_space<vmem>>) dst(%dma_wait3A_2028 : memref<8192xf32, #tpu.memory_space<vmem_shared>>)
    %barrier3A = arith.constant 0 : index
    tpu.barrier barrier_id(%barrier3A)
    %dma_start3A_2029 = arith.constant 0 : i32
    %dma_start3A_2030 = arith.constant 0 : i32
    %dma_start3A_2031 = tpu.memref_slice %arg7[%dma_start3A_2030] : memref<1024xf32, #tpu.memory_space<vmem>> -> memref<128xf32, #tpu.memory_space<vmem>>
    %dma_start3A_2032 = arith.constant 0 : i32
    %dma_start3A_2033 = tpu.memref_slice %arg8[%dma_start3A_2029, %dma_start3A_2032] : memref<8x128xi32, #tpu.memory_space<vmem>> -> memref<1x128xi32, #tpu.memory_space<vmem>>
    %dma_start3A_2034 = tpu.memref_squeeze %dma_start3A_2033 : memref<1x128xi32, #tpu.memory_space<vmem>> -> memref<128xi32, #tpu.memory_space<vmem>>
    %dma_start3A_2035 = arith.constant 0 : i32
    %dma_start3A_2036 = tpu.memref_slice %arg10[%dma_start3A_2035] : memref<524544xf32, #tpu.memory_space<vmem_shared>> -> memref<524544xf32, #tpu.memory_space<vmem_shared>>
    tpu.enqueue_indirect_dma source(%dma_start3A_2031 : memref<128xf32, #tpu.memory_space<vmem>>) target(%dma_start3A_2036 : memref<524544xf32, #tpu.memory_space<vmem_shared>>) offsets(%dma_start3A_2034 : memref<128xi32, #tpu.memory_space<vmem>>) semaphore(%arg12 : memref<!tpu.dma_semaphore, #tpu.memory_space<semaphore_mem>>) {add = true}
    %dma_start3A_2037 = arith.constant 1 : i32
    %dma_start3A_2038 = arith.constant 128 : i32
    %dma_start3A_2039 = tpu.memref_slice %arg7[%dma_start3A_2038] : memref<1024xf32, #tpu.memory_space<vmem>> -> memref<128xf32, #tpu.memory_space<vmem>>
    %dma_start3A_2040 = arith.constant 0 : i32
    %dma_start3A_2041 = tpu.memref_slice %arg8[%dma_start3A_2037, %dma_start3A_2040] : memref<8x128xi32, #tpu.memory_space<vmem>> -> memref<1x128xi32, #tpu.memory_space<vmem>>
    %dma_start3A_2042 = tpu.memref_squeeze %dma_start3A_2041 : memref<1x128xi32, #tpu.memory_space<vmem>> -> memref<128xi32, #tpu.memory_space<vmem>>
    %dma_start3A_2043 = arith.constant 0 : i32
    %dma_start3A_2044 = tpu.memref_slice %arg10[%dma_start3A_2043] : memref<524544xf32, #tpu.memory_space<vmem_shared>> -> memref<524544xf32, #tpu.memory_space<vmem_shared>>
    tpu.enqueue_indirect_dma source(%dma_start3A_2039 : memref<128xf32, #tpu.memory_space<vmem>>) target(%dma_start3A_2044 : memref<524544xf32, #tpu.memory_space<vmem_shared>>) offsets(%dma_start3A_2042 : memref<128xi32, #tpu.memory_space<vmem>>) semaphore(%arg12 : memref<!tpu.dma_semaphore, #tpu.memory_space<semaphore_mem>>) {add = true}
    %dma_start3A_2045 = arith.constant 2 : i32
    %dma_start3A_2046 = arith.constant 256 : i32
    %dma_start3A_2047 = tpu.memref_slice %arg7[%dma_start3A_2046] : memref<1024xf32, #tpu.memory_space<vmem>> -> memref<128xf32, #tpu.memory_space<vmem>>
    %dma_start3A_2048 = arith.constant 0 : i32
    %dma_start3A_2049 = tpu.memref_slice %arg8[%dma_start3A_2045, %dma_start3A_2048] : memref<8x128xi32, #tpu.memory_space<vmem>> -> memref<1x128xi32, #tpu.memory_space<vmem>>
    %dma_start3A_2050 = tpu.memref_squeeze %dma_start3A_2049 : memref<1x128xi32, #tpu.memory_space<vmem>> -> memref<128xi32, #tpu.memory_space<vmem>>
    %dma_start3A_2051 = arith.constant 0 : i32
    %dma_start3A_2052 = tpu.memref_slice %arg10[%dma_start3A_2051] : memref<524544xf32, #tpu.memory_space<vmem_shared>> -> memref<524544xf32, #tpu.memory_space<vmem_shared>>
    tpu.enqueue_indirect_dma source(%dma_start3A_2047 : memref<128xf32, #tpu.memory_space<vmem>>) target(%dma_start3A_2052 : memref<524544xf32, #tpu.memory_space<vmem_shared>>) offsets(%dma_start3A_2050 : memref<128xi32, #tpu.memory_space<vmem>>) semaphore(%arg12 : memref<!tpu.dma_semaphore, #tpu.memory_space<semaphore_mem>>) {add = true}
    %dma_start3A_2053 = arith.constant 3 : i32
    %dma_start3A_2054 = arith.constant 384 : i32
    %dma_start3A_2055 = tpu.memref_slice %arg7[%dma_start3A_2054] : memref<1024xf32, #tpu.memory_space<vmem>> -> memref<128xf32, #tpu.memory_space<vmem>>
    %dma_start3A_2056 = arith.constant 0 : i32
    %dma_start3A_2057 = tpu.memref_slice %arg8[%dma_start3A_2053, %dma_start3A_2056] : memref<8x128xi32, #tpu.memory_space<vmem>> -> memref<1x128xi32, #tpu.memory_space<vmem>>
    %dma_start3A_2058 = tpu.memref_squeeze %dma_start3A_2057 : memref<1x128xi32, #tpu.memory_space<vmem>> -> memref<128xi32, #tpu.memory_space<vmem>>
    %dma_start3A_2059 = arith.constant 0 : i32
    %dma_start3A_2060 = tpu.memref_slice %arg10[%dma_start3A_2059] : memref<524544xf32, #tpu.memory_space<vmem_shared>> -> memref<524544xf32, #tpu.memory_space<vmem_shared>>
    tpu.enqueue_indirect_dma source(%dma_start3A_2055 : memref<128xf32, #tpu.memory_space<vmem>>) target(%dma_start3A_2060 : memref<524544xf32, #tpu.memory_space<vmem_shared>>) offsets(%dma_start3A_2058 : memref<128xi32, #tpu.memory_space<vmem>>) semaphore(%arg12 : memref<!tpu.dma_semaphore, #tpu.memory_space<semaphore_mem>>) {add = true}
    %dma_start3A_2061 = arith.constant 4 : i32
    %dma_start3A_2062 = arith.constant 512 : i32
    %dma_start3A_2063 = tpu.memref_slice %arg7[%dma_start3A_2062] : memref<1024xf32, #tpu.memory_space<vmem>> -> memref<128xf32, #tpu.memory_space<vmem>>
    %dma_start3A_2064 = arith.constant 0 : i32
    %dma_start3A_2065 = tpu.memref_slice %arg8[%dma_start3A_2061, %dma_start3A_2064] : memref<8x128xi32, #tpu.memory_space<vmem>> -> memref<1x128xi32, #tpu.memory_space<vmem>>
    %dma_start3A_2066 = tpu.memref_squeeze %dma_start3A_2065 : memref<1x128xi32, #tpu.memory_space<vmem>> -> memref<128xi32, #tpu.memory_space<vmem>>
    %dma_start3A_2067 = arith.constant 0 : i32
    %dma_start3A_2068 = tpu.memref_slice %arg10[%dma_start3A_2067] : memref<524544xf32, #tpu.memory_space<vmem_shared>> -> memref<524544xf32, #tpu.memory_space<vmem_shared>>
    tpu.enqueue_indirect_dma source(%dma_start3A_2063 : memref<128xf32, #tpu.memory_space<vmem>>) target(%dma_start3A_2068 : memref<524544xf32, #tpu.memory_space<vmem_shared>>) offsets(%dma_start3A_2066 : memref<128xi32, #tpu.memory_space<vmem>>) semaphore(%arg12 : memref<!tpu.dma_semaphore, #tpu.memory_space<semaphore_mem>>) {add = true}
    %dma_start3A_2069 = arith.constant 5 : i32
    %dma_start3A_2070 = arith.constant 640 : i32
    %dma_start3A_2071 = tpu.memref_slice %arg7[%dma_start3A_2070] : memref<1024xf32, #tpu.memory_space<vmem>> -> memref<128xf32, #tpu.memory_space<vmem>>
    %dma_start3A_2072 = arith.constant 0 : i32
    %dma_start3A_2073 = tpu.memref_slice %arg8[%dma_start3A_2069, %dma_start3A_2072] : memref<8x128xi32, #tpu.memory_space<vmem>> -> memref<1x128xi32, #tpu.memory_space<vmem>>
    %dma_start3A_2074 = tpu.memref_squeeze %dma_start3A_2073 : memref<1x128xi32, #tpu.memory_space<vmem>> -> memref<128xi32, #tpu.memory_space<vmem>>
    %dma_start3A_2075 = arith.constant 0 : i32
    %dma_start3A_2076 = tpu.memref_slice %arg10[%dma_start3A_2075] : memref<524544xf32, #tpu.memory_space<vmem_shared>> -> memref<524544xf32, #tpu.memory_space<vmem_shared>>
    tpu.enqueue_indirect_dma source(%dma_start3A_2071 : memref<128xf32, #tpu.memory_space<vmem>>) target(%dma_start3A_2076 : memref<524544xf32, #tpu.memory_space<vmem_shared>>) offsets(%dma_start3A_2074 : memref<128xi32, #tpu.memory_space<vmem>>) semaphore(%arg12 : memref<!tpu.dma_semaphore, #tpu.memory_space<semaphore_mem>>) {add = true}
    %dma_start3A_2077 = arith.constant 6 : i32
    %dma_start3A_2078 = arith.constant 768 : i32
    %dma_start3A_2079 = tpu.memref_slice %arg7[%dma_start3A_2078] : memref<1024xf32, #tpu.memory_space<vmem>> -> memref<128xf32, #tpu.memory_space<vmem>>
    %dma_start3A_2080 = arith.constant 0 : i32
    %dma_start3A_2081 = tpu.memref_slice %arg8[%dma_start3A_2077, %dma_start3A_2080] : memref<8x128xi32, #tpu.memory_space<vmem>> -> memref<1x128xi32, #tpu.memory_space<vmem>>
    %dma_start3A_2082 = tpu.memref_squeeze %dma_start3A_2081 : memref<1x128xi32, #tpu.memory_space<vmem>> -> memref<128xi32, #tpu.memory_space<vmem>>
    %dma_start3A_2083 = arith.constant 0 : i32
    %dma_start3A_2084 = tpu.memref_slice %arg10[%dma_start3A_2083] : memref<524544xf32, #tpu.memory_space<vmem_shared>> -> memref<524544xf32, #tpu.memory_space<vmem_shared>>
    tpu.enqueue_indirect_dma source(%dma_start3A_2079 : memref<128xf32, #tpu.memory_space<vmem>>) target(%dma_start3A_2084 : memref<524544xf32, #tpu.memory_space<vmem_shared>>) offsets(%dma_start3A_2082 : memref<128xi32, #tpu.memory_space<vmem>>) semaphore(%arg12 : memref<!tpu.dma_semaphore, #tpu.memory_space<semaphore_mem>>) {add = true}
    %dma_start3A_2085 = arith.constant 7 : i32
    %dma_start3A_2086 = arith.constant 896 : i32
    %dma_start3A_2087 = tpu.memref_slice %arg7[%dma_start3A_2086] : memref<1024xf32, #tpu.memory_space<vmem>> -> memref<128xf32, #tpu.memory_space<vmem>>
    %dma_start3A_2088 = arith.constant 0 : i32
    %dma_start3A_2089 = tpu.memref_slice %arg8[%dma_start3A_2085, %dma_start3A_2088] : memref<8x128xi32, #tpu.memory_space<vmem>> -> memref<1x128xi32, #tpu.memory_space<vmem>>
    %dma_start3A_2090 = tpu.memref_squeeze %dma_start3A_2089 : memref<1x128xi32, #tpu.memory_space<vmem>> -> memref<128xi32, #tpu.memory_space<vmem>>
    %dma_start3A_2091 = arith.constant 0 : i32
    %dma_start3A_2092 = tpu.memref_slice %arg10[%dma_start3A_2091] : memref<524544xf32, #tpu.memory_space<vmem_shared>> -> memref<524544xf32, #tpu.memory_space<vmem_shared>>
    tpu.enqueue_indirect_dma source(%dma_start3A_2087 : memref<128xf32, #tpu.memory_space<vmem>>) target(%dma_start3A_2092 : memref<524544xf32, #tpu.memory_space<vmem_shared>>) offsets(%dma_start3A_2090 : memref<128xi32, #tpu.memory_space<vmem>>) semaphore(%arg12 : memref<!tpu.dma_semaphore, #tpu.memory_space<semaphore_mem>>) {add = true}
    %dma_wait3A_2093 = arith.constant 0 : i32
    %dma_wait3A_2094 = arith.constant 0 : i32
    %dma_wait3A_2095 = tpu.memref_slice %arg7[%dma_wait3A_2094] : memref<1024xf32, #tpu.memory_space<vmem>> -> memref<128xf32, #tpu.memory_space<vmem>>
    %dma_wait3A_2096 = arith.constant 0 : i32
    %dma_wait3A_2097 = tpu.memref_slice %arg8[%dma_wait3A_2093, %dma_wait3A_2096] : memref<8x128xi32, #tpu.memory_space<vmem>> -> memref<1x128xi32, #tpu.memory_space<vmem>>
    %dma_wait3A_2098 = tpu.memref_squeeze %dma_wait3A_2097 : memref<1x128xi32, #tpu.memory_space<vmem>> -> memref<128xi32, #tpu.memory_space<vmem>>
    %dma_wait3A_2099 = arith.constant 0 : i32
    %dma_wait3A_2100 = tpu.memref_slice %arg10[%dma_wait3A_2099] : memref<524544xf32, #tpu.memory_space<vmem_shared>> -> memref<524544xf32, #tpu.memory_space<vmem_shared>>
    tpu.wait_indirect_dma semaphore(%arg12 : memref<!tpu.dma_semaphore, #tpu.memory_space<semaphore_mem>>) src(%dma_wait3A_2095 : memref<128xf32, #tpu.memory_space<vmem>>) dst(%dma_wait3A_2100 : memref<524544xf32, #tpu.memory_space<vmem_shared>>)
    %dma_wait3A_2101 = arith.constant 1 : i32
    %dma_wait3A_2102 = arith.constant 128 : i32
    %dma_wait3A_2103 = tpu.memref_slice %arg7[%dma_wait3A_2102] : memref<1024xf32, #tpu.memory_space<vmem>> -> memref<128xf32, #tpu.memory_space<vmem>>
    %dma_wait3A_2104 = arith.constant 0 : i32
    %dma_wait3A_2105 = tpu.memref_slice %arg8[%dma_wait3A_2101, %dma_wait3A_2104] : memref<8x128xi32, #tpu.memory_space<vmem>> -> memref<1x128xi32, #tpu.memory_space<vmem>>
    %dma_wait3A_2106 = tpu.memref_squeeze %dma_wait3A_2105 : memref<1x128xi32, #tpu.memory_space<vmem>> -> memref<128xi32, #tpu.memory_space<vmem>>
    %dma_wait3A_2107 = arith.constant 0 : i32
    %dma_wait3A_2108 = tpu.memref_slice %arg10[%dma_wait3A_2107] : memref<524544xf32, #tpu.memory_space<vmem_shared>> -> memref<524544xf32, #tpu.memory_space<vmem_shared>>
    tpu.wait_indirect_dma semaphore(%arg12 : memref<!tpu.dma_semaphore, #tpu.memory_space<semaphore_mem>>) src(%dma_wait3A_2103 : memref<128xf32, #tpu.memory_space<vmem>>) dst(%dma_wait3A_2108 : memref<524544xf32, #tpu.memory_space<vmem_shared>>)
    %dma_wait3A_2109 = arith.constant 2 : i32
    %dma_wait3A_2110 = arith.constant 256 : i32
    %dma_wait3A_2111 = tpu.memref_slice %arg7[%dma_wait3A_2110] : memref<1024xf32, #tpu.memory_space<vmem>> -> memref<128xf32, #tpu.memory_space<vmem>>
    %dma_wait3A_2112 = arith.constant 0 : i32
    %dma_wait3A_2113 = tpu.memref_slice %arg8[%dma_wait3A_2109, %dma_wait3A_2112] : memref<8x128xi32, #tpu.memory_space<vmem>> -> memref<1x128xi32, #tpu.memory_space<vmem>>
    %dma_wait3A_2114 = tpu.memref_squeeze %dma_wait3A_2113 : memref<1x128xi32, #tpu.memory_space<vmem>> -> memref<128xi32, #tpu.memory_space<vmem>>
    %dma_wait3A_2115 = arith.constant 0 : i32
    %dma_wait3A_2116 = tpu.memref_slice %arg10[%dma_wait3A_2115] : memref<524544xf32, #tpu.memory_space<vmem_shared>> -> memref<524544xf32, #tpu.memory_space<vmem_shared>>
    tpu.wait_indirect_dma semaphore(%arg12 : memref<!tpu.dma_semaphore, #tpu.memory_space<semaphore_mem>>) src(%dma_wait3A_2111 : memref<128xf32, #tpu.memory_space<vmem>>) dst(%dma_wait3A_2116 : memref<524544xf32, #tpu.memory_space<vmem_shared>>)
    %dma_wait3A_2117 = arith.constant 3 : i32
    %dma_wait3A_2118 = arith.constant 384 : i32
    %dma_wait3A_2119 = tpu.memref_slice %arg7[%dma_wait3A_2118] : memref<1024xf32, #tpu.memory_space<vmem>> -> memref<128xf32, #tpu.memory_space<vmem>>
    %dma_wait3A_2120 = arith.constant 0 : i32
    %dma_wait3A_2121 = tpu.memref_slice %arg8[%dma_wait3A_2117, %dma_wait3A_2120] : memref<8x128xi32, #tpu.memory_space<vmem>> -> memref<1x128xi32, #tpu.memory_space<vmem>>
    %dma_wait3A_2122 = tpu.memref_squeeze %dma_wait3A_2121 : memref<1x128xi32, #tpu.memory_space<vmem>> -> memref<128xi32, #tpu.memory_space<vmem>>
    %dma_wait3A_2123 = arith.constant 0 : i32
    %dma_wait3A_2124 = tpu.memref_slice %arg10[%dma_wait3A_2123] : memref<524544xf32, #tpu.memory_space<vmem_shared>> -> memref<524544xf32, #tpu.memory_space<vmem_shared>>
    tpu.wait_indirect_dma semaphore(%arg12 : memref<!tpu.dma_semaphore, #tpu.memory_space<semaphore_mem>>) src(%dma_wait3A_2119 : memref<128xf32, #tpu.memory_space<vmem>>) dst(%dma_wait3A_2124 : memref<524544xf32, #tpu.memory_space<vmem_shared>>)
    %dma_wait3A_2125 = arith.constant 4 : i32
    %dma_wait3A_2126 = arith.constant 512 : i32
    %dma_wait3A_2127 = tpu.memref_slice %arg7[%dma_wait3A_2126] : memref<1024xf32, #tpu.memory_space<vmem>> -> memref<128xf32, #tpu.memory_space<vmem>>
    %dma_wait3A_2128 = arith.constant 0 : i32
    %dma_wait3A_2129 = tpu.memref_slice %arg8[%dma_wait3A_2125, %dma_wait3A_2128] : memref<8x128xi32, #tpu.memory_space<vmem>> -> memref<1x128xi32, #tpu.memory_space<vmem>>
    %dma_wait3A_2130 = tpu.memref_squeeze %dma_wait3A_2129 : memref<1x128xi32, #tpu.memory_space<vmem>> -> memref<128xi32, #tpu.memory_space<vmem>>
    %dma_wait3A_2131 = arith.constant 0 : i32
    %dma_wait3A_2132 = tpu.memref_slice %arg10[%dma_wait3A_2131] : memref<524544xf32, #tpu.memory_space<vmem_shared>> -> memref<524544xf32, #tpu.memory_space<vmem_shared>>
    tpu.wait_indirect_dma semaphore(%arg12 : memref<!tpu.dma_semaphore, #tpu.memory_space<semaphore_mem>>) src(%dma_wait3A_2127 : memref<128xf32, #tpu.memory_space<vmem>>) dst(%dma_wait3A_2132 : memref<524544xf32, #tpu.memory_space<vmem_shared>>)
    %dma_wait3A_2133 = arith.constant 5 : i32
    %dma_wait3A_2134 = arith.constant 640 : i32
    %dma_wait3A_2135 = tpu.memref_slice %arg7[%dma_wait3A_2134] : memref<1024xf32, #tpu.memory_space<vmem>> -> memref<128xf32, #tpu.memory_space<vmem>>
    %dma_wait3A_2136 = arith.constant 0 : i32
    %dma_wait3A_2137 = tpu.memref_slice %arg8[%dma_wait3A_2133, %dma_wait3A_2136] : memref<8x128xi32, #tpu.memory_space<vmem>> -> memref<1x128xi32, #tpu.memory_space<vmem>>
    %dma_wait3A_2138 = tpu.memref_squeeze %dma_wait3A_2137 : memref<1x128xi32, #tpu.memory_space<vmem>> -> memref<128xi32, #tpu.memory_space<vmem>>
    %dma_wait3A_2139 = arith.constant 0 : i32
    %dma_wait3A_2140 = tpu.memref_slice %arg10[%dma_wait3A_2139] : memref<524544xf32, #tpu.memory_space<vmem_shared>> -> memref<524544xf32, #tpu.memory_space<vmem_shared>>
    tpu.wait_indirect_dma semaphore(%arg12 : memref<!tpu.dma_semaphore, #tpu.memory_space<semaphore_mem>>) src(%dma_wait3A_2135 : memref<128xf32, #tpu.memory_space<vmem>>) dst(%dma_wait3A_2140 : memref<524544xf32, #tpu.memory_space<vmem_shared>>)
    %dma_wait3A_2141 = arith.constant 6 : i32
    %dma_wait3A_2142 = arith.constant 768 : i32
    %dma_wait3A_2143 = tpu.memref_slice %arg7[%dma_wait3A_2142] : memref<1024xf32, #tpu.memory_space<vmem>> -> memref<128xf32, #tpu.memory_space<vmem>>
    %dma_wait3A_2144 = arith.constant 0 : i32
    %dma_wait3A_2145 = tpu.memref_slice %arg8[%dma_wait3A_2141, %dma_wait3A_2144] : memref<8x128xi32, #tpu.memory_space<vmem>> -> memref<1x128xi32, #tpu.memory_space<vmem>>
    %dma_wait3A_2146 = tpu.memref_squeeze %dma_wait3A_2145 : memref<1x128xi32, #tpu.memory_space<vmem>> -> memref<128xi32, #tpu.memory_space<vmem>>
    %dma_wait3A_2147 = arith.constant 0 : i32
    %dma_wait3A_2148 = tpu.memref_slice %arg10[%dma_wait3A_2147] : memref<524544xf32, #tpu.memory_space<vmem_shared>> -> memref<524544xf32, #tpu.memory_space<vmem_shared>>
    tpu.wait_indirect_dma semaphore(%arg12 : memref<!tpu.dma_semaphore, #tpu.memory_space<semaphore_mem>>) src(%dma_wait3A_2143 : memref<128xf32, #tpu.memory_space<vmem>>) dst(%dma_wait3A_2148 : memref<524544xf32, #tpu.memory_space<vmem_shared>>)
    %dma_wait3A_2149 = arith.constant 7 : i32
    %dma_wait3A_2150 = arith.constant 896 : i32
    %dma_wait3A_2151 = tpu.memref_slice %arg7[%dma_wait3A_2150] : memref<1024xf32, #tpu.memory_space<vmem>> -> memref<128xf32, #tpu.memory_space<vmem>>
    %dma_wait3A_2152 = arith.constant 0 : i32
    %dma_wait3A_2153 = tpu.memref_slice %arg8[%dma_wait3A_2149, %dma_wait3A_2152] : memref<8x128xi32, #tpu.memory_space<vmem>> -> memref<1x128xi32, #tpu.memory_space<vmem>>
    %dma_wait3A_2154 = tpu.memref_squeeze %dma_wait3A_2153 : memref<1x128xi32, #tpu.memory_space<vmem>> -> memref<128xi32, #tpu.memory_space<vmem>>
    %dma_wait3A_2155 = arith.constant 0 : i32
    %dma_wait3A_2156 = tpu.memref_slice %arg10[%dma_wait3A_2155] : memref<524544xf32, #tpu.memory_space<vmem_shared>> -> memref<524544xf32, #tpu.memory_space<vmem_shared>>
    tpu.wait_indirect_dma semaphore(%arg12 : memref<!tpu.dma_semaphore, #tpu.memory_space<semaphore_mem>>) src(%dma_wait3A_2151 : memref<128xf32, #tpu.memory_space<vmem>>) dst(%dma_wait3A_2156 : memref<524544xf32, #tpu.memory_space<vmem_shared>>)
    %barrier3A_2157 = arith.constant 0 : index
    tpu.barrier barrier_id(%barrier3A_2157)
    %mul3A_2158 = arith.constant 32768 : i32
    %mul3A_2159 = arith.muli %arg1, %mul3A_2158 : i32
    %mul3A_2160 = arith.constant 524288 : i32
    %mul3A_2161 = arith.muli %arg0, %mul3A_2160 : i32
    %mul3A_2162 = arith.constant 32768 : i32
    %mul3A_2163 = arith.muli %arg1, %mul3A_2162 : i32
    %add3A_2164 = arith.addi %mul3A_2161, %mul3A_2163 : i32
    "tpu.region"() ({
      %run_scoped3A = tpu.sem_alloc : memref<!tpu.dma_semaphore, #tpu.memory_space<semaphore_mem>>
      %dma_start3A_2165 = tpu.memref_slice %arg4[%add3A_2164] : memref<1048576xf32, #tpu.memory_space<hbm>> -> memref<32768xf32, #tpu.memory_space<hbm>>
      %dma_start3A_2166 = tpu.memref_slice %arg10[%mul3A_2159] : memref<524544xf32, #tpu.memory_space<vmem_shared>> -> memref<32768xf32, #tpu.memory_space<vmem_shared>>
      tpu.enqueue_dma source(%dma_start3A_2166 : memref<32768xf32, #tpu.memory_space<vmem_shared>>) target(%dma_start3A_2165 : memref<32768xf32, #tpu.memory_space<hbm>>) target_semaphore(%run_scoped3A : memref<!tpu.dma_semaphore, #tpu.memory_space<semaphore_mem>>)
      %dma_wait3A_2167 = tpu.memref_slice %arg4[%add3A_2164] : memref<1048576xf32, #tpu.memory_space<hbm>> -> memref<32768xf32, #tpu.memory_space<hbm>>
      %dma_wait3A_2168 = tpu.memref_slice %arg10[%mul3A_2159] : memref<524544xf32, #tpu.memory_space<vmem_shared>> -> memref<32768xf32, #tpu.memory_space<vmem_shared>>
      tpu.wait_dma2 semaphore(%run_scoped3A : memref<!tpu.dma_semaphore, #tpu.memory_space<semaphore_mem>>) src(%dma_wait3A_2168 : memref<32768xf32, #tpu.memory_space<vmem_shared>>) dst(%dma_wait3A_2167 : memref<32768xf32, #tpu.memory_space<hbm>>)
      tpu.yield
    }) : () -> ()
    return
  }
}

module attributes {stable_mosaic.version = 14 : i64} {
  func.func @_tc_kernel(%arg0: memref<1xf32, #tpu.memory_space<smem>>, %arg1: memref<8192x128xf32, #tpu.memory_space<any>>, %arg2: memref<1024x128xf32, #tpu.memory_space<vmem>>, %arg3: memref<128x128xf32, #tpu.memory_space<vmem>>, %arg4: memref<2x128x128xf32, #tpu.memory_space<vmem>>, %arg5: memref<2x128x128xf32, #tpu.memory_space<vmem>>, %arg6: memref<1024x128xf32, #tpu.memory_space<vmem>>, %arg7: memref<1024x1024xf32, #tpu.memory_space<vmem>>, %arg8: memref<!tpu.dma_semaphore, #tpu.memory_space<semaphore_mem>>) attributes {dimension_semantics = [], scalar_prefetch = 0 : i64, scratch_operands = 2 : i64, tpu.core_type = #tpu.core_type<tc>} {
    %get3A = arith.constant 0 : index
    %get3A_0 = memref.load %arg0[%get3A] : memref<1xf32, #tpu.memory_space<smem>>
    %get3A_1 = arith.constant 0 : index
    %get3A_2 = arith.constant 0 : index
    %get3A_3 = vector.load %arg2[%get3A_1, %get3A_2] : memref<1024x128xf32, #tpu.memory_space<vmem>>, vector<1024x128xf32>
    %dma_start3A = tpu.memref_reshape %arg1 : memref<8192x128xf32, #tpu.memory_space<any>> -> memref<1024x1024xf32, #tpu.memory_space<any>>
    tpu.enqueue_dma source(%dma_start3A : memref<1024x1024xf32, #tpu.memory_space<any>>) target(%arg7 : memref<1024x1024xf32, #tpu.memory_space<vmem>>) target_semaphore(%arg8 : memref<!tpu.dma_semaphore, #tpu.memory_space<semaphore_mem>>)
    %get3A_4 = arith.constant 0 : index
    %get3A_5 = arith.constant 0 : index
    %get3A_6 = vector.load %arg3[%get3A_4, %get3A_5] : memref<128x128xf32, #tpu.memory_space<vmem>>, vector<128x128xf32>
    %get3A_7 = arith.constant 1 : index
    %get3A_8 = arith.constant 0 : index
    %get3A_9 = arith.constant 0 : index
    %get3A_10 = vector.load %arg4[%get3A_7, %get3A_8, %get3A_9] : memref<2x128x128xf32, #tpu.memory_space<vmem>>, vector<1x128x128xf32>
    %get3A_11 = vector.shape_cast %get3A_10 : vector<1x128x128xf32> to vector<128x128xf32>
    %get3A_12 = arith.constant 1 : index
    %get3A_13 = arith.constant 0 : index
    %get3A_14 = arith.constant 0 : index
    %get3A_15 = vector.load %arg5[%get3A_12, %get3A_13, %get3A_14] : memref<2x128x128xf32, #tpu.memory_space<vmem>>, vector<1x128x128xf32>
    %get3A_16 = vector.shape_cast %get3A_15 : vector<1x128x128xf32> to vector<128x128xf32>
    %get3A_17 = arith.constant 0 : index
    %get3A_18 = arith.constant 0 : index
    %get3A_19 = arith.constant 0 : index
    %get3A_20 = vector.load %arg4[%get3A_17, %get3A_18, %get3A_19] : memref<2x128x128xf32, #tpu.memory_space<vmem>>, vector<1x128x128xf32>
    %get3A_21 = vector.shape_cast %get3A_20 : vector<1x128x128xf32> to vector<128x128xf32>
    %get3A_22 = arith.constant 0 : index
    %get3A_23 = arith.constant 0 : index
    %get3A_24 = arith.constant 0 : index
    %get3A_25 = vector.load %arg5[%get3A_22, %get3A_23, %get3A_24] : memref<2x128x128xf32, #tpu.memory_space<vmem>>, vector<1x128x128xf32>
    %get3A_26 = vector.shape_cast %get3A_25 : vector<1x128x128xf32> to vector<128x128xf32>
    %concatenate3A = tpu.concatenate %get3A_6, %get3A_11, %get3A_16, %get3A_21, %get3A_26 in 1 : vector<128x128xf32>, vector<128x128xf32>, vector<128x128xf32>, vector<128x128xf32>, vector<128x128xf32> -> vector<128x640xf32>
    %dot_general3A = arith.constant dense<0.000000e+00> : vector<1024x640xf32>
    %dot_general3A_27 = tpu.matmul %get3A_3, %concatenate3A, %dot_general3A {dimension_numbers = #tpu.dot_dimension_numbers<[1], [0], [0], [1], [0, 0, 1, 1], [], []>, transpose_lhs_hint = false} : vector<1024x128xf32>, vector<128x640xf32>, vector<1024x640xf32> -> vector<1024x640xf32>
    %dma_wait3A = tpu.memref_reshape %arg1 : memref<8192x128xf32, #tpu.memory_space<any>> -> memref<1024x1024xf32, #tpu.memory_space<any>>
    tpu.wait_dma2 semaphore(%arg8 : memref<!tpu.dma_semaphore, #tpu.memory_space<semaphore_mem>>) src(%dma_wait3A : memref<1024x1024xf32, #tpu.memory_space<any>>) dst(%arg7 : memref<1024x1024xf32, #tpu.memory_space<vmem>>)
    %get3A_28 = arith.constant 0 : index
    %get3A_29 = arith.constant 0 : index
    %get3A_30 = vector.load %arg7[%get3A_28, %get3A_29] : memref<1024x1024xf32, #tpu.memory_space<vmem>>, vector<1024x1024xf32>
    %reduce_sum3A = arith.constant dense<0.000000e+00> : vector<1024xf32>
    %reduce_sum3A_31 = vector.multi_reduction <add>, %get3A_30, %reduce_sum3A [1] : vector<1024x1024xf32> to vector<1024xf32>
    %sub3A = arith.constant 1.000000e+00 : f32
    %sub3A_32 = vector.broadcast %sub3A : f32 to vector<1024xf32>
    %sub3A_33 = arith.subf %sub3A_32, %reduce_sum3A_31 : vector<1024xf32>
    %mul3A = vector.broadcast %get3A_0 : f32 to vector<1024xf32>
    %mul3A_34 = arith.mulf %mul3A, %sub3A_33 : vector<1024xf32>
    %mul3A_35 = arith.mulf %mul3A_34, %mul3A_34 : vector<1024xf32>
    %add3A = arith.constant 1.000000e+00 : f32
    %add3A_36 = vector.broadcast %add3A : f32 to vector<1024xf32>
    %add3A_37 = arith.addf %mul3A_35, %add3A_36 : vector<1024xf32>
    %div3A = arith.divf %mul3A_34, %add3A_37 : vector<1024xf32>
    %broadcast_in_dim3A = vector.shape_cast %div3A : vector<1024xf32> to vector<1024x1xf32>
    %div3A_38 = arith.constant -1.000000e+00 : f32
    %div3A_39 = vector.broadcast %div3A_38 : f32 to vector<1024xf32>
    %div3A_40 = arith.divf %div3A_39, %add3A_37 : vector<1024xf32>
    %broadcast_in_dim3A_41 = vector.shape_cast %div3A_40 : vector<1024xf32> to vector<1024x1xf32>
    %slice3A = vector.extract_strided_slice %dot_general3A_27 {offsets = [0, 0], sizes = [1024, 128], strides = [1, 1]} : vector<1024x640xf32> to vector<1024x128xf32>
    %slice3A_42 = vector.extract_strided_slice %dot_general3A_27 {offsets = [0, 128], sizes = [1024, 256], strides = [1, 1]} : vector<1024x640xf32> to vector<1024x256xf32>
    %dot_general3A_43 = arith.constant dense<0.000000e+00> : vector<1024x256xf32>
    %dot_general3A_44 = tpu.matmul %get3A_30, %slice3A_42, %dot_general3A_43 {dimension_numbers = #tpu.dot_dimension_numbers<[1], [0], [0], [1], [0, 0, 1, 1], [], []>, transpose_lhs_hint = false} : vector<1024x1024xf32>, vector<1024x256xf32>, vector<1024x256xf32> -> vector<1024x256xf32>
    %sub3A_45 = arith.subf %slice3A_42, %dot_general3A_44 : vector<1024x256xf32>
    %mul3A_46 = vector.broadcast %get3A_0 : f32 to vector<1024x256xf32>
    %mul3A_47 = arith.mulf %mul3A_46, %sub3A_45 : vector<1024x256xf32>
    %slice3A_48 = vector.extract_strided_slice %slice3A_42 {offsets = [0, 0], sizes = [1024, 128], strides = [1, 1]} : vector<1024x256xf32> to vector<1024x128xf32>
    %slice3A_49 = vector.extract_strided_slice %slice3A_42 {offsets = [0, 128], sizes = [1024, 128], strides = [1, 1]} : vector<1024x256xf32> to vector<1024x128xf32>
    %slice3A_50 = vector.extract_strided_slice %mul3A_47 {offsets = [0, 0], sizes = [1024, 128], strides = [1, 1]} : vector<1024x256xf32> to vector<1024x128xf32>
    %add3A_51 = arith.addf %slice3A_50, %slice3A_49 : vector<1024x128xf32>
    %slice3A_52 = vector.extract_strided_slice %mul3A_47 {offsets = [0, 128], sizes = [1024, 128], strides = [1, 1]} : vector<1024x256xf32> to vector<1024x128xf32>
    %sub3A_53 = arith.subf %slice3A_52, %slice3A_48 : vector<1024x128xf32>
    %concatenate3A_54 = tpu.concatenate %add3A_51, %sub3A_53 in 1 : vector<1024x128xf32>, vector<1024x128xf32> -> vector<1024x256xf32>
    %dot_general3A_55 = arith.constant dense<0.000000e+00> : vector<1024x256xf32>
    %dot_general3A_56 = tpu.matmul %get3A_30, %concatenate3A_54, %dot_general3A_55 {dimension_numbers = #tpu.dot_dimension_numbers<[1], [0], [0], [1], [0, 0, 1, 1], [], []>, transpose_lhs_hint = false} : vector<1024x1024xf32>, vector<1024x256xf32>, vector<1024x256xf32> -> vector<1024x256xf32>
    %sub3A_57 = arith.subf %concatenate3A_54, %dot_general3A_56 : vector<1024x256xf32>
    %mul3A_58 = vector.broadcast %get3A_0 : f32 to vector<1024x256xf32>
    %mul3A_59 = arith.mulf %mul3A_58, %sub3A_57 : vector<1024x256xf32>
    %slice3A_60 = vector.extract_strided_slice %mul3A_59 {offsets = [0, 0], sizes = [1024, 128], strides = [1, 1]} : vector<1024x256xf32> to vector<1024x128xf32>
    %sub3A_61 = arith.subf %slice3A_60, %sub3A_53 : vector<1024x128xf32>
    %sub3A_62 = arith.subf %add3A_51, %sub3A_61 : vector<1024x128xf32>
    %slice3A_63 = vector.extract_strided_slice %mul3A_59 {offsets = [0, 128], sizes = [1024, 128], strides = [1, 1]} : vector<1024x256xf32> to vector<1024x128xf32>
    %add3A_64 = arith.addf %slice3A_63, %add3A_51 : vector<1024x128xf32>
    %sub3A_65 = arith.subf %sub3A_53, %add3A_64 : vector<1024x128xf32>
    %mul3A_66 = vector.broadcast %broadcast_in_dim3A : vector<1024x1xf32> to vector<1024x128xf32>
    %mul3A_67 = arith.mulf %mul3A_66, %sub3A_62 : vector<1024x128xf32>
    %add3A_68 = arith.addf %add3A_51, %mul3A_67 : vector<1024x128xf32>
    %mul3A_69 = vector.broadcast %broadcast_in_dim3A_41 : vector<1024x1xf32> to vector<1024x128xf32>
    %mul3A_70 = arith.mulf %mul3A_69, %sub3A_65 : vector<1024x128xf32>
    %sub3A_71 = arith.subf %add3A_68, %mul3A_70 : vector<1024x128xf32>
    %mul3A_72 = vector.broadcast %broadcast_in_dim3A : vector<1024x1xf32> to vector<1024x128xf32>
    %mul3A_73 = arith.mulf %mul3A_72, %sub3A_65 : vector<1024x128xf32>
    %add3A_74 = arith.addf %sub3A_53, %mul3A_73 : vector<1024x128xf32>
    %mul3A_75 = vector.broadcast %broadcast_in_dim3A_41 : vector<1024x1xf32> to vector<1024x128xf32>
    %mul3A_76 = arith.mulf %mul3A_75, %sub3A_62 : vector<1024x128xf32>
    %add3A_77 = arith.addf %add3A_74, %mul3A_76 : vector<1024x128xf32>
    %concatenate3A_78 = tpu.concatenate %sub3A_71, %add3A_77 in 1 : vector<1024x128xf32>, vector<1024x128xf32> -> vector<1024x256xf32>
    %dot_general3A_79 = arith.constant dense<0.000000e+00> : vector<1024x256xf32>
    %dot_general3A_80 = tpu.matmul %get3A_30, %concatenate3A_78, %dot_general3A_79 {dimension_numbers = #tpu.dot_dimension_numbers<[1], [0], [0], [1], [0, 0, 1, 1], [], []>, transpose_lhs_hint = false} : vector<1024x1024xf32>, vector<1024x256xf32>, vector<1024x256xf32> -> vector<1024x256xf32>
    %sub3A_81 = arith.subf %concatenate3A_78, %dot_general3A_80 : vector<1024x256xf32>
    %mul3A_82 = vector.broadcast %get3A_0 : f32 to vector<1024x256xf32>
    %mul3A_83 = arith.mulf %mul3A_82, %sub3A_81 : vector<1024x256xf32>
    %slice3A_84 = vector.extract_strided_slice %mul3A_83 {offsets = [0, 0], sizes = [1024, 128], strides = [1, 1]} : vector<1024x256xf32> to vector<1024x128xf32>
    %sub3A_85 = arith.subf %slice3A_84, %add3A_77 : vector<1024x128xf32>
    %sub3A_86 = arith.subf %add3A_51, %sub3A_85 : vector<1024x128xf32>
    %slice3A_87 = vector.extract_strided_slice %mul3A_83 {offsets = [0, 128], sizes = [1024, 128], strides = [1, 1]} : vector<1024x256xf32> to vector<1024x128xf32>
    %add3A_88 = arith.addf %slice3A_87, %sub3A_71 : vector<1024x128xf32>
    %sub3A_89 = arith.subf %sub3A_53, %add3A_88 : vector<1024x128xf32>
    %mul3A_90 = vector.broadcast %broadcast_in_dim3A : vector<1024x1xf32> to vector<1024x128xf32>
    %mul3A_91 = arith.mulf %mul3A_90, %sub3A_86 : vector<1024x128xf32>
    %add3A_92 = arith.addf %sub3A_71, %mul3A_91 : vector<1024x128xf32>
    %mul3A_93 = vector.broadcast %broadcast_in_dim3A_41 : vector<1024x1xf32> to vector<1024x128xf32>
    %mul3A_94 = arith.mulf %mul3A_93, %sub3A_89 : vector<1024x128xf32>
    %sub3A_95 = arith.subf %add3A_92, %mul3A_94 : vector<1024x128xf32>
    %mul3A_96 = vector.broadcast %broadcast_in_dim3A : vector<1024x1xf32> to vector<1024x128xf32>
    %mul3A_97 = arith.mulf %mul3A_96, %sub3A_89 : vector<1024x128xf32>
    %add3A_98 = arith.addf %add3A_77, %mul3A_97 : vector<1024x128xf32>
    %mul3A_99 = vector.broadcast %broadcast_in_dim3A_41 : vector<1024x1xf32> to vector<1024x128xf32>
    %mul3A_100 = arith.mulf %mul3A_99, %sub3A_86 : vector<1024x128xf32>
    %add3A_101 = arith.addf %add3A_98, %mul3A_100 : vector<1024x128xf32>
    %concatenate3A_102 = tpu.concatenate %sub3A_95, %add3A_101 in 1 : vector<1024x128xf32>, vector<1024x128xf32> -> vector<1024x256xf32>
    %dot_general3A_103 = arith.constant dense<0.000000e+00> : vector<1024x256xf32>
    %dot_general3A_104 = tpu.matmul %get3A_30, %concatenate3A_102, %dot_general3A_103 {dimension_numbers = #tpu.dot_dimension_numbers<[1], [0], [0], [1], [0, 0, 1, 1], [], []>, transpose_lhs_hint = false} : vector<1024x1024xf32>, vector<1024x256xf32>, vector<1024x256xf32> -> vector<1024x256xf32>
    %sub3A_105 = arith.subf %concatenate3A_102, %dot_general3A_104 : vector<1024x256xf32>
    %mul3A_106 = vector.broadcast %get3A_0 : f32 to vector<1024x256xf32>
    %mul3A_107 = arith.mulf %mul3A_106, %sub3A_105 : vector<1024x256xf32>
    %slice3A_108 = vector.extract_strided_slice %mul3A_107 {offsets = [0, 0], sizes = [1024, 128], strides = [1, 1]} : vector<1024x256xf32> to vector<1024x128xf32>
    %sub3A_109 = arith.subf %slice3A_108, %add3A_101 : vector<1024x128xf32>
    %sub3A_110 = arith.subf %add3A_51, %sub3A_109 : vector<1024x128xf32>
    %slice3A_111 = vector.extract_strided_slice %mul3A_107 {offsets = [0, 128], sizes = [1024, 128], strides = [1, 1]} : vector<1024x256xf32> to vector<1024x128xf32>
    %add3A_112 = arith.addf %slice3A_111, %sub3A_95 : vector<1024x128xf32>
    %sub3A_113 = arith.subf %sub3A_53, %add3A_112 : vector<1024x128xf32>
    %mul3A_114 = vector.broadcast %broadcast_in_dim3A : vector<1024x1xf32> to vector<1024x128xf32>
    %mul3A_115 = arith.mulf %mul3A_114, %sub3A_110 : vector<1024x128xf32>
    %add3A_116 = arith.addf %sub3A_95, %mul3A_115 : vector<1024x128xf32>
    %mul3A_117 = vector.broadcast %broadcast_in_dim3A_41 : vector<1024x1xf32> to vector<1024x128xf32>
    %mul3A_118 = arith.mulf %mul3A_117, %sub3A_113 : vector<1024x128xf32>
    %sub3A_119 = arith.subf %add3A_116, %mul3A_118 : vector<1024x128xf32>
    %mul3A_120 = vector.broadcast %broadcast_in_dim3A : vector<1024x1xf32> to vector<1024x128xf32>
    %mul3A_121 = arith.mulf %mul3A_120, %sub3A_113 : vector<1024x128xf32>
    %add3A_122 = arith.addf %add3A_101, %mul3A_121 : vector<1024x128xf32>
    %mul3A_123 = vector.broadcast %broadcast_in_dim3A_41 : vector<1024x1xf32> to vector<1024x128xf32>
    %mul3A_124 = arith.mulf %mul3A_123, %sub3A_110 : vector<1024x128xf32>
    %add3A_125 = arith.addf %add3A_122, %mul3A_124 : vector<1024x128xf32>
    %slice3A_126 = vector.extract_strided_slice %dot_general3A_27 {offsets = [0, 384], sizes = [1024, 128], strides = [1, 1]} : vector<1024x640xf32> to vector<1024x128xf32>
    %add3A_127 = arith.addf %slice3A_126, %sub3A_119 : vector<1024x128xf32>
    %slice3A_128 = vector.extract_strided_slice %dot_general3A_27 {offsets = [0, 512], sizes = [1024, 128], strides = [1, 1]} : vector<1024x640xf32> to vector<1024x128xf32>
    %add3A_129 = arith.addf %slice3A_128, %add3A_125 : vector<1024x128xf32>
    %concatenate3A_130 = tpu.concatenate %add3A_127, %add3A_129 in 1 : vector<1024x128xf32>, vector<1024x128xf32> -> vector<1024x256xf32>
    %dot_general3A_131 = arith.constant dense<0.000000e+00> : vector<1024x256xf32>
    %dot_general3A_132 = tpu.matmul %get3A_30, %concatenate3A_130, %dot_general3A_131 {dimension_numbers = #tpu.dot_dimension_numbers<[1], [0], [0], [1], [0, 0, 1, 1], [], []>, transpose_lhs_hint = false} : vector<1024x1024xf32>, vector<1024x256xf32>, vector<1024x256xf32> -> vector<1024x256xf32>
    %sub3A_133 = arith.subf %concatenate3A_130, %dot_general3A_132 : vector<1024x256xf32>
    %mul3A_134 = vector.broadcast %get3A_0 : f32 to vector<1024x256xf32>
    %mul3A_135 = arith.mulf %mul3A_134, %sub3A_133 : vector<1024x256xf32>
    %slice3A_136 = vector.extract_strided_slice %concatenate3A_130 {offsets = [0, 0], sizes = [1024, 128], strides = [1, 1]} : vector<1024x256xf32> to vector<1024x128xf32>
    %slice3A_137 = vector.extract_strided_slice %concatenate3A_130 {offsets = [0, 128], sizes = [1024, 128], strides = [1, 1]} : vector<1024x256xf32> to vector<1024x128xf32>
    %slice3A_138 = vector.extract_strided_slice %mul3A_135 {offsets = [0, 0], sizes = [1024, 128], strides = [1, 1]} : vector<1024x256xf32> to vector<1024x128xf32>
    %add3A_139 = arith.addf %slice3A_138, %slice3A_137 : vector<1024x128xf32>
    %slice3A_140 = vector.extract_strided_slice %mul3A_135 {offsets = [0, 128], sizes = [1024, 128], strides = [1, 1]} : vector<1024x256xf32> to vector<1024x128xf32>
    %sub3A_141 = arith.subf %slice3A_140, %slice3A_136 : vector<1024x128xf32>
    %concatenate3A_142 = tpu.concatenate %add3A_139, %sub3A_141 in 1 : vector<1024x128xf32>, vector<1024x128xf32> -> vector<1024x256xf32>
    %dot_general3A_143 = arith.constant dense<0.000000e+00> : vector<1024x256xf32>
    %dot_general3A_144 = tpu.matmul %get3A_30, %concatenate3A_142, %dot_general3A_143 {dimension_numbers = #tpu.dot_dimension_numbers<[1], [0], [0], [1], [0, 0, 1, 1], [], []>, transpose_lhs_hint = false} : vector<1024x1024xf32>, vector<1024x256xf32>, vector<1024x256xf32> -> vector<1024x256xf32>
    %sub3A_145 = arith.subf %concatenate3A_142, %dot_general3A_144 : vector<1024x256xf32>
    %mul3A_146 = vector.broadcast %get3A_0 : f32 to vector<1024x256xf32>
    %mul3A_147 = arith.mulf %mul3A_146, %sub3A_145 : vector<1024x256xf32>
    %slice3A_148 = vector.extract_strided_slice %mul3A_147 {offsets = [0, 0], sizes = [1024, 128], strides = [1, 1]} : vector<1024x256xf32> to vector<1024x128xf32>
    %sub3A_149 = arith.subf %slice3A_148, %sub3A_141 : vector<1024x128xf32>
    %sub3A_150 = arith.subf %add3A_139, %sub3A_149 : vector<1024x128xf32>
    %slice3A_151 = vector.extract_strided_slice %mul3A_147 {offsets = [0, 128], sizes = [1024, 128], strides = [1, 1]} : vector<1024x256xf32> to vector<1024x128xf32>
    %add3A_152 = arith.addf %slice3A_151, %add3A_139 : vector<1024x128xf32>
    %sub3A_153 = arith.subf %sub3A_141, %add3A_152 : vector<1024x128xf32>
    %mul3A_154 = vector.broadcast %broadcast_in_dim3A : vector<1024x1xf32> to vector<1024x128xf32>
    %mul3A_155 = arith.mulf %mul3A_154, %sub3A_150 : vector<1024x128xf32>
    %add3A_156 = arith.addf %add3A_139, %mul3A_155 : vector<1024x128xf32>
    %mul3A_157 = vector.broadcast %broadcast_in_dim3A_41 : vector<1024x1xf32> to vector<1024x128xf32>
    %mul3A_158 = arith.mulf %mul3A_157, %sub3A_153 : vector<1024x128xf32>
    %sub3A_159 = arith.subf %add3A_156, %mul3A_158 : vector<1024x128xf32>
    %mul3A_160 = vector.broadcast %broadcast_in_dim3A : vector<1024x1xf32> to vector<1024x128xf32>
    %mul3A_161 = arith.mulf %mul3A_160, %sub3A_153 : vector<1024x128xf32>
    %add3A_162 = arith.addf %sub3A_141, %mul3A_161 : vector<1024x128xf32>
    %mul3A_163 = vector.broadcast %broadcast_in_dim3A_41 : vector<1024x1xf32> to vector<1024x128xf32>
    %mul3A_164 = arith.mulf %mul3A_163, %sub3A_150 : vector<1024x128xf32>
    %add3A_165 = arith.addf %add3A_162, %mul3A_164 : vector<1024x128xf32>
    %concatenate3A_166 = tpu.concatenate %sub3A_159, %add3A_165 in 1 : vector<1024x128xf32>, vector<1024x128xf32> -> vector<1024x256xf32>
    %dot_general3A_167 = arith.constant dense<0.000000e+00> : vector<1024x256xf32>
    %dot_general3A_168 = tpu.matmul %get3A_30, %concatenate3A_166, %dot_general3A_167 {dimension_numbers = #tpu.dot_dimension_numbers<[1], [0], [0], [1], [0, 0, 1, 1], [], []>, transpose_lhs_hint = false} : vector<1024x1024xf32>, vector<1024x256xf32>, vector<1024x256xf32> -> vector<1024x256xf32>
    %sub3A_169 = arith.subf %concatenate3A_166, %dot_general3A_168 : vector<1024x256xf32>
    %mul3A_170 = vector.broadcast %get3A_0 : f32 to vector<1024x256xf32>
    %mul3A_171 = arith.mulf %mul3A_170, %sub3A_169 : vector<1024x256xf32>
    %slice3A_172 = vector.extract_strided_slice %mul3A_171 {offsets = [0, 0], sizes = [1024, 128], strides = [1, 1]} : vector<1024x256xf32> to vector<1024x128xf32>
    %sub3A_173 = arith.subf %slice3A_172, %add3A_165 : vector<1024x128xf32>
    %sub3A_174 = arith.subf %add3A_139, %sub3A_173 : vector<1024x128xf32>
    %slice3A_175 = vector.extract_strided_slice %mul3A_171 {offsets = [0, 128], sizes = [1024, 128], strides = [1, 1]} : vector<1024x256xf32> to vector<1024x128xf32>
    %add3A_176 = arith.addf %slice3A_175, %sub3A_159 : vector<1024x128xf32>
    %sub3A_177 = arith.subf %sub3A_141, %add3A_176 : vector<1024x128xf32>
    %mul3A_178 = vector.broadcast %broadcast_in_dim3A : vector<1024x1xf32> to vector<1024x128xf32>
    %mul3A_179 = arith.mulf %mul3A_178, %sub3A_174 : vector<1024x128xf32>
    %add3A_180 = arith.addf %sub3A_159, %mul3A_179 : vector<1024x128xf32>
    %mul3A_181 = vector.broadcast %broadcast_in_dim3A_41 : vector<1024x1xf32> to vector<1024x128xf32>
    %mul3A_182 = arith.mulf %mul3A_181, %sub3A_177 : vector<1024x128xf32>
    %sub3A_183 = arith.subf %add3A_180, %mul3A_182 : vector<1024x128xf32>
    %mul3A_184 = vector.broadcast %broadcast_in_dim3A : vector<1024x1xf32> to vector<1024x128xf32>
    %mul3A_185 = arith.mulf %mul3A_184, %sub3A_177 : vector<1024x128xf32>
    %add3A_186 = arith.addf %add3A_165, %mul3A_185 : vector<1024x128xf32>
    %mul3A_187 = vector.broadcast %broadcast_in_dim3A_41 : vector<1024x1xf32> to vector<1024x128xf32>
    %mul3A_188 = arith.mulf %mul3A_187, %sub3A_174 : vector<1024x128xf32>
    %add3A_189 = arith.addf %add3A_186, %mul3A_188 : vector<1024x128xf32>
    %concatenate3A_190 = tpu.concatenate %sub3A_183, %add3A_189 in 1 : vector<1024x128xf32>, vector<1024x128xf32> -> vector<1024x256xf32>
    %dot_general3A_191 = arith.constant dense<0.000000e+00> : vector<1024x256xf32>
    %dot_general3A_192 = tpu.matmul %get3A_30, %concatenate3A_190, %dot_general3A_191 {dimension_numbers = #tpu.dot_dimension_numbers<[1], [0], [0], [1], [0, 0, 1, 1], [], []>, transpose_lhs_hint = false} : vector<1024x1024xf32>, vector<1024x256xf32>, vector<1024x256xf32> -> vector<1024x256xf32>
    %sub3A_193 = arith.subf %concatenate3A_190, %dot_general3A_192 : vector<1024x256xf32>
    %mul3A_194 = vector.broadcast %get3A_0 : f32 to vector<1024x256xf32>
    %mul3A_195 = arith.mulf %mul3A_194, %sub3A_193 : vector<1024x256xf32>
    %slice3A_196 = vector.extract_strided_slice %mul3A_195 {offsets = [0, 0], sizes = [1024, 128], strides = [1, 1]} : vector<1024x256xf32> to vector<1024x128xf32>
    %sub3A_197 = arith.subf %slice3A_196, %add3A_189 : vector<1024x128xf32>
    %sub3A_198 = arith.subf %add3A_139, %sub3A_197 : vector<1024x128xf32>
    %slice3A_199 = vector.extract_strided_slice %mul3A_195 {offsets = [0, 128], sizes = [1024, 128], strides = [1, 1]} : vector<1024x256xf32> to vector<1024x128xf32>
    %add3A_200 = arith.addf %slice3A_199, %sub3A_183 : vector<1024x128xf32>
    %sub3A_201 = arith.subf %sub3A_141, %add3A_200 : vector<1024x128xf32>
    %mul3A_202 = vector.broadcast %broadcast_in_dim3A : vector<1024x1xf32> to vector<1024x128xf32>
    %mul3A_203 = arith.mulf %mul3A_202, %sub3A_198 : vector<1024x128xf32>
    %add3A_204 = arith.addf %sub3A_183, %mul3A_203 : vector<1024x128xf32>
    %mul3A_205 = vector.broadcast %broadcast_in_dim3A_41 : vector<1024x1xf32> to vector<1024x128xf32>
    %mul3A_206 = arith.mulf %mul3A_205, %sub3A_201 : vector<1024x128xf32>
    %sub3A_207 = arith.subf %add3A_204, %mul3A_206 : vector<1024x128xf32>
    %mul3A_208 = arith.constant 2.000000e+00 : f32
    %mul3A_209 = vector.broadcast %mul3A_208 : f32 to vector<1024x128xf32>
    %mul3A_210 = arith.mulf %mul3A_209, %sub3A_207 : vector<1024x128xf32>
    %add3A_211 = arith.addf %slice3A, %mul3A_210 : vector<1024x128xf32>
    %max3A = arith.constant 0.000000e+00 : f32
    %max3A_212 = vector.broadcast %max3A : f32 to vector<1024x128xf32>
    %max3A_213 = arith.maximumf %add3A_211, %max3A_212 : vector<1024x128xf32>
    %swap3A = arith.constant 0 : index
    %swap3A_214 = arith.constant 0 : index
    %swap3A_215 = vector.load %arg6[%swap3A, %swap3A_214] : memref<1024x128xf32, #tpu.memory_space<vmem>>, vector<1024x128xf32>
    tpu.vector_store %arg6[%swap3A, %swap3A_214], %max3A_213 {strides = array<i32>} : memref<1024x128xf32, #tpu.memory_space<vmem>>, vector<1024x128xf32>,
    return
  }
}

</mosaic_0001>

<sc_bundles>
// kernel: kernel.4.cloned.1.call-start
scs
__scs_entry_jumppad:
0x0: {  	(pc) =	sbr.rel $0x88, $3  }
0x1: {  	(tag) =	ssettag $0x0;
	lr =	simm.s32 $0x1  }
0x2: {  	[smem:$0x3F9A] =	sst lr;
	_ =	strace $0xD0000000  }
0x3: {  	_ = 	snop  }
0x4: {  	_ = 	snop  }
0x5: {  	_ = 	snop  }
0x6: {  	_ = 	snop  }
0x7: {  	_ = 	snop  }
__scs_overlays_trampoline_lowered:
0x8: {  	[smem:$0x3FA9] =	sst s0  }
0x9: {  	[smem:$0x3FAA] =	sst s1  }
0xa: {  	[smem:$0x3FAB] =	sst s2  }
0xb: {  	[smem:$0x3FAC] =	sst s3  }
0xc: {  	[smem:$0x3FAD] =	sst s4  }
0xd: {  	[smem:$0x3FAE] =	sst s5  }
0xe: {  	[smem:$0x3FAF] =	sst s6  }
0xf: {  	[smem:$0x3FB0] =	sst s7  }
0x10: {  	[smem:$0x3FB1] =	sst s8  }
0x11: {  	[smem:$0x3FB2] =	sst s9;
	s0 =	simm.s32 @!p0 $0x0  }
0x12: {  	s1 =	sld [smem:$0x3F98];
	s0 =	simm.s32 @p0 $0x1  }
0x13: {  	[smem:$0x3FB3] =	sst s0;
	s0 =	simm.s32 @!p1 $0x0  }
0x14: {  	s2 =	sld [smem:$0x3F97];
	s0 =	simm.s32 @p1 $0x1  }
0x15: {  	[smem:$0x3FB4] =	sst s0;
	s0 =	simm.s32 @!p2 $0x0  }
0x16: {  	s3 =	sld [smem:$0x3FDB];
	s0 =	simm.s32 @p2 $0x1  }
0x17: {  	s4 =	simm.s32 $0x1BF5;
	[smem:$0x3FB6] =	sst s0  }
0x18: {  	s0 =	sld [smem:$0x3F99];
	_ =	swait.ge [sflag:s4], $0x0  }
0x19: {  	s7 =	sld [smem:$0x3F9A]  }
0x1a: {  	s8 =	sadd.s32 $0xFFFFE003, lr  }
0x1b: {  	s9 =	sadd.s32 $0xFFFFFEF7, lr;
	s5 =	simm.s32 $0xFFFFFFFF;
	p2 =	slt.u32 s8, $0xFFFFF086  }
0x1c: {  	p1 =	slt.u32 s9, $0xF7A;
	s5 =	simm.s32 @!p2 $0x0  }
0x1d: {  	s5 =	simm.s32 @p1 $0x1;
	p0 =	seq.s32 s7, s2  }
0x1e: {  	s7 =	smul.u32 @!p0 $0xF7A, s2;
	p2 =	seq.s32 @!p0 s5, $0x0  }
0x1f: {  	s9 =	smul.u32 $0xF7A, s1;
	s8 =	simm.s32 @!p0 $0x1BF5;
	p2 =	por !p2, p0  }
0x20: {  	[sflag:s8] =	ssyncset.s32 @!p0 $0xFFFFF086;
	s6 =	sadd.s32 @!p0 s3, s7;
	s7 =	simm.s32 @!p0 $0x108  }
0x21: {  	s3 =	sadd.s32 s3, s9;
	s6 =	sadd.s32 @!p0 $0x88, s6;
	s7 =	simm.s32 @p2 $0x1082  }
0x22: {  	[simem:s7], [sflag:s8] =	dma.local @!p0 [hbm:s6], $0xF7A  }
0x23: {  	s9 =	sor.u32 $0xD0000000, s2;
	s6 =	simm.s32 $0x108;
	_ =	swait.ge @!p0 [sflag:s8], $0x0  }
0x24: {  	s3 =	sadd.s32 $0x88, s3;
	s6 =	simm.s32 @!p1 $0x1082;
	[sflag:s4] =	ssyncset.s32 $0xFFFFF086  }
0x25: {  	[simem:s6], [sflag:s4] =	dma.local [hbm:s3], $0xF7A  }
0x26: {  	[smem:$0x3F9A] =	sst s1;
	(tag) =	ssettag s2;
	_ =	strace s9  }
0x27: {  	s1 =	sld [smem:$0x3FAA]  }
0x28: {  	s2 =	sld [smem:$0x3FAB]  }
0x29: {  	s4 =	sld [smem:$0x3FAD]  }
0x2a: {  	p0 =	seq.s32 s5, $0x0;
	s5 =	sld [smem:$0x3FAE]  }
0x2b: {  	s6 =	sld [smem:$0x3FAF]  }
0x2c: {  	s7 =	sld [smem:$0x3FB0]  }
0x2d: {  	s3 =	simm.s32 $0x108;
	s8 =	sld [smem:$0x3FB1]  }
0x2e: {  	s3 =	simm.s32 @!p0 $0x1082;
	s9 =	sld [smem:$0x3FB2]  }
0x2f: {  	lr =	sadd.s32 s0, s3;
	s0 =	sld [smem:$0x3FA9]  }
0x30: {  	s3 =	sld [smem:$0x3FAC]  }
0x31: {  	[smem:$0x3FB5] =	sst s10  }
0x32: {  	s10 =	sld [smem:$0x3FB3];
	_ =	sdelay $0x3  }
0x33: {  	p0 =	seq.s32 s10, $0x1;
	s10 =	sld [smem:$0x3FB5];
	_ =	sdelay $0x3  }
0x34: {  	[smem:$0x3FB5] =	sst s10  }
0x35: {  	s10 =	sld [smem:$0x3FB4];
	_ =	sdelay $0x3  }
0x36: {  	p1 =	seq.s32 s10, $0x1;
	s10 =	sld [smem:$0x3FB5];
	_ =	sdelay $0x3  }
0x37: {  	[smem:$0x3FB5] =	sst s10  }
0x38: {  	s10 =	sld [smem:$0x3FB6]  }
0x39: {  	_ = 	snop;
	(pc) =	sbr.ind lr, $3  }
0x3a: {  	_ = 	snop  }
0x3b: {  	_ = 	snop  }
0x3c: {  	p2 =	seq.s32 s10, $0x1;
	s10 =	sld [smem:$0x3FB5]  }
0x3d: {  	_ =	shalt  }
0x3e: {  	_ =	shalt  }
0x3f: {  	_ =	shalt  }
0x40: {  	_ =	shalt  }
0x41: {  	_ =	shalt  }
0x42: {  	_ =	shalt  }
0x43: {  	_ =	shalt  }
0x44: {  	_ =	shalt  }
0x45: {  	_ =	shalt  }
0x46: {  	_ =	shalt  }
0x47: {  	_ =	shalt  }
0x48: {  	_ =	shalt  }
0x49: {  	_ =	shalt  }
0x4a: {  	_ =	shalt  }
0x4b: {  	_ =	shalt  }
0x4c: {  	_ =	shalt  }
0x4d: {  	_ =	shalt  }
0x4e: {  	_ =	shalt  }
0x4f: {  	_ =	shalt  }
0x50: {  	_ =	shalt  }
0x51: {  	_ =	shalt  }
0x52: {  	_ =	shalt  }
0x53: {  	_ =	shalt  }
0x54: {  	_ =	shalt  }
0x55: {  	_ =	shalt  }
0x56: {  	_ =	shalt  }
0x57: {  	_ =	shalt  }
0x58: {  	_ =	shalt  }
0x59: {  	_ =	shalt  }
0x5a: {  	_ =	shalt  }
0x5b: {  	_ =	shalt  }
0x5c: {  	_ =	shalt  }
0x5d: {  	_ =	shalt  }
0x5e: {  	_ =	shalt  }
0x5f: {  	_ =	shalt  }
0x60: {  	_ =	shalt  }
0x61: {  	_ =	shalt  }
0x62: {  	_ =	shalt  }
0x63: {  	_ =	shalt  }
0x64: {  	_ =	shalt  }
0x65: {  	_ =	shalt  }
0x66: {  	_ =	shalt  }
0x67: {  	_ =	shalt  }
0x68: {  	_ =	shalt  }
0x69: {  	_ =	shalt  }
0x6a: {  	_ =	shalt  }
0x6b: {  	_ =	shalt  }
0x6c: {  	_ =	shalt  }
0x6d: {  	_ =	shalt  }
0x6e: {  	_ =	shalt  }
0x6f: {  	_ =	shalt  }
0x70: {  	_ =	shalt  }
0x71: {  	_ =	shalt  }
0x72: {  	_ =	shalt  }
0x73: {  	_ =	shalt  }
0x74: {  	_ =	shalt  }
0x75: {  	_ =	shalt  }
0x76: {  	_ =	shalt  }
0x77: {  	_ =	shalt  }
0x78: {  	_ =	shalt  }
0x79: {  	_ =	shalt  }
0x7a: {  	_ =	shalt  }
0x7b: {  	_ =	shalt  }
0x7c: {  	_ =	shalt  }
0x7d: {  	_ =	shalt  }
0x7e: {  	_ =	shalt  }
0x7f: {  	_ =	shalt  }
0x80: {  	_ =	shalt  }
0x81: {  	_ =	shalt  }
0x82: {  	_ =	shalt  }
0x83: {  	_ =	shalt  }
0x84: {  	_ =	shalt  }
0x85: {  	_ =	shalt  }
0x86: {  	_ =	shalt  }
0x87: {  	_ =	shalt  }
.Lfunc_end0:
.L_simem_size_0:
called_computation_lowered:
.L_overlay_start_0:
0x88: {  	s2 =	sld [smem:$0x3FD9]  }
0x89: {  	s3 =	sld [smem:$0x3FFE];
	_ =	sdelay $0x1  }
0x8a: {  	s1 =	srdreg.scid  }
0x8b: {  	s0 =	sand.u32 $0x1, s1  }
0x8c: {  	s17 =	sshll.u32 s0, $0xA;
	s2 =	sadd.s32 s3, s2  }
0x8d: {  	s2 =	sadd.s32 s2, s17  }
0x8e: {  	[smem:$0x3FC1] =	sst s2  }
0x8f: {  	_ = 	snop  }
0x90: {  	s2 =	sld [smem:$0x3FC7]  }
0x91: {  	s18 =	sld [smem:$0x3FD0];
	(tm) =	ssettm $0x1  }
0x92: {  	s4 =	sld [smem:$0x3FFB];
	_ =	sdelay $0x3  }
0x93: {  	_ =	strace s4  }
0x94: {  	s4 =	sld [smem:$0x3FFC];
	_ =	sdelay $0x3  }
0x95: {  	_ =	strace s4  }
0x96: {  	s4 =	sld [smem:$0x3FFD];
	_ =	sdelay $0x3  }
0x97: {  	_ =	strace s4  }
0x98: {  	_ =	strace $0x8FFFFFFF  }
0x99: {  	s19 =	sld [smem:$0x3FDB];
	_ =	sdelay $0x1  }
0x9a: {  	s5 =	simm.s32 $_scs_section_size  }
0x9b: {  	s6 =	simm.s32 $_size__tile_overlayer_lowered;
	s7 =	simm.s32 $_tile_overlayer_lowered  }
0x9c: {  	s22 =	simm.s32 $0x1BFF;
	s21 =	sshll.u32 s7, $0x1;
	s4 =	sadd.s32 s5, s19  }
0x9d: {  	s8 =	simm.s32 $0x0;
	s20 =	sshll.u32 s6, $0x1;
	s6 =	sadd.s32 s21, s4  }
0x9e: {  	[timem:s8], [sflag:s22] =	dma.local [hbm:s6], s20  }
0x9f: {  	_ =	swait.ge [sflag:s22], s20  }
0xa0: {  	s5 =	ssub.s32 $0x0, s20;
	[sflag:s22] =	ssyncset.done $0x0  }
0xa1: {  	[sflag:s22] =	ssyncadd.s32 s5;
	_ =	sdelay $0x1  }
0xa2: {  	s23 =	simm.s32 $0x1B8B  }
0xa3: {  	_ =	swait.ge [sflag:s23], $0x1  }
0xa4: {  	[sflag:s23] =	ssyncset.done $0x0  }
0xa5: {  	s25 =	simm.s32 $0x1B8E;
	s24 =	sld [smem:$0x3FFE];
	[sflag:s23] =	ssyncadd.s32 $0xFFFFFFFF  }
0xa6: {  	s26 =	simm.s32 $execute0_lowered;
	[smem:$0x3FD2] =	sst s25  }
0xa7: {  	s6 =	sshll.u32 s26, $0x1;
	_ =	strace $0x80000046;
	[dreg:$0x1] =	wrdreg $0xFFFFFFFF  }
0xa8: {  	s28 =	simm.s32 $_size_execute0_lowered;
	s4 =	sadd.s32 s4, s6;
	[dreg:$0x0] =	wrdreg $0x0  }
0xa9: {  	s6 =	sshll.u32 s28, $0x1;
	[dreg:$0x2] =	wrdreg s4  }
0xaa: {  	[dreg:$0x3] =	wrdreg s6  }
0xab: {  	[dreg:$0x4] =	wrdreg $0xC0  }
0xac: {  	_ =	task [dreg:s8], $0x5FFFF  }
0xad: {  	[dreg:$0x1] =	wrdreg $0xFFFFFFFF  }
0xae: {  	[dreg:$0x0] =	wrdreg $0x60  }
0xaf: {  	[dreg:$0x2] =	wrdreg s18  }
0xb0: {  	[dreg:$0x3] =	wrdreg s2  }
0xb1: {  	[dreg:$0x4] =	wrdreg s24  }
0xb2: {  	[dreg:$0x5] =	wrdreg $0x30000  }
0xb3: {  	[dreg:$0x6] =	wrdreg $0x9  }
0xb4: {  	_ =	task.clear_ibuf [dreg:s8], $0x7FFFF;
	_ =	strace $0x90000046  }
0xb5: {  	s29 =	simm.s32 $0x9;
	_ =	strace $0x80000048  }
0xb6: {  	_ =	swait.ge [sflag:s29], $0x1  }
0xb7: {  	[sflag:s29] =	ssyncadd.s32 $0xFFFFFFFF  }
0xb8: {  	_ =	strace $0x90000048  }
0xb9: {  	_ =	sfence  }
0xba: {  	s30 =	sld [smem:$0x0];
	_ =	sdelay $0x2  }
0xbb: {  	s31 =	sshll.u32 s1, $0xD;
	s1 =	sshrl.u32 s1, $0x2  }
0xbc: {  	s3 =	sand.u32 $0x4000, s31;
	s1 =	sadd.s32 s1, s30  }
0xbd: {  	s0 =	sor.u32 s3, s0;
	s1 =	sshll.u32 s1, $0x11  }
0xbe: {  	s0 =	sor.u32 s1, s0  }
0xbf: {  	s0 =	sadd.s32 $0x8F2B, s0  }
0xc0: {  	[sflag:s0] =	ssyncadd.remote.s32 $0x1  }
0xc1: {  	_ =	sfence.sel $0xFFFF  }
0xc2: {  	[dreg:$0x0] =	wrdreg $0xFFFFFFFF;
	(pc) =	sbr.abs _section_cstart, $3  }
0xc3: {  	[dreg:$0x1] =	wrdreg $0xFFFFFFFF  }
0xc4: {  	_ =	task.clear_ibuf [dreg:s8], $0x2FFFF;
	_ =	strace $0x9FFFFFFF  }
0xc5: {  	(tm) =	ssettm $0x7FFFFFFF  }
tec
execute0_lowered:
.L_overlay_start_1:
0x0: {  	(tag) =	ssettag $0x1  }
0x1: {  	s0 =	rddreg [dreg:$0x0]  }
0x2: {  	s7 =	rddreg [dreg:$0x1]  }
0x3: {  	s4 =	rddreg [dreg:$0x2]  }
0x4: {  	s2 =	rddreg [dreg:$0x3];
	s5 =	srdreg.scid;
	s3 =	simm.s32 $0x0  }
0x5: {  	s1 =	stileid.u32;
	s14 =	simm.s32 $0x800;
	s15 =	simm.s32 $0x1000  }
0x6: {  	s16 =	simm.s32 $0x1;
	s17 =	simm.s32 $0x2;
	s18 =	simm.s32 $0x3  }
0x7: {  	s19 =	simm.s32 $0x80;
	s28 =	simm.s32 $0xE00;
	s29 =	simm.s32 $0xA00  }
0x8: {  	s30 =	simm.s32 $0xE80;
	s31 =	simm.s32 $0xA80;
	s13 =	simm.s32 $0xB00  }
0x9: {  	s20 =	simm.s32 $0xF80;
	s23 =	simm.s32 $0x0;
	s11 =	sand.u32 $0x1, s5  }
0xa: {  	[smem:$0x7FF] =	sst s3;
	s6 =	sshll.u32 s1, $0xF;
	s9 =	sshll.u32 s1, $0x7  }
0xb: {  	s26 =	sshll.u32 s1, $0x4;
	s5 =	sshll.u32 s11, $0x13;
	_ =	strace $0x80000047  }
0xc: {  	s8 =	ssub.s32 $0x2, s11;
	s7 =	sadd.s32 s7, s9;
	s21 =	sshll.u32 s11, $0x9  }
0xd: {  	s22 =	sor.u32 $0x80000, s26;
	s26 =	simm.s32 $0x980;
	s5 =	sor.u32 s6, s5  }
0xe: {  	s24 =	sshrl.u32 s8, $0x1;
	s6 =	sadd.s32 s6, s2;
	v0 =	vmov s21;
	s21 =	simm.s32 $0xB80  }
0xf: {  	v1 =	vmov s22;
	s22 =	simm.s32 $0x4;
	s5 =	sshrl.u32 s5, $0x3;
	s25 =	ssub.s32 s8, s24  }
0x10: {  	s8 =	sadd.s32 $0x2000, s6;
	s10 =	sadd.s32 $0x6000, s6;
	s12 =	sadd.s32 s5, s4  }
0x11: {  	s4 =	sadd.s32 s0, s9;
	s9 =	sadd.s32 $0x4000, s6;
	s0 =	simm.s32 $0xF00  }
0x12: {  	v2 =	vimm.f32 $0.0e+00;
	s5 =	sadd.s32 $0x800, s4;
	s11 =	sadd.s32 $0xE00, s12;
	s12 =	smax.u32 s25, $0x1  }
.LBB2_1:
0x13: {  	[tilespmem:s3], [sflag:$0x1] =	stream.linear.gather [hbm4b:s4+s3], $0x400, $0x38;
	[tilespmem:$0xB010] =	vst v63  }
0x14: {  	s24 =	simm.s32 $0x400  }
0x15: {  	[tilespmem:s24], [sflag:$0x1] =	stream.linear.gather [hbm4b:s5+s3], $0x400, $0x38;
	[tilespmem:$0xB010] =	vst v63  }
0x16: {  	s25 =	simm.s32 $0x0;
	s24 =	simm.s32 $0x40  }
0x17: {  	[tilespmem:s14], [sflag:$0x2] =	stream.linear.gather [hbm4b:s7+s3], $0x400, $0x38;
	[tilespmem:$0xB010] =	vst v63  }
.LBB2_2:
0x18: {  	p0 =	sne.s32 s24, $0x7FC0;
	[tilespmem:s25+$0x1000] =	vst v2;
	s25 =	smov.u32 s24;
	s24 =	sadd.s32 $0x40, s24  }
.Ltmp0:
0x19: {  	(pc) =	sbr.rel @p0 .LBB2_2-.Ltmp0, $2  }
0x1a: {  	_ =	sdelay $0x2  }
0x1b: {  	s25 =	sshra.s32 s25, $0x2  }
0x1c: {  	[tilespmem:s25+$0x1000] =	vst v2  }
0x1d: {  	[spmem:s6] =	stream.linear.scatter [tilespmem:s15], [sflag:$0x3], $0x2000, $0x38;
	[tilespmem:$0xB010] =	vst v63  }
0x1e: {  	_ = 	snop  }
0x1f: {  	[spmem:s8] =	stream.linear.scatter [tilespmem:s15], [sflag:$0x3], $0x2000, $0x38;
	[tilespmem:$0xB010] =	vst v63  }
0x20: {  	_ = 	snop  }
0x21: {  	[spmem:s9] =	stream.linear.scatter [tilespmem:s15], [sflag:$0x3], $0x2000, $0x38;
	[tilespmem:$0xB010] =	vst v63  }
0x22: {  	_ = 	snop  }
0x23: {  	[spmem:s10] =	stream.linear.scatter [tilespmem:s15], [sflag:$0x3], $0x2000, $0x38;
	[tilespmem:$0xB010] =	vst v63  }
0x24: {  	_ =	swait.ge [sflag:s16], $0x400  }
0x25: {  	[sflag:s16] =	ssyncset.done $0x0  }
0x26: {  	[sflag:s16] =	ssyncadd.s32 $0xFFFFFC00  }
0x27: {  	_ =	swait.ge [sflag:s16], $0x400  }
0x28: {  	[sflag:s16] =	ssyncset.done $0x0  }
0x29: {  	[sflag:s16] =	ssyncadd.s32 $0xFFFFFC00  }
0x2a: {  	v3 =	vld [tilespmem:$0x0]  }
0x2b: {  	v4 =	vld [tilespmem:$0x400]  }
0x2c: {  	v5 =	vld [tilespmem:$0x10]  }
0x2d: {  	v6 =	vld [tilespmem:$0x410]  }
0x2e: {  	v7 =	vld [tilespmem:$0x20]  }
0x2f: {  	v8 =	vld [tilespmem:$0x420]  }
0x30: {  	v9 =	vld [tilespmem:$0x30]  }
0x31: {  	v10 =	vld [tilespmem:$0x430]  }
0x32: {  	v11 =	vld [tilespmem:$0x40]  }
0x33: {  	v12 =	vld [tilespmem:$0x440]  }
0x34: {  	v13 =	vld [tilespmem:$0x50]  }
0x35: {  	v14 =	vld [tilespmem:$0x450]  }
0x36: {  	v15 =	vld [tilespmem:$0x60]  }
0x37: {  	v16 =	vld [tilespmem:$0x460]  }
0x38: {  	v17 =	vld [tilespmem:$0x70]  }
0x39: {  	v18 =	vld [tilespmem:$0x470]  }
0x3a: {  	v19 =	vld [tilespmem:$0x80]  }
0x3b: {  	v20 =	vld [tilespmem:$0x480]  }
0x3c: {  	v21 =	vld [tilespmem:$0x90]  }
0x3d: {  	v22 =	vld [tilespmem:$0x490]  }
0x3e: {  	v23 =	vld [tilespmem:$0xA0]  }
0x3f: {  	v24 =	vld [tilespmem:$0x4A0]  }
0x40: {  	v25 =	vld [tilespmem:$0xB0]  }
0x41: {  	v26 =	vld [tilespmem:$0x4B0]  }
0x42: {  	v27 =	vld [tilespmem:$0xC0]  }
0x43: {  	v28 =	vld [tilespmem:$0x4C0]  }
0x44: {  	v29 =	vld [tilespmem:$0xD0]  }
0x45: {  	v31 =	vld [tilespmem:$0x4D0];
	v3 =	vsub.s32 v3, v0  }
0x46: {  	v32 =	vld [tilespmem:$0x4E0];
	v5 =	vsub.s32 v5, v0;
	v45 =	vsub.s32 v7, v0;
	v47 =	vsub.s32 v9, v0  }
0x47: {  	v33 =	vld [tilespmem:$0xF0];
	v49 =	vsub.s32 v11, v0;
	v51 =	vsub.s32 v13, v0;
	v53 =	vsub.s32 v15, v0  }
0x48: {  	v34 =	vld [tilespmem:$0x4F0];
	v55 =	vsub.s32 v17, v0;
	v57 =	vsub.s32 v19, v0;
	v59 =	vsub.s32 v21, v0  }
0x49: {  	v35 =	vld [tilespmem:$0x100];
	v61 =	vsub.s32 v23, v0;
	v63 =	vsub.s32 v25, v0;
	v21 =	vsub.s32 v27, v0  }
0x4a: {  	v36 =	vld [tilespmem:$0x500];
	v25 =	vsub.s32 v29, v0;
	v30 =	vshll.u32 v3, $0xA;
	vm0 =	vlt.u32 v3, $0x200  }
0x4b: {  	v37 =	vld [tilespmem:$0x110];
	v44 =	vshll.u32 v5, $0xA;
	vm14 =	vlt.u32 v5, $0x200;
	v46 =	vshll.u32 v45, $0xA  }
0x4c: {  	v38 =	vld [tilespmem:$0x510];
	vm15 =	vlt.u32 v45, $0x200;
	v48 =	vshll.u32 v47, $0xA;
	vm1 =	vlt.u32 v47, $0x200  }
0x4d: {  	v39 =	vld [tilespmem:$0x120];
	v50 =	vshll.u32 v49, $0xA;
	vm4 =	vlt.u32 v49, $0x200;
	v52 =	vshll.u32 v51, $0xA  }
0x4e: {  	v40 =	vld [tilespmem:$0x520];
	vm5 =	vlt.u32 v51, $0x200;
	v54 =	vshll.u32 v53, $0xA;
	vm6 =	vlt.u32 v53, $0x200  }
0x4f: {  	v41 =	vld [tilespmem:$0x130];
	v56 =	vshll.u32 v55, $0xA;
	vm7 =	vlt.u32 v55, $0x200;
	v58 =	vshll.u32 v57, $0xA  }
0x50: {  	v43 =	vld [tilespmem:$0x140];
	vm8 =	vlt.u32 v57, $0x200;
	v60 =	vshll.u32 v59, $0xA;
	vm9 =	vlt.u32 v59, $0x200  }
0x51: {  	v42 =	vld [tilespmem:$0x530];
	v62 =	vshll.u32 v61, $0xA;
	vm10 =	vlt.u32 v61, $0x200;
	vm11 =	vlt.u32 v63, $0x200  }
0x52: {  	v23 =	vld [tilespmem:$0x550];
	vm12 =	vlt.u32 v21, $0x200;
	v47 =	vshll.u32 v25, $0xA;
	vm13 =	vlt.u32 v25, $0x200  }
0x53: {  	v27 =	vld [tilespmem:$0x170];
	v4 =	vadd.s32 v4, v30;
	v5 =	vadd.s32 v10, v48;
	v9 =	vadd.s32 v14, v52  }
0x54: {  	v29 =	vld [tilespmem:$0x580];
	v11 =	vadd.s32 v22, v60;
	v22 =	vshll.u32 v21, $0xA;
	v52 =	vsub.s32 v35, v0  }
0x55: {  	v45 =	vld [tilespmem:$0x150];
	v60 =	vsub.s32 v43, v0;
	v3 =	vsel vm0, v4, v1;
	v4 =	vadd.s32 v6, v44  }
0x56: {  	v30 =	vld [tilespmem:$0xE0];
	v6 =	vadd.s32 v8, v46;
	v5 =	vsel vm1, v5, v1;
	v8 =	vadd.s32 v16, v54  }
0x57: {  	v35 =	vld [tilespmem:$0x5B0];
	v10 =	vsel vm5, v9, v1;
	v9 =	vadd.s32 v18, v56;
	v11 =	vsel vm9, v11, v1  }
0x58: {  	v43 =	vld [tilespmem:$0x5E0];
	v14 =	vadd.s32 v28, v22;
	v53 =	vshll.u32 v52, $0xA;
	v54 =	vsub.s32 v37, v0  }
0x59: {  	v44 =	vld [tilespmem:$0x540];
	v56 =	vsub.s32 v39, v0;
	v61 =	vshll.u32 v60, $0xA;
	v4 =	vsel vm14, v4, v1  }
0x5a: {  	v46 =	vld [tilespmem:$0x160];
	v7 =	vsel vm15, v6, v1;
	v6 =	vadd.s32 v12, v50;
	v8 =	vsel vm6, v8, v1  }
0x5b: {  	v28 =	vld [tilespmem:$0x180];
	v9 =	vsel vm7, v9, v1;
	v12 =	vadd.s32 v20, v58;
	v20 =	vshll.u32 v63, $0xA  }
0x5c: {  	v37 =	vld [tilespmem:$0x5C0];
	v14 =	vsel vm12, v14, v1;
	v50 =	vsub.s32 v33, v0;
	v55 =	vshll.u32 v54, $0xA  }
0x5d: {  	v39 =	vld [tilespmem:$0x5D0];
	vm5 =	vlt.u32 v54, $0x200;
	v57 =	vshll.u32 v56, $0xA;
	vm6 =	vlt.u32 v56, $0x200  }
0x5e: {  	v33 =	vld [tilespmem:$0x5A0];
	v58 =	vsub.s32 v41, v0;
	v6 =	vsel vm4, v6, v1;
	v13 =	vsel vm8, v12, v1  }
0x5f: {  	[tilespmem:$0xC50] =	vst v10;
	v10 =	vld [tilespmem:$0x660];
	v12 =	vadd.s32 v24, v62;
	v15 =	vadd.s32 v26, v20;
	v51 =	vshll.u32 v50, $0xA  }
0x60: {  	v24 =	vld [tilespmem:$0x560];
	vm15 =	vlt.u32 v50, $0x200;
	vm4 =	vlt.u32 v52, $0x200;
	v21 =	vadd.s32 v38, v55  }
0x61: {  	v26 =	vld [tilespmem:$0x570];
	v20 =	vadd.s32 v40, v57;
	v59 =	vshll.u32 v58, $0xA;
	vm7 =	vlt.u32 v58, $0x200  }
0x62: {  	v38 =	vld [tilespmem:$0x1D0];
	vm8 =	vlt.u32 v60, $0x200;
	v27 =	vsub.s32 v27, v0;
	v12 =	vsel vm10, v12, v1  }
0x63: {  	v40 =	vld [tilespmem:$0x1E0];
	v16 =	vsel vm11, v15, v1;
	v15 =	vadd.s32 v31, v47;
	v17 =	vadd.s32 v34, v51  }
0x64: {  	v31 =	vld [tilespmem:$0x590];
	v22 =	vsel vm5, v21, v1;
	v20 =	vsel vm6, v20, v1;
	v21 =	vadd.s32 v42, v59  }
0x65: {  	v34 =	vld [tilespmem:$0x1B0];
	v62 =	vsub.s32 v45, v0;
	v50 =	vshll.u32 v27, $0xA;
	vm11 =	vlt.u32 v27, $0x200  }
0x66: {  	v45 =	vld [tilespmem:$0x5F0];
	v48 =	vsub.s32 v30, v0;
	v15 =	vsel vm13, v15, v1;
	v17 =	vsel vm15, v17, v1  }
0x67: {  	v47 =	vld [tilespmem:$0x210];
	v21 =	vsel vm7, v21, v1;
	v63 =	vshll.u32 v62, $0xA;
	vm9 =	vlt.u32 v62, $0x200  }
0x68: {  	v42 =	vld [tilespmem:$0x610];
	v49 =	vshll.u32 v48, $0xA;
	vm14 =	vlt.u32 v48, $0x200;
	v41 =	vadd.s32 v44, v61  }
0x69: {  	[tilespmem:$0xC80] =	vst v13;
	v13 =	vld [tilespmem:$0x280];
	v23 =	vadd.s32 v23, v63;
	v48 =	vsub.s32 v46, v0;
	v28 =	vsub.s32 v28, v0  }
0x6a: {  	v30 =	vld [tilespmem:$0x190];
	v18 =	vadd.s32 v32, v49;
	v25 =	vsel vm8, v41, v1;
	v23 =	vsel vm9, v23, v1  }
0x6b: {  	[tilespmem:$0xCB0] =	vst v16;
	v16 =	vld [tilespmem:$0x6A0];
	v49 =	vshll.u32 v48, $0xA;
	vm10 =	vlt.u32 v48, $0x200;
	v51 =	vshll.u32 v28, $0xA  }
0x6c: {  	v44 =	vld [tilespmem:$0x1F0];
	vm12 =	vlt.u32 v28, $0x200;
	v19 =	vsel vm14, v18, v1;
	v18 =	vadd.s32 v36, v53  }
0x6d: {  	v46 =	vld [tilespmem:$0x200];
	v24 =	vadd.s32 v24, v49;
	v26 =	vadd.s32 v26, v50;
	v27 =	vadd.s32 v29, v51  }
0x6e: {  	v32 =	vld [tilespmem:$0x1A0];
	v61 =	vsub.s32 v38, v0;
	v63 =	vsub.s32 v40, v0;
	v18 =	vsel vm4, v18, v1  }
0x6f: {  	v41 =	vld [tilespmem:$0x600];
	v24 =	vsel vm10, v24, v1;
	v34 =	vsub.s32 v34, v0;
	v62 =	vshll.u32 v61, $0xA  }
0x70: {  	v48 =	vld [tilespmem:$0x620];
	vm5 =	vlt.u32 v61, $0x200;
	v40 =	vshll.u32 v63, $0xA;
	vm6 =	vlt.u32 v63, $0x200  }
0x71: {  	v28 =	vld [tilespmem:$0x650];
	v50 =	vsub.s32 v47, v0;
	v13 =	vsub.s32 v13, v0;
	v52 =	vsub.s32 v30, v0  }
0x72: {  	[tilespmem:$0xC20] =	vst v7;
	v36 =	vld [tilespmem:$0x1C0];
	v30 =	vsel vm11, v26, v1;
	v26 =	vsel vm12, v27, v1;
	v56 =	vshll.u32 v34, $0xA  }
0x73: {  	[tilespmem:$0xC40] =	vst v6;
	v53 =	vld [tilespmem:$0x220];
	vm15 =	vlt.u32 v34, $0x200;
	v6 =	vadd.s32 v39, v62;
	v7 =	vadd.s32 v43, v40  }
0x74: {  	v49 =	vld [tilespmem:$0x630];
	v51 =	vshll.u32 v50, $0xA;
	vm9 =	vlt.u32 v50, $0x200;
	v54 =	vshll.u32 v52, $0xA  }
0x75: {  	[tilespmem:$0xC60] =	vst v8;
	v29 =	vld [tilespmem:$0x690];
	vm13 =	vlt.u32 v52, $0x200;
	v57 =	vadd.s32 v35, v56;
	v43 =	vsub.s32 v44, v0  }
0x76: {  	[tilespmem:$0xCE0] =	vst v19;
	v19 =	vld [tilespmem:$0x6B0];
	v6 =	vsel vm5, v6, v1;
	v7 =	vsel vm6, v7, v1;
	v8 =	vadd.s32 v42, v51  }
0x77: {  	[tilespmem:$0xC10] =	vst v4;
	v47 =	vld [tilespmem:$0x2E0];
	v27 =	vadd.s32 v31, v54;
	v55 =	vsub.s32 v32, v0;
	v4 =	vsel vm15, v57, v1  }
0x78: {  	v34 =	vld [tilespmem:$0x250];
	v44 =	vshll.u32 v43, $0xA;
	vm7 =	vlt.u32 v43, $0x200;
	v8 =	vsel vm9, v8, v1  }
0x79: {  	v39 =	vld [tilespmem:$0x680];
	v27 =	vsel vm13, v27, v1;
	v32 =	vshll.u32 v55, $0xA;
	vm14 =	vlt.u32 v55, $0x200  }
0x7a: {  	[tilespmem:$0xC70] =	vst v9;
	v35 =	vld [tilespmem:$0x270];
	v58 =	vsub.s32 v36, v0;
	v9 =	vadd.s32 v45, v44;
	v45 =	vsub.s32 v46, v0  }
0x7b: {  	[tilespmem:$0xC00] =	vst v3;
	v52 =	vld [tilespmem:$0x290];
	v53 =	vsub.s32 v53, v0;
	v3 =	vadd.s32 v33, v32;
	v59 =	vshll.u32 v58, $0xA  }
0x7c: {  	[tilespmem:$0xC30] =	vst v5;
	v42 =	vld [tilespmem:$0x2D0];
	vm4 =	vlt.u32 v58, $0x200;
	v9 =	vsel vm7, v9, v1;
	v46 =	vshll.u32 v45, $0xA  }
0x7d: {  	[tilespmem:$0xC90] =	vst v11;
	v31 =	vld [tilespmem:$0x230];
	vm8 =	vlt.u32 v45, $0x200;
	v54 =	vshll.u32 v53, $0xA;
	vm10 =	vlt.u32 v53, $0x200  }
0x7e: {  	[tilespmem:$0xCC0] =	vst v14;
	v50 =	vld [tilespmem:$0x2F0];
	v3 =	vsel vm14, v3, v1;
	v60 =	vadd.s32 v37, v59;
	v11 =	vadd.s32 v41, v46  }
0x7f: {  	[tilespmem:$0xCA0] =	vst v12;
	v51 =	vld [tilespmem:$0x6F0];
	v14 =	vadd.s32 v48, v54;
	v62 =	vsub.s32 v34, v0;
	v5 =	vsel vm4, v60, v1  }
0x80: {  	[tilespmem:$0xD10] =	vst v22;
	v36 =	vld [tilespmem:$0x260];
	v11 =	vsel vm8, v11, v1;
	v14 =	vsel vm10, v14, v1;
	v63 =	vshll.u32 v62, $0xA  }
0x81: {  	[tilespmem:$0xD20] =	vst v20;
	v55 =	vld [tilespmem:$0x2A0];
	vm13 =	vlt.u32 v62, $0x200;
	v44 =	vsub.s32 v35, v0;
	vm4 =	vlt.u32 v13, $0x200  }
0x82: {  	[tilespmem:$0xCD0] =	vst v15;
	v32 =	vld [tilespmem:$0x240];
	v12 =	vsub.s32 v52, v0;
	v22 =	vsub.s32 v42, v0;
	v56 =	vsub.s32 v31, v0  }
0x83: {  	[tilespmem:$0xCF0] =	vst v17;
	v33 =	vld [tilespmem:$0x640];
	v40 =	vadd.s32 v28, v63;
	v46 =	vshll.u32 v44, $0xA;
	vm15 =	vlt.u32 v44, $0x200  }
0x84: {  	[tilespmem:$0xD30] =	vst v21;
	v45 =	vld [tilespmem:$0x6D0];
	v52 =	vshll.u32 v12, $0xA;
	vm5 =	vlt.u32 v12, $0x200;
	vm9 =	vlt.u32 v22, $0x200  }
0x85: {  	[tilespmem:$0xD90] =	vst v27;
	v27 =	vld [tilespmem:$0x790];
	v57 =	vshll.u32 v56, $0xA;
	vm11 =	vlt.u32 v56, $0x200;
	v41 =	vsub.s32 v36, v0  }
0x86: {  	[tilespmem:$0xD80] =	vst v26;
	v37 =	vld [tilespmem:$0x670];
	v20 =	vsel vm13, v40, v1;
	v53 =	vsub.s32 v55, v0;
	v26 =	vadd.s32 v29, v52  }
0x87: {  	[tilespmem:$0xD40] =	vst v25;
	v59 =	vld [tilespmem:$0x2B0];
	v36 =	vsub.s32 v47, v0;
	v58 =	vsub.s32 v32, v0;
	v60 =	vadd.s32 v49, v57  }
0x88: {  	[tilespmem:$0xD50] =	vst v23;
	v48 =	vld [tilespmem:$0x6E0];
	v43 =	vshll.u32 v41, $0xA;
	vm14 =	vlt.u32 v41, $0x200;
	v49 =	vshll.u32 v13, $0xA  }
0x89: {  	[tilespmem:$0xD00] =	vst v18;
	v54 =	vld [tilespmem:$0x300];
	v55 =	vshll.u32 v53, $0xA;
	vm6 =	vlt.u32 v53, $0x200;
	v38 =	vshll.u32 v36, $0xA  }
0x8a: {  	[tilespmem:$0xD60] =	vst v24;
	v35 =	vld [tilespmem:$0x330];
	vm10 =	vlt.u32 v36, $0x200;
	v41 =	vsub.s32 v50, v0;
	v61 =	vshll.u32 v58, $0xA  }
0x8b: {  	[tilespmem:$0xD70] =	vst v30;
	v31 =	vld [tilespmem:$0x2C0];
	vm12 =	vlt.u32 v58, $0x200;
	v17 =	vsel vm11, v60, v1;
	v10 =	vadd.s32 v10, v43  }
0x8c: {  	[tilespmem:$0xDA0] =	vst v3;
	v56 =	vld [tilespmem:$0x700];
	v18 =	vadd.s32 v37, v46;
	v24 =	vadd.s32 v39, v49;
	v3 =	vadd.s32 v16, v55  }
0x8d: {  	[tilespmem:$0xDD0] =	vst v6;
	v29 =	vld [tilespmem:$0x320];
	v57 =	vsub.s32 v59, v0;
	v59 =	vsel vm5, v26, v1;
	v40 =	vadd.s32 v48, v38  }
0x8e: {  	[tilespmem:$0xDE0] =	vst v7;
	v32 =	vld [tilespmem:$0x720];
	v43 =	vshll.u32 v41, $0xA;
	v44 =	vsub.s32 v54, v0;
	vm11 =	vlt.u32 v41, $0x200  }
0x8f: {  	[tilespmem:$0xDB0] =	vst v4;
	v58 =	vld [tilespmem:$0x310];
	v15 =	vadd.s32 v33, v61;
	v10 =	vsel vm14, v10, v1;
	v18 =	vsel vm15, v18, v1  }
0x90: {  	[tilespmem:$0xE10] =	vst v8;
	v37 =	vld [tilespmem:$0x730];
	v24 =	vsel vm4, v24, v1;
	v3 =	vsel vm6, v3, v1;
	v60 =	vshll.u32 v57, $0xA  }
0x91: {  	[tilespmem:$0xDF0] =	vst v9;
	v39 =	vld [tilespmem:$0x340];
	vm7 =	vlt.u32 v57, $0x200;
	v8 =	vsel vm10, v40, v1;
	v13 =	vadd.s32 v51, v43  }
0x92: {  	[tilespmem:$0xDC0] =	vst v5;
	v49 =	vld [tilespmem:$0x360];
	v46 =	vshll.u32 v44, $0xA;
	v12 =	vsub.s32 v35, v0;
	v15 =	vsel vm12, v15, v1  }
0x93: {  	[tilespmem:$0xE00] =	vst v11;
	v54 =	vld [tilespmem:$0x370];
	v62 =	vadd.s32 v19, v60;
	v63 =	vsub.s32 v31, v0;
	vm12 =	vlt.u32 v44, $0x200  }
0x94: {  	[tilespmem:$0xE20] =	vst v14;
	v33 =	vld [tilespmem:$0x6C0];
	v13 =	vsel vm11, v13, v1;
	v57 =	vshll.u32 v12, $0xA;
	vm15 =	vlt.u32 v12, $0x200  }
0x95: {  	v42 =	vld [tilespmem:$0x740];
	[tilespmem:$0xE50] =	vst v20;
	v5 =	vsel vm7, v62, v1;
	v31 =	vshll.u32 v63, $0xA;
	v9 =	vadd.s32 v56, v46  }
0x96: {  	v38 =	vld [tilespmem:$0x3C0];
	[tilespmem:$0xE30] =	vst v17;
	vm8 =	vlt.u32 v63, $0x200;
	v53 =	vsub.s32 v29, v0;
	v9 =	vsel vm12, v9, v1  }
0x97: {  	v41 =	vld [tilespmem:$0x7C0];
	[tilespmem:$0xE90] =	vst v59;
	v55 =	vshll.u32 v53, $0xA;
	vm14 =	vlt.u32 v53, $0x200;
	v48 =	vsub.s32 v58, v0  }
0x98: {  	v43 =	vld [tilespmem:$0x3D0];
	[tilespmem:$0xE70] =	vst v18;
	v18 =	vadd.s32 v32, v55;
	v59 =	vadd.s32 v37, v57;
	v60 =	vsub.s32 v39, v0  }
0x99: {  	v61 =	vld [tilespmem:$0x710];
	[tilespmem:$0xE60] =	vst v10;
	v16 =	vsub.s32 v49, v0;
	v32 =	vsub.s32 v54, v0;
	v6 =	vadd.s32 v33, v31  }
0x9a: {  	v51 =	vld [tilespmem:$0x760];
	[tilespmem:$0xE80] =	vst v24;
	v33 =	vshll.u32 v22, $0xA;
	v50 =	vshll.u32 v48, $0xA;
	vm13 =	vlt.u32 v48, $0x200  }
0x9b: {  	[tilespmem:$0xEA0] =	vst v3;
	v56 =	vld [tilespmem:$0x770];
	v3 =	vsel vm14, v18, v1;
	v4 =	vsel vm15, v59, v1;
	v62 =	vshll.u32 v60, $0xA  }
0x9c: {  	[tilespmem:$0xEE0] =	vst v8;
	v63 =	vld [tilespmem:$0x390];
	vm4 =	vlt.u32 v60, $0x200;
	v30 =	vshll.u32 v16, $0xA;
	vm6 =	vlt.u32 v16, $0x200  }
0x9d: {  	[tilespmem:$0xE40] =	vst v15;
	v29 =	vld [tilespmem:$0x3A0];
	v34 =	vshll.u32 v32, $0xA;
	vm7 =	vlt.u32 v32, $0x200;
	v55 =	vsub.s32 v43, v0  }
0x9e: {  	[tilespmem:$0xEF0] =	vst v13;
	v58 =	vld [tilespmem:$0x380];
	v7 =	vadd.s32 v45, v33;
	v6 =	vsel vm8, v6, v1;
	v52 =	vadd.s32 v61, v50  }
0x9f: {  	[tilespmem:$0xEB0] =	vst v5;
	v48 =	vld [tilespmem:$0x3E0];
	v24 =	vadd.s32 v42, v62;
	v57 =	vshll.u32 v55, $0xA;
	v7 =	vsel vm9, v7, v1  }
0xa0: {  	[tilespmem:$0xF00] =	vst v9;
	v45 =	vld [tilespmem:$0x350];
	v10 =	vsel vm13, v52, v1;
	v5 =	vsel vm4, v24, v1;
	v36 =	vadd.s32 v56, v34  }
0xa1: {  	v61 =	vld [tilespmem:$0x780];
	v40 =	vsub.s32 v63, v0;
	vm13 =	vlt.u32 v55, $0x200;
	[tilespmem:$0xED0] =	vst v7;
	v7 =	vadd.s32 v51, v30  }
0xa2: {  	v33 =	vld [tilespmem:$0x3B0];
	[tilespmem:$0xF20] =	vst v3;
	v9 =	vsel vm7, v36, v1;
	v42 =	vshll.u32 v40, $0xA;
	vm9 =	vlt.u32 v40, $0x200  }
0xa3: {  	v46 =	vld [tilespmem:$0x7D0];
	[tilespmem:$0xF30] =	vst v4;
	v51 =	vsub.s32 v38, v0;
	v7 =	vsel vm6, v7, v1;
	v37 =	vsub.s32 v58, v0  }
0xa4: {  	[tilespmem:$0xEC0] =	vst v6;
	v44 =	vadd.s32 v27, v42;
	v53 =	vshll.u32 v51, $0xA;
	vm12 =	vlt.u32 v51, $0x200  }
0xa5: {  	v47 =	vld [tilespmem:$0x750];
	[tilespmem:$0xF10] =	vst v10;
	v39 =	vshll.u32 v37, $0xA;
	vm8 =	vlt.u32 v37, $0x200;
	v4 =	vsel vm9, v44, v1  }
0xa6: {  	v35 =	vld [tilespmem:$0x7B0];
	[tilespmem:$0xF40] =	vst v5;
	v54 =	vadd.s32 v41, v53;
	v58 =	vsub.s32 v48, v0;
	v26 =	vsub.s32 v45, v0  }
0xa7: {  	v31 =	vld [tilespmem:$0x7A0];
	[tilespmem:$0xF70] =	vst v9;
	v3 =	vadd.s32 v61, v39;
	v45 =	vsub.s32 v29, v0;
	v14 =	vsub.s32 v33, v0  }
0xa8: {  	v52 =	vld [tilespmem:$0x3F0];
	[tilespmem:$0xF90] =	vst v4;
	v59 =	vsel vm12, v54, v1;
	v4 =	vadd.s32 v46, v57;
	v60 =	vshll.u32 v58, $0xA  }
0xa9: {  	v50 =	vld [tilespmem:$0x7E0];
	[tilespmem:$0xF60] =	vst v7;
	vm14 =	vlt.u32 v58, $0x200;
	v28 =	vshll.u32 v26, $0xA;
	vm5 =	vlt.u32 v26, $0x200  }
0xaa: {  	v56 =	vld [tilespmem:$0x7F0];
	v3 =	vsel vm8, v3, v1;
	v49 =	vshll.u32 v14, $0xA;
	[tilespmem:$0xFC0] =	vst v59;
	v6 =	vadd.s32 v47, v28  }
0xab: {  	vm10 =	vlt.u32 v45, $0x200;
	vm11 =	vlt.u32 v14, $0x200;
	[tilespmem:$0xF80] =	vst v3;
	v6 =	vsel vm5, v6, v1  }
0xac: {  	v4 =	vsel vm13, v4, v1;
	v47 =	vshll.u32 v45, $0xA;
	[tilespmem:$0xF50] =	vst v6;
	v6 =	vadd.s32 v35, v49  }
0xad: {  	v61 =	vsub.s32 v52, v0;
	[tilespmem:$0xFD0] =	vst v4;
	v5 =	vadd.s32 v31, v47;
	v3 =	vsel vm11, v6, v1  }
0xae: {  	v62 =	vshll.u32 v61, $0xA;
	v5 =	vsel vm10, v5, v1;
	[tilespmem:$0xFB0] =	vst v3;
	v3 =	vadd.s32 v50, v60  }
0xaf: {  	vm15 =	vlt.u32 v61, $0x200;
	v63 =	vadd.s32 v56, v62;
	[tilespmem:$0xFA0] =	vst v5;
	v3 =	vsel vm14, v3, v1  }
0xb0: {  	[tilespmem:$0xFE0] =	vst v3;
	v3 =	vsel vm15, v63, v1  }
0xb1: {  	[tilespmem:$0xFF0] =	vst v3  }
0xb2: {  	_ =	swait.ge [sflag:s17], $0x400  }
0xb3: {  	[sflag:s17] =	ssyncset.done $0x0  }
0xb4: {  	[sflag:s17] =	ssyncadd.s32 $0xFFFFFC00  }
0xb5: {  	_ =	swait.ge [sflag:s18], $0x2000  }
0xb6: {  	[sflag:s18] =	ssyncset.done $0x0  }
0xb7: {  	[sflag:s18] =	ssyncadd.s32 $0xFFFFE000  }
0xb8: {  	_ =	swait.ge [sflag:s18], $0x2000  }
0xb9: {  	[sflag:s18] =	ssyncset.done $0x0  }
0xba: {  	[sflag:s18] =	ssyncadd.s32 $0xFFFFE000  }
0xbb: {  	_ =	swait.ge [sflag:s18], $0x2000  }
0xbc: {  	[sflag:s18] =	ssyncset.done $0x0  }
0xbd: {  	[sflag:s18] =	ssyncadd.s32 $0xFFFFE000  }
0xbe: {  	_ =	swait.ge [sflag:s18], $0x2000  }
0xbf: {  	[sflag:s18] =	ssyncset.done $0x0  }
0xc0: {  	[sflag:s18] =	ssyncadd.s32 $0xFFFFE000  }
0xc1: {  	s24 =	simm.s32 $0xC00;
	[bflag:$0x0] =	sbarrier.arrive $0xFFFF  }
0xc2: {  	[spmem:s2] =	stream.indirect.scatter.add.f32 [tilespmem:s14], [sflag:$0x2], $0x1, s24, s19, $0xb8;
	[tilespmem:$0xB010] =	vst v63  }
0xc3: {  	s25 =	simm.s32 $0x880;
	s24 =	simm.s32 $0xC80  }
0xc4: {  	[spmem:s2] =	stream.indirect.scatter.add.f32 [tilespmem:s25], [sflag:$0x2], $0x1, s24, s19, $0xb8;
	[tilespmem:$0xB010] =	vst v63  }
0xc5: {  	s24 =	simm.s32 $0xD00;
	s25 =	simm.s32 $0x900  }
0xc6: {  	[spmem:s2] =	stream.indirect.scatter.add.f32 [tilespmem:s25], [sflag:$0x2], $0x1, s24, s19, $0xb8;
	[tilespmem:$0xB010] =	vst v63  }
0xc7: {  	s25 =	simm.s32 $0xD80  }
0xc8: {  	[spmem:s2] =	stream.indirect.scatter.add.f32 [tilespmem:s26], [sflag:$0x2], $0x1, s25, s19, $0xb8;
	[tilespmem:$0xB010] =	vst v63  }
0xc9: {  	_ = 	snop  }
0xca: {  	[spmem:s2] =	stream.indirect.scatter.add.f32 [tilespmem:s29], [sflag:$0x2], $0x1, s28, s19, $0xb8;
	[tilespmem:$0xB010] =	vst v63  }
0xcb: {  	_ = 	snop  }
0xcc: {  	[spmem:s2] =	stream.indirect.scatter.add.f32 [tilespmem:s31], [sflag:$0x2], $0x1, s30, s19, $0xb8;
	[tilespmem:$0xB010] =	vst v63  }
0xcd: {  	_ = 	snop  }
0xce: {  	[spmem:s2] =	stream.indirect.scatter.add.f32 [tilespmem:s13], [sflag:$0x2], $0x1, s0, s19, $0xb8;
	[tilespmem:$0xB010] =	vst v63  }
0xcf: {  	_ = 	snop  }
0xd0: {  	[spmem:s2] =	stream.indirect.scatter.add.f32 [tilespmem:s21], [sflag:$0x2], $0x1, s20, s19, $0xb8;
	[tilespmem:$0xB010] =	vst v63  }
0xd1: {  	_ =	swait.ge [sflag:s17], $0x80  }
0xd2: {  	[sflag:s17] =	ssyncset.done $0x0  }
0xd3: {  	[sflag:s17] =	ssyncadd.s32 $0xFFFFFF80  }
0xd4: {  	_ =	swait.ge [sflag:s17], $0x80  }
0xd5: {  	[sflag:s17] =	ssyncset.done $0x0  }
0xd6: {  	[sflag:s17] =	ssyncadd.s32 $0xFFFFFF80  }
0xd7: {  	_ =	swait.ge [sflag:s17], $0x80  }
0xd8: {  	[sflag:s17] =	ssyncset.done $0x0  }
0xd9: {  	[sflag:s17] =	ssyncadd.s32 $0xFFFFFF80  }
0xda: {  	_ =	swait.ge [sflag:s17], $0x80  }
0xdb: {  	[sflag:s17] =	ssyncset.done $0x0  }
0xdc: {  	[sflag:s17] =	ssyncadd.s32 $0xFFFFFF80  }
0xdd: {  	_ =	swait.ge [sflag:s17], $0x80  }
0xde: {  	[sflag:s17] =	ssyncset.done $0x0  }
0xdf: {  	[sflag:s17] =	ssyncadd.s32 $0xFFFFFF80  }
0xe0: {  	_ =	swait.ge [sflag:s17], $0x80  }
0xe1: {  	[sflag:s17] =	ssyncset.done $0x0  }
0xe2: {  	[sflag:s17] =	ssyncadd.s32 $0xFFFFFF80  }
0xe3: {  	_ =	swait.ge [sflag:s17], $0x80  }
0xe4: {  	[sflag:s17] =	ssyncset.done $0x0  }
0xe5: {  	[sflag:s17] =	ssyncadd.s32 $0xFFFFFF80  }
0xe6: {  	_ =	swait.ge [sflag:s17], $0x80  }
0xe7: {  	s23 =	sadd.s32 $0x1, s23;
	s25 =	sshll.u32 s1, $0x6;
	[sflag:s17] =	ssyncset.done $0x0  }
0xe8: {  	p0 =	sne.s32 s23, s12;
	s24 =	sor.u32 $0x1C04, s25;
	[sflag:s17] =	ssyncadd.s32 $0xFFFFFF80  }
.Ltmp1:
0xe9: {  	s25 =	sshrl.u32 s6, $0x3;
	[bflag:$0x0] =	sbarrier.arrive $0xFFFF;
	(pc) =	sbr.rel @p0 .LBB2_1-.Ltmp1, $4  }
0xea: {  	[hbm:s11], [sflag:s24] =	dma.local [spmem:s25], $0x1000  }
0xeb: {  	_ =	swait.ge [sflag:s22], $0x1000  }
0xec: {  	[sflag:s22] =	ssyncset.done $0x0  }
0xed: {  	[sflag:s22] =	ssyncadd.s32 $0xFFFFF000  }
0xee: {  	_ =	sfence.sel $0x180000  }
0xef: {  	[bflag:$0x0] =	sbarrier.arrive $0xFFFF  }
0xf0: {  	_ =	strace $0x90000047  }
0xf1: {  	[bflag:$0x2] =	sbarrier.arrive $0xFFFF  }
0xf2: {  	p0 =	sne.s32 s1, $0x0;
	s0 =	rddreg [dreg:$0x4]  }
0xf3: {  	s0 =	sadd.s32 @!p0 $0x100000, s0  }
0xf4: {  	[sflag:s0] =	ssyncadd.tile.s32 @!p0 $0x1;
	_ =	shalt  }
.Lfunc_end2:
_tile_overlayer_lowered:
.L_overlay_start_2:
0xf5: {  	(tag) =	ssettag $0x2  }
0xf6: {  	s0 =	rddreg [dreg:$0x0];
	s2 =	stileid.u32  }
0xf7: {  	s1 =	rddreg [dreg:$0x1];
	p0 =	sne.s32 s2, $0x0  }
0xf8: {  	s3 =	rddreg [dreg:$0x2];
	[bflag:$0x3] =	sbarrier.arrive $0xFFFF;
	s2 =	simm.s32 @!p0 $0x1C04  }
0xf9: {  	[timem:s3], [sflag:s2] =	dma.local @!p0 [hbm:s0], s1  }
0xfa: {  	s0 =	simm.s32 @!p0 $0x4  }
0xfb: {  	_ =	swait.ge @!p0 [sflag:s0], s1  }
0xfc: {  	s1 =	ssub.s32 @!p0 $0x0, s1;
	[sflag:s0] =	ssyncset.done @!p0 $0x0  }
0xfd: {  	[sflag:s0] =	ssyncadd.s32 @!p0 s1  }
0xfe: {  	[bflag:$0x3] =	sbarrier.arrive $0xFFFF  }
0xff: {  	_ =	shalt  }

</sc_bundles>
